<compile_context>
chip_gen: v7x
topology: tpu7x:2x2x1
jax: 0.10.2.dev20260603
libtpu: 0.0.44.dev20260713+nightly
codegen_flags: <defaults>
</compile_context>

<pallas_src>
import functools

import jax
import jax.numpy as jnp
from jax import lax
from jax.experimental import pallas as pl
from jax.experimental.pallas import tpu as pltpu
from jax.experimental.pallas import tpu_sc as plsc

NC = 2
NS = 16
NW = NC * NS

_INV2PI = 0.15915493667125702
_CW1 = 6.28125
_CW2 = 0.0019350051879882812
_CW3 = 3.019916e-07
_COS_POLY = (1.0, -0.49999988079071045, 0.041666485369205475,
             -0.0013887776294723153, 2.4769300580373965e-05,
             -2.7073272690358863e-07, 1.7223942272437398e-09)


def _fcos(x):
    n = (x * _INV2PI + 12582912.0) - 12582912.0
    f = ((x - n * _CW1) - n * _CW2) - n * _CW3
    u = f * f
    acc = jnp.float32(_COS_POLY[-1])
    for c in _COS_POLY[-2::-1]:
        acc = acc * u + c
    return acc


def _wid():
    return lax.axis_index("s") * NC + lax.axis_index("c")


def _k1_body(mem_hbm, erf_hbm, pos2_hbm, eidx2_hbm, mempos_out, efeat_out,
             idx_v, rows_v, erows_v, sem):
    w = _wid()
    for j in range(2):
        pltpu.sync_copy(pos2_hbm.at[w * 2 + j], idx_v)
        pltpu.async_copy(mem_hbm.at[idx_v], rows_v, sem).wait()
        pltpu.sync_copy(rows_v, mempos_out.at[pl.ds((w * 2 + j) * 128, 128)])
    pltpu.sync_copy(eidx2_hbm.at[w], idx_v)
    pltpu.async_copy(erf_hbm.at[idx_v], erows_v, sem).wait()
    pltpu.sync_copy(erows_v, efeat_out.at[pl.ds(w * 128, 128)])


def _k2_body(a_ref, b_ref, ef_ref, et_ref, tw_ref, tb_ref,
             w1a_ref, w1b_ref, w1e_ref, w1t_ref, b1_ref, w2_ref, b2_ref,
             out_ref):
    a = a_ref[...]
    b = b_ref[...]
    ef = ef_ref[...]
    et = et_ref[...]
    tw = tw_ref[0:1, :]
    tb = tb_ref[0:1, :]
    tenc = _fcos(et * tw + tb)
    h = (jnp.dot(a, w1a_ref[...], preferred_element_type=jnp.float32)
         + jnp.dot(b, w1b_ref[...], preferred_element_type=jnp.float32)
         + jnp.dot(ef, w1e_ref[...], preferred_element_type=jnp.float32)
         + jnp.dot(tenc, w1t_ref[...], preferred_element_type=jnp.float32)
         + b1_ref[0:1, :])
    h = jnp.maximum(h, 0.0)
    out_ref[...] = (jnp.dot(h, w2_ref[...], preferred_element_type=jnp.float32)
                    + b2_ref[0:1, :])


def _k2b_body(pos_ref, out_ref, *, dump):
    p = pos_ref[...]
    eq = p[:, :, None] == p[:, None, :]
    i_idx = lax.broadcasted_iota(jnp.int32, (512, 16, 16), 1)
    k_idx = lax.broadcasted_iota(jnp.int32, (512, 16, 16), 2)
    dup_after = jnp.any(eq & (k_idx > i_idx), axis=2)
    out_ref[...] = jnp.where(dup_after, dump, p)


def _k3_body(sidx_hbm, pos_hbm, msg_hbm, msgwin_out,
             tag_v, sidx_v, posl_v, win_v, mrows_v, sem):
    w = _wid()
    pltpu.sync_copy(sidx_hbm, sidx_v)
    pltpu.sync_copy(pos_hbm.at[pl.ds(w * 256, 256)], posl_v)

    def build(g, c):
        idxv = sidx_v[pl.ds(g * 16, 16)]
        payload = g * 16 + lax.iota(jnp.int32, 16)
        plsc.store_scatter(tag_v, [idxv], payload)
        return c

    lax.fori_loop(0, 512, build, 0)

    for j in range(2):
        for t in range(8):
            pv = posl_v[pl.ds(j * 128 + t * 16, 16)]
            win_v[pl.ds(t * 16, 16)] = plsc.load_gather(tag_v, [pv])
        pltpu.async_copy(msg_hbm.at[win_v], mrows_v, sem).wait()
        pltpu.sync_copy(mrows_v,
                        msgwin_out.at[pl.ds(w * 256 + j * 128, 128)])


def _k4_body(x_ref, h_ref, wih_ref, whh_ref, bih_ref, bhh_ref, out_ref):
    x = x_ref[...]
    h = h_ref[...]
    gi = jnp.dot(x, wih_ref[...], preferred_element_type=jnp.float32) + bih_ref[0:1, :]
    gh = jnp.dot(h, whh_ref[...], preferred_element_type=jnp.float32) + bhh_ref[0:1, :]
    r = jax.nn.sigmoid(gi[:, 0:128] + gh[:, 0:128])
    z = jax.nn.sigmoid(gi[:, 128:256] + gh[:, 128:256])
    n = jnp.tanh(gi[:, 256:384] + r * gh[:, 256:384])
    out_ref[...] = (1.0 - z) * n + z * h


def _k5_body(upd_hbm, pos2_hbm, nm_ref, idx_v, rows_v, sem):
    w = _wid()
    for j in range(2):
        pltpu.sync_copy(pos2_hbm.at[w * 2 + j], idx_v)
        pltpu.sync_copy(upd_hbm.at[pl.ds((w * 2 + j) * 128, 128)], rows_v)
        pltpu.async_copy(rows_v, nm_ref.at[idx_v], sem).wait()


def _k6_body(nm_hbm, nodes2_hbm, nbr2_hbm, neidx2_hbm, erf_hbm,
             srcf_out, nbrf_out, nbref_out, idx_v, rows_v, erows_v, sem):
    w = _wid()
    for t in range(3):
        pltpu.sync_copy(nodes2_hbm.at[w * 3 + t], idx_v)
        pltpu.async_copy(nm_hbm.at[idx_v], rows_v, sem).wait()
        pltpu.sync_copy(rows_v, srcf_out.at[pl.ds((w * 3 + t) * 128, 128)])

    def body(t, c):
        pltpu.sync_copy(nbr2_hbm.at[w * 48 + t], idx_v)
        pltpu.async_copy(nm_hbm.at[idx_v], rows_v, sem).wait()
        pltpu.sync_copy(rows_v, nbrf_out.at[pl.ds((w * 48 + t) * 128, 128)])
        pltpu.sync_copy(neidx2_hbm.at[w * 48 + t], idx_v)
        pltpu.async_copy(erf_hbm.at[idx_v], erows_v, sem).wait()
        pltpu.sync_copy(erows_v, nbref_out.at[pl.ds((w * 48 + t) * 128, 128)])
        return c

    lax.fori_loop(0, 48, body, 0)


def _k7_body(srcf_ref, nbrf_ref, nbref_ref, nt_ref, ts_ref, tw_ref, tb_ref,
             wqs_ref, wqb_ref, wkm_ref, wkt_ref, wke_ref,
             wvm_ref, wvt_ref, wve_ref, wo_ref,
             f1o_ref, f1s_ref, f1b_ref, f2_ref, f2b_ref, out_ref):
    src = srcf_ref[...]
    nbrm = nbrf_ref[...]
    nbe = nbref_ref[...]
    nt = nt_ref[...]
    ts = ts_ref[...]
    tw = tw_ref[0:1, :]
    tb = tb_ref[0:1, :]

    delta3 = ts[:, None, :] - nt[:, :, None]
    tenc = _fcos(delta3 * tw[None] + tb[None]).reshape(2048, 128)

    k = (jnp.dot(nbrm, wkm_ref[...], preferred_element_type=jnp.float32)
         + jnp.dot(tenc, wkt_ref[...], preferred_element_type=jnp.float32)
         + jnp.dot(nbe, wke_ref[...], preferred_element_type=jnp.float32))
    v = (jnp.dot(nbrm, wvm_ref[...], preferred_element_type=jnp.float32)
         + jnp.dot(tenc, wvt_ref[...], preferred_element_type=jnp.float32)
         + jnp.dot(nbe, wve_ref[...], preferred_element_type=jnp.float32))
    qrow = jnp.dot(jnp.cos(tb), wqb_ref[...], preferred_element_type=jnp.float32)
    q = jnp.dot(src, wqs_ref[...], preferred_element_type=jnp.float32) + qrow

    qrep = jnp.broadcast_to(q[:, None, :], (128, 16, 128)).reshape(2048, 128)
    prod = qrep * k
    blk = ((lax.broadcasted_iota(jnp.int32, (128, 128), 0) < 64) ==
           (lax.broadcasted_iota(jnp.int32, (128, 128), 1) < 64))
    selw = jnp.where(blk, jnp.float32(0.125), jnp.float32(0.0))
    sw = jnp.dot(prod, selw, preferred_element_type=jnp.float32)
    ew = jnp.exp(sw)
    num = (ew * v).reshape(128, 16, 128).sum(axis=1)
    den = ew.reshape(128, 16, 128).sum(axis=1)
    wsum = num / den
    out = jnp.dot(wsum, wo_ref[...], preferred_element_type=jnp.float32)

    hmid = (jnp.dot(out, f1o_ref[...], preferred_element_type=jnp.float32)
            + jnp.dot(src, f1s_ref[...], preferred_element_type=jnp.float32)
            + f1b_ref[0:1, :])
    hmid = jnp.maximum(hmid, 0.0)
    out_ref[...] = (jnp.dot(hmid, f2_ref[...], preferred_element_type=jnp.float32)
                    + f2b_ref[0:1, :])


def kernel(source_nodes, destination_nodes, negative_nodes, edge_times,
           edge_idxs, neighbors, neighbor_edge_idxs, neighbor_times, memory,
           edge_raw_features, time_w, time_b, msg_w1, msg_b1, msg_w2, msg_b2,
           gru_wih, gru_whh, gru_bih, gru_bhh, wq, wk, wv, wo, fc1_w, fc1_b,
           fc2_w, fc2_b):
    N, D = memory.shape
    B = source_nodes.shape[0]
    K = neighbors.shape[1]
    M = 3 * B
    P = 2 * B
    MSG_HID = msg_w1.shape[1]
    TAG = ((N + 16) + 15) // 16 * 16
    DUMP = N + 8

    mesh = plsc.VectorSubcoreMesh(core_axis_name="c", subcore_axis_name="s",
                                  num_cores=NC, num_subcores=NS)
    sc_params = pltpu.CompilerParams(use_tc_tiling_on_sc=False,
                                     needs_layout_passes=False)

    pos = jnp.concatenate([source_nodes, destination_nodes])
    nodes = jnp.concatenate([source_nodes, destination_nodes, negative_nodes])
    pos2 = pos.reshape(P // 128, 128)
    eidx2 = edge_idxs.reshape(B // 128, 128)
    nodes2 = nodes.reshape(M // 128, 128)
    nbr2 = neighbors.reshape(M * K // 128, 128)
    neidx2 = neighbor_edge_idxs.reshape(M * K // 128, 128)
    et_col = edge_times.reshape(B, 1)
    ts_col = jnp.concatenate([edge_times, edge_times, edge_times]).reshape(M, 1)

    w1a = msg_w1[0:D]
    w1b = msg_w1[D:2 * D]
    w1e = msg_w1[2 * D:2 * D + 16]
    w1t = msg_w1[2 * D + 16:]
    w2p = jnp.pad(msg_w2, ((0, 0), (0, D - msg_w2.shape[1])))
    b2p = jnp.pad(msg_b2, (0, D - msg_b2.shape[0]))
    wihp = jnp.pad(gru_wih, ((0, D - gru_wih.shape[0]), (0, 0)))

    def row8(x):
        return jnp.broadcast_to(x[None, :], (8, x.shape[0]))

    tw8, tb8 = row8(time_w), row8(time_b)
    b18, b28 = row8(msg_b1), row8(b2p)
    bih8, bhh8 = row8(gru_bih), row8(gru_bhh)
    f1b8, f2b8 = row8(fc1_b), row8(fc2_b)

    wqs, wqb = wq[0:D], wq[D:]
    wkm, wkt, wke = wk[0:D], wk[D:2 * D], wk[2 * D:]
    wvm, wvt, wve = wv[0:D], wv[D:2 * D], wv[2 * D:]
    f1o, f1s = fc1_w[0:D], fc1_w[D:]

    k1 = pl.kernel(
        _k1_body,
        out_type=(jax.ShapeDtypeStruct((P, D), jnp.float32),
                  jax.ShapeDtypeStruct((B, 16), jnp.float32)),
        mesh=mesh,
        scratch_types=[pltpu.VMEM((128,), jnp.int32),
                       pltpu.VMEM((128, D), jnp.float32),
                       pltpu.VMEM((128, 16), jnp.float32),
                       pltpu.SemaphoreType.DMA],
        compiler_params=sc_params,
    )
    mem_pos, efeat = k1(memory, edge_raw_features, pos2, eidx2)

    msg = pl.pallas_call(
        _k2_body,
        grid=(16,),
        in_specs=[
            pl.BlockSpec((512, D), lambda i: (i, 0)),
            pl.BlockSpec((512, D), lambda i: ((i + 8) % 16, 0)),
            pl.BlockSpec((512, 16), lambda i: (i % 8, 0)),
            pl.BlockSpec((512, 1), lambda i: (i % 8, 0)),
            pl.BlockSpec((8, D), lambda i: (0, 0)),
            pl.BlockSpec((8, D), lambda i: (0, 0)),
            pl.BlockSpec((D, MSG_HID), lambda i: (0, 0)),
            pl.BlockSpec((D, MSG_HID), lambda i: (0, 0)),
            pl.BlockSpec((16, MSG_HID), lambda i: (0, 0)),
            pl.BlockSpec((D, MSG_HID), lambda i: (0, 0)),
            pl.BlockSpec((8, MSG_HID), lambda i: (0, 0)),
            pl.BlockSpec((MSG_HID, D), lambda i: (0, 0)),
            pl.BlockSpec((8, D), lambda i: (0, 0)),
        ],
        out_specs=pl.BlockSpec((512, D), lambda i: (i, 0)),
        out_shape=jax.ShapeDtypeStruct((P, D), jnp.float32),
    )(mem_pos, mem_pos, efeat, et_col, tw8, tb8,
      w1a, w1b, w1e, w1t, b18, w2p, b28)

    sidx = pl.pallas_call(
        functools.partial(_k2b_body, dump=DUMP),
        out_shape=jax.ShapeDtypeStruct((P // 16, 16), jnp.int32),
    )(pos.reshape(P // 16, 16)).reshape(P)

    k3 = pl.kernel(
        _k3_body,
        out_type=jax.ShapeDtypeStruct((P, D), jnp.float32),
        mesh=mesh,
        scratch_types=[pltpu.VMEM((TAG,), jnp.int32),
                       pltpu.VMEM((P,), jnp.int32),
                       pltpu.VMEM((256,), jnp.int32),
                       pltpu.VMEM((128,), jnp.int32),
                       pltpu.VMEM((128, D), jnp.float32),
                       pltpu.SemaphoreType.DMA],
        compiler_params=sc_params,
    )
    msg_win = k3(sidx, pos, msg)

    upd = pl.pallas_call(
        _k4_body,
        grid=(16,),
        in_specs=[
            pl.BlockSpec((512, D), lambda i: (i, 0)),
            pl.BlockSpec((512, D), lambda i: (i, 0)),
            pl.BlockSpec((D, 3 * D), lambda i: (0, 0)),
            pl.BlockSpec((D, 3 * D), lambda i: (0, 0)),
            pl.BlockSpec((8, 3 * D), lambda i: (0, 0)),
            pl.BlockSpec((8, 3 * D), lambda i: (0, 0)),
        ],
        out_specs=pl.BlockSpec((512, D), lambda i: (i, 0)),
        out_shape=jax.ShapeDtypeStruct((P, D), jnp.float32),
    )(msg_win, mem_pos, wihp, gru_whh, bih8, bhh8)

    nm_ref = jax.new_ref(memory)
    k5 = pl.kernel(
        _k5_body,
        out_type=(),
        mesh=mesh,
        scratch_types=[pltpu.VMEM((128,), jnp.int32),
                       pltpu.VMEM((128, D), jnp.float32),
                       pltpu.SemaphoreType.DMA],
        compiler_params=sc_params,
    )
    k5(upd, pos2, nm_ref)
    new_mem = jax.freeze(nm_ref)

    k6 = pl.kernel(
        _k6_body,
        out_type=(jax.ShapeDtypeStruct((M, D), jnp.float32),
                  jax.ShapeDtypeStruct((M * K, D), jnp.float32),
                  jax.ShapeDtypeStruct((M * K, 16), jnp.float32)),
        mesh=mesh,
        scratch_types=[pltpu.VMEM((128,), jnp.int32),
                       pltpu.VMEM((128, D), jnp.float32),
                       pltpu.VMEM((128, 16), jnp.float32),
                       pltpu.SemaphoreType.DMA],
        compiler_params=sc_params,
    )
    src_feat, nbr_feat, nbr_ef = k6(new_mem, nodes2, nbr2, neidx2,
                                    edge_raw_features)

    emb = pl.pallas_call(
        _k7_body,
        grid=(M // 128,),
        in_specs=[
            pl.BlockSpec((128, D), lambda i: (i, 0)),
            pl.BlockSpec((2048, D), lambda i: (i, 0)),
            pl.BlockSpec((2048, 16), lambda i: (i, 0)),
            pl.BlockSpec((128, K), lambda i: (i, 0)),
            pl.BlockSpec((128, 1), lambda i: (i, 0)),
            pl.BlockSpec((8, D), lambda i: (0, 0)),
            pl.BlockSpec((8, D), lambda i: (0, 0)),
            pl.BlockSpec((D, D), lambda i: (0, 0)),
            pl.BlockSpec((D, D), lambda i: (0, 0)),
            pl.BlockSpec((D, D), lambda i: (0, 0)),
            pl.BlockSpec((D, D), lambda i: (0, 0)),
            pl.BlockSpec((16, D), lambda i: (0, 0)),
            pl.BlockSpec((D, D), lambda i: (0, 0)),
            pl.BlockSpec((D, D), lambda i: (0, 0)),
            pl.BlockSpec((16, D), lambda i: (0, 0)),
            pl.BlockSpec((D, D), lambda i: (0, 0)),
            pl.BlockSpec((D, D), lambda i: (0, 0)),
            pl.BlockSpec((D, D), lambda i: (0, 0)),
            pl.BlockSpec((8, D), lambda i: (0, 0)),
            pl.BlockSpec((D, D), lambda i: (0, 0)),
            pl.BlockSpec((8, D), lambda i: (0, 0)),
        ],
        out_specs=pl.BlockSpec((128, D), lambda i: (i, 0)),
        out_shape=jax.ShapeDtypeStruct((M, D), jnp.float32),
    )(src_feat, nbr_feat, nbr_ef, neighbor_times, ts_col, tw8, tb8,
      wqs, wqb, wkm, wkt, wke, wvm, wvt, wve, wo, f1o, f1s, f1b8, fc2_w, f2b8)

    return emb

# --- scband reference (transcript-rebuilt; emitter-appended) ---
"""Pipeline reference for scband-tgn-83245056131900 (READ-ONLY COPY).

The authoritative reference and input builder live on the scoring server;
editing this copy changes nothing except your own understanding.
"""

import jax, jax.numpy as jnp
import numpy as np

N = 100000
D = 128
DE = 16
B = 4096
K = 16
E = 1600000
MSG_RAW = 2 * D + DE + D
MSG_HID = 200
MSG_DIM = 100
H = 2
DH = D // H

def time_encode(t, w, b):
    return jnp.cos(t[..., None] * w + b)

def gru_cell(x, h, w_ih, w_hh, b_ih, b_hh):
    gi = x @ w_ih + b_ih
    gh = h @ w_hh + b_hh
    i_r, i_z, i_n = jnp.split(gi, 3, axis=-1)
    h_r, h_z, h_n = jnp.split(gh, 3, axis=-1)
    r = jax.nn.sigmoid(i_r + h_r)
    z = jax.nn.sigmoid(i_z + h_z)
    n = jnp.tanh(i_n + r * h_n)
    return (1.0 - z) * n + z * h

def setup_inputs(seed: int = 0):
    key = jax.random.key(seed)
    ks = jax.random.split(key, 30)
    s = 0.05
    inp = {}
    inp['source_nodes'] = jax.random.randint(ks[0], (B,), 0, N)
    inp['destination_nodes'] = jax.random.randint(ks[1], (B,), 0, N)
    inp['negative_nodes'] = jax.random.randint(ks[2], (B,), 0, N)
    inp['edge_times'] = jax.random.uniform(ks[3], (B,), jnp.float32) * 10000.0
    inp['edge_idxs'] = jax.random.randint(ks[4], (B,), 0, E)
    inp['neighbors'] = jax.random.randint(ks[5], (3 * B, K), 0, N)
    inp['neighbor_edge_idxs'] = jax.random.randint(ks[6], (3 * B, K), 0, E)
    inp['neighbor_times'] = jax.random.uniform(ks[7], (3 * B, K), jnp.float32) * 10000.0
    inp['memory'] = jax.random.normal(ks[8], (N, D), jnp.float32) * s
    inp['edge_raw_features'] = jax.random.normal(ks[9], (E, DE), jnp.float32) * s
    inp['time_w'] = jax.random.normal(ks[10], (D,), jnp.float32)
    inp['time_b'] = jax.random.normal(ks[11], (D,), jnp.float32)
    inp['msg_w1'] = jax.random.normal(ks[12], (MSG_RAW, MSG_HID), jnp.float32) * s
    inp['msg_b1'] = jnp.zeros((MSG_HID,), jnp.float32)
    inp['msg_w2'] = jax.random.normal(ks[13], (MSG_HID, MSG_DIM), jnp.float32) * s
    inp['msg_b2'] = jnp.zeros((MSG_DIM,), jnp.float32)
    inp['gru_wih'] = jax.random.normal(ks[14], (MSG_DIM, 3 * D), jnp.float32) * s
    inp['gru_whh'] = jax.random.normal(ks[15], (D, 3 * D), jnp.float32) * s
    inp['gru_bih'] = jnp.zeros((3 * D,), jnp.float32)
    inp['gru_bhh'] = jnp.zeros((3 * D,), jnp.float32)
    inp['wq'] = jax.random.normal(ks[16], (2 * D, D), jnp.float32) * s
    inp['wk'] = jax.random.normal(ks[17], (2 * D + DE, D), jnp.float32) * s
    inp['wv'] = jax.random.normal(ks[18], (2 * D + DE, D), jnp.float32) * s
    inp['wo'] = jax.random.normal(ks[19], (D, D), jnp.float32) * s
    inp['fc1_w'] = jax.random.normal(ks[20], (2 * D, D), jnp.float32) * s
    inp['fc1_b'] = jnp.zeros((D,), jnp.float32)
    inp['fc2_w'] = jax.random.normal(ks[21], (D, D), jnp.float32) * s
    inp['fc2_b'] = jnp.zeros((D,), jnp.float32)
    return inp

def _forward(memory, edge_raw_features, edge_times, neighbor_times, time_w, time_b, msg_w1, msg_b1, msg_w2, msg_b2, gru_wih, gru_whh, gru_bih, gru_bhh, wq, wk, wv, wo, fc1_w, fc1_b, fc2_w, fc2_b, source_nodes, destination_nodes, negative_nodes, edge_idxs, neighbors, neighbor_edge_idxs):
    # --- raw messages (src||dst||edge_feat||time_enc), MLP message function ---
    src_mem = memory[source_nodes]
    dst_mem = memory[destination_nodes]
    efeat = edge_raw_features[edge_idxs]
    tenc = time_encode(edge_times, time_w, time_b)
    raw_s = jnp.concatenate([src_mem, dst_mem, efeat, tenc], axis=-1)
    raw_d = jnp.concatenate([dst_mem, src_mem, efeat, tenc], axis=-1)
    msg_s = jnp.maximum(raw_s @ msg_w1 + msg_b1, 0.0) @ msg_w2 + msg_b2
    msg_d = jnp.maximum(raw_d @ msg_w1 + msg_b1, 0.0) @ msg_w2 + msg_b2
    # --- 'last' aggregator: scatter-overwrite into per-node message buffer ---
    msg_buf = jnp.zeros((N, MSG_DIM), memory.dtype)
    msg_buf = msg_buf.at[source_nodes].set(msg_s)
    msg_buf = msg_buf.at[destination_nodes].set(msg_d)
    # --- GRU memory update for positives, scatter back into memory ---
    pos = jnp.concatenate([source_nodes, destination_nodes])
    upd = gru_cell(msg_buf[pos], memory[pos], gru_wih, gru_whh, gru_bih, gru_bhh)
    new_mem = memory.at[pos].set(upd)
    # --- temporal graph attention embedding over sampled neighbors ---
    nodes = jnp.concatenate([source_nodes, destination_nodes, negative_nodes])
    ts = jnp.concatenate([edge_times, edge_times, edge_times])
    M = nodes.shape[0]
    src_feat = new_mem[nodes]
    src_tenc = jnp.broadcast_to(jnp.cos(time_b), (M, D))
    nbr_feat = new_mem[neighbors]
    delta = ts[:, None] - neighbor_times
    nbr_tenc = time_encode(delta, time_w, time_b)
    nbr_efeat = edge_raw_features[neighbor_edge_idxs]
    q_in = jnp.concatenate([src_feat, src_tenc], axis=-1)
    k_in = jnp.concatenate([nbr_feat, nbr_tenc, nbr_efeat], axis=-1)
    q = (q_in @ wq).reshape(M, H, DH)
    k = (k_in @ wk).reshape(M, K, H, DH)
    v = (k_in @ wv).reshape(M, K, H, DH)
    scores = jnp.einsum('mhd,mkhd->mhk', q, k) / float(np.sqrt(DH))
    attn = jax.nn.softmax(scores, axis=-1)
    out = jnp.einsum('mhk,mkhd->mhd', attn, v).reshape(M, D) @ wo
    hcat = jnp.concatenate([out, src_feat], axis=-1)
    emb = jnp.maximum(hcat @ fc1_w + fc1_b, 0.0) @ fc2_w + fc2_b
    return emb

def reference(source_nodes, destination_nodes, negative_nodes, edge_times, edge_idxs, neighbors, neighbor_edge_idxs, neighbor_times, memory, edge_raw_features, time_w, time_b, msg_w1, msg_b1, msg_w2, msg_b2, gru_wih, gru_whh, gru_bih, gru_bhh, wq, wk, wv, wo, fc1_w, fc1_b, fc2_w, fc2_b):
    return _forward(memory, edge_raw_features, edge_times, neighbor_times, time_w, time_b, msg_w1, msg_b1, msg_w2, msg_b2, gru_wih, gru_whh, gru_bih, gru_bhh, wq, wk, wv, wo, fc1_w, fc1_b, fc2_w, fc2_b, source_nodes, destination_nodes, negative_nodes, edge_idxs, neighbors, neighbor_edge_idxs)

if __name__ == "__main__":
    import jax
    _d = setup_inputs()
    print(jax.jit(kernel)(*tuple(_d.values())))

</pallas_src>

<mosaic_0001>
#map = affine_map<(d0, d1) -> (0, 0)>
module attributes {stable_mosaic.version = 14 : i64} {
  func.func @new_body(%arg0: i32, %arg1: i32, %arg2: memref<8192x128xf32, #tpu.memory_space<hbm>>, %arg3: memref<64x128xi32, #tpu.memory_space<hbm>>, %arg4: memref<100000x128xf32, #tpu.memory_space<hbm>>, %arg5: memref<100000x128xf32, #tpu.memory_space<hbm>>, %arg6: memref<128xi32, #tpu.memory_space<vmem>>, %arg7: memref<128x128xf32, #tpu.memory_space<vmem>>, %arg8: memref<!tpu.dma_semaphore, #tpu.memory_space<semaphore_mem>>) attributes {dimension_semantics = [#tpu.dimension_semantics<core_parallel>, #tpu.dimension_semantics<subcore_parallel>], iteration_bounds = array<i64: 2, 16>, scalar_prefetch = 0 : i64, scratch_operands = 3 : i64, tpu.core_type = #tpu.core_type<sc_vector_subcore>, window_params = [{transform_indices = #map}, {transform_indices = #map}, {transform_indices = #map}, {transform_indices = #map}]} {
    %mul3A = arith.constant 2 : i32
    %mul3A_0 = arith.muli %arg1, %mul3A : i32
    %add3A = arith.addi %mul3A_0, %arg0 : i32
    %mul3A_1 = arith.constant 2 : i32
    %mul3A_2 = arith.muli %add3A, %mul3A_1 : i32
    %add3A_3 = arith.constant 0 : i32
    %add3A_4 = arith.addi %mul3A_2, %add3A_3 : i32
    "tpu.region"() ({
      %run_scoped3A = tpu.sem_alloc : memref<!tpu.dma_semaphore, #tpu.memory_space<semaphore_mem>>
      %dma_start3A_31 = arith.constant 0 : i32
      %dma_start3A_32 = tpu.memref_slice %arg3[%add3A_4, %dma_start3A_31] : memref<64x128xi32, #tpu.memory_space<hbm>> -> memref<1x128xi32, #tpu.memory_space<hbm>>
      %dma_start3A_33 = tpu.memref_squeeze %dma_start3A_32 : memref<1x128xi32, #tpu.memory_space<hbm>> -> memref<128xi32, #tpu.memory_space<hbm>>
      %dma_start3A_34 = arith.constant 0 : i32
      %dma_start3A_35 = tpu.memref_slice %arg3[%add3A_4, %dma_start3A_34] : memref<64x128xi32, #tpu.memory_space<hbm>> -> memref<1x128xi32, #tpu.memory_space<hbm>>
      %dma_start3A_36 = tpu.memref_squeeze %dma_start3A_35 : memref<1x128xi32, #tpu.memory_space<hbm>> -> memref<128xi32, #tpu.memory_space<hbm>>
      tpu.enqueue_dma source(%dma_start3A_36 : memref<128xi32, #tpu.memory_space<hbm>>) target(%arg6 : memref<128xi32, #tpu.memory_space<vmem>>) target_semaphore(%run_scoped3A : memref<!tpu.dma_semaphore, #tpu.memory_space<semaphore_mem>>)
      %dma_wait3A_37 = arith.constant 0 : i32
      %dma_wait3A_38 = tpu.memref_slice %arg3[%add3A_4, %dma_wait3A_37] : memref<64x128xi32, #tpu.memory_space<hbm>> -> memref<1x128xi32, #tpu.memory_space<hbm>>
      %dma_wait3A_39 = tpu.memref_squeeze %dma_wait3A_38 : memref<1x128xi32, #tpu.memory_space<hbm>> -> memref<128xi32, #tpu.memory_space<hbm>>
      %dma_wait3A_40 = arith.constant 0 : i32
      %dma_wait3A_41 = tpu.memref_slice %arg3[%add3A_4, %dma_wait3A_40] : memref<64x128xi32, #tpu.memory_space<hbm>> -> memref<1x128xi32, #tpu.memory_space<hbm>>
      %dma_wait3A_42 = tpu.memref_squeeze %dma_wait3A_41 : memref<1x128xi32, #tpu.memory_space<hbm>> -> memref<128xi32, #tpu.memory_space<hbm>>
      tpu.wait_dma2 semaphore(%run_scoped3A : memref<!tpu.dma_semaphore, #tpu.memory_space<semaphore_mem>>) src(%dma_wait3A_42 : memref<128xi32, #tpu.memory_space<hbm>>) dst(%arg6 : memref<128xi32, #tpu.memory_space<vmem>>)
      tpu.yield
    }) : () -> ()
    %mul3A_5 = arith.constant 2 : i32
    %mul3A_6 = arith.muli %add3A, %mul3A_5 : i32
    %add3A_7 = arith.constant 0 : i32
    %add3A_8 = arith.addi %mul3A_6, %add3A_7 : i32
    %mul3A_9 = arith.constant 128 : i32
    %mul3A_10 = arith.muli %add3A_8, %mul3A_9 : i32
    "tpu.region"() ({
      %run_scoped3A = tpu.sem_alloc : memref<!tpu.dma_semaphore, #tpu.memory_space<semaphore_mem>>
      %dma_start3A_31 = arith.constant 0 : i32
      %dma_start3A_32 = tpu.memref_slice %arg2[%mul3A_10, %dma_start3A_31] : memref<8192x128xf32, #tpu.memory_space<hbm>> -> memref<128x128xf32, #tpu.memory_space<hbm>>
      %dma_start3A_33 = arith.constant 0 : i32
      %dma_start3A_34 = tpu.memref_slice %arg2[%mul3A_10, %dma_start3A_33] : memref<8192x128xf32, #tpu.memory_space<hbm>> -> memref<128x128xf32, #tpu.memory_space<hbm>>
      tpu.enqueue_dma source(%dma_start3A_34 : memref<128x128xf32, #tpu.memory_space<hbm>>) target(%arg7 : memref<128x128xf32, #tpu.memory_space<vmem>>) target_semaphore(%run_scoped3A : memref<!tpu.dma_semaphore, #tpu.memory_space<semaphore_mem>>)
      %dma_wait3A_35 = arith.constant 0 : i32
      %dma_wait3A_36 = tpu.memref_slice %arg2[%mul3A_10, %dma_wait3A_35] : memref<8192x128xf32, #tpu.memory_space<hbm>> -> memref<128x128xf32, #tpu.memory_space<hbm>>
      %dma_wait3A_37 = arith.constant 0 : i32
      %dma_wait3A_38 = tpu.memref_slice %arg2[%mul3A_10, %dma_wait3A_37] : memref<8192x128xf32, #tpu.memory_space<hbm>> -> memref<128x128xf32, #tpu.memory_space<hbm>>
      tpu.wait_dma2 semaphore(%run_scoped3A : memref<!tpu.dma_semaphore, #tpu.memory_space<semaphore_mem>>) src(%dma_wait3A_38 : memref<128x128xf32, #tpu.memory_space<hbm>>) dst(%arg7 : memref<128x128xf32, #tpu.memory_space<vmem>>)
      tpu.yield
    }) : () -> ()
    %dma_start3A = arith.constant 0 : i32
    %dma_start3A_11 = arith.constant 0 : i32
    %dma_start3A_12 = tpu.memref_slice %arg4[%dma_start3A, %dma_start3A_11] : memref<100000x128xf32, #tpu.memory_space<hbm>> -> memref<100000x128xf32, #tpu.memory_space<hbm>>
    tpu.enqueue_indirect_dma source(%arg7 : memref<128x128xf32, #tpu.memory_space<vmem>>) target(%dma_start3A_12 : memref<100000x128xf32, #tpu.memory_space<hbm>>) offsets(%arg6 : memref<128xi32, #tpu.memory_space<vmem>>) semaphore(%arg8 : memref<!tpu.dma_semaphore, #tpu.memory_space<semaphore_mem>>)
    %dma_wait3A = arith.constant 0 : i32
    %dma_wait3A_13 = arith.constant 0 : i32
    %dma_wait3A_14 = tpu.memref_slice %arg4[%dma_wait3A, %dma_wait3A_13] : memref<100000x128xf32, #tpu.memory_space<hbm>> -> memref<100000x128xf32, #tpu.memory_space<hbm>>
    tpu.wait_indirect_dma semaphore(%arg8 : memref<!tpu.dma_semaphore, #tpu.memory_space<semaphore_mem>>) src(%arg7 : memref<128x128xf32, #tpu.memory_space<vmem>>) dst(%dma_wait3A_14 : memref<100000x128xf32, #tpu.memory_space<hbm>>)
    %mul3A_15 = arith.constant 2 : i32
    %mul3A_16 = arith.muli %add3A, %mul3A_15 : i32
    %add3A_17 = arith.constant 1 : i32
    %add3A_18 = arith.addi %mul3A_16, %add3A_17 : i32
    "tpu.region"() ({
      %run_scoped3A = tpu.sem_alloc : memref<!tpu.dma_semaphore, #tpu.memory_space<semaphore_mem>>
      %dma_start3A_31 = arith.constant 0 : i32
      %dma_start3A_32 = tpu.memref_slice %arg3[%add3A_18, %dma_start3A_31] : memref<64x128xi32, #tpu.memory_space<hbm>> -> memref<1x128xi32, #tpu.memory_space<hbm>>
      %dma_start3A_33 = tpu.memref_squeeze %dma_start3A_32 : memref<1x128xi32, #tpu.memory_space<hbm>> -> memref<128xi32, #tpu.memory_space<hbm>>
      %dma_start3A_34 = arith.constant 0 : i32
      %dma_start3A_35 = tpu.memref_slice %arg3[%add3A_18, %dma_start3A_34] : memref<64x128xi32, #tpu.memory_space<hbm>> -> memref<1x128xi32, #tpu.memory_space<hbm>>
      %dma_start3A_36 = tpu.memref_squeeze %dma_start3A_35 : memref<1x128xi32, #tpu.memory_space<hbm>> -> memref<128xi32, #tpu.memory_space<hbm>>
      tpu.enqueue_dma source(%dma_start3A_36 : memref<128xi32, #tpu.memory_space<hbm>>) target(%arg6 : memref<128xi32, #tpu.memory_space<vmem>>) target_semaphore(%run_scoped3A : memref<!tpu.dma_semaphore, #tpu.memory_space<semaphore_mem>>)
      %dma_wait3A_37 = arith.constant 0 : i32
      %dma_wait3A_38 = tpu.memref_slice %arg3[%add3A_18, %dma_wait3A_37] : memref<64x128xi32, #tpu.memory_space<hbm>> -> memref<1x128xi32, #tpu.memory_space<hbm>>
      %dma_wait3A_39 = tpu.memref_squeeze %dma_wait3A_38 : memref<1x128xi32, #tpu.memory_space<hbm>> -> memref<128xi32, #tpu.memory_space<hbm>>
      %dma_wait3A_40 = arith.constant 0 : i32
      %dma_wait3A_41 = tpu.memref_slice %arg3[%add3A_18, %dma_wait3A_40] : memref<64x128xi32, #tpu.memory_space<hbm>> -> memref<1x128xi32, #tpu.memory_space<hbm>>
      %dma_wait3A_42 = tpu.memref_squeeze %dma_wait3A_41 : memref<1x128xi32, #tpu.memory_space<hbm>> -> memref<128xi32, #tpu.memory_space<hbm>>
      tpu.wait_dma2 semaphore(%run_scoped3A : memref<!tpu.dma_semaphore, #tpu.memory_space<semaphore_mem>>) src(%dma_wait3A_42 : memref<128xi32, #tpu.memory_space<hbm>>) dst(%arg6 : memref<128xi32, #tpu.memory_space<vmem>>)
      tpu.yield
    }) : () -> ()
    %mul3A_19 = arith.constant 2 : i32
    %mul3A_20 = arith.muli %add3A, %mul3A_19 : i32
    %add3A_21 = arith.constant 1 : i32
    %add3A_22 = arith.addi %mul3A_20, %add3A_21 : i32
    %mul3A_23 = arith.constant 128 : i32
    %mul3A_24 = arith.muli %add3A_22, %mul3A_23 : i32
    "tpu.region"() ({
      %run_scoped3A = tpu.sem_alloc : memref<!tpu.dma_semaphore, #tpu.memory_space<semaphore_mem>>
      %dma_start3A_31 = arith.constant 0 : i32
      %dma_start3A_32 = tpu.memref_slice %arg2[%mul3A_24, %dma_start3A_31] : memref<8192x128xf32, #tpu.memory_space<hbm>> -> memref<128x128xf32, #tpu.memory_space<hbm>>
      %dma_start3A_33 = arith.constant 0 : i32
      %dma_start3A_34 = tpu.memref_slice %arg2[%mul3A_24, %dma_start3A_33] : memref<8192x128xf32, #tpu.memory_space<hbm>> -> memref<128x128xf32, #tpu.memory_space<hbm>>
      tpu.enqueue_dma source(%dma_start3A_34 : memref<128x128xf32, #tpu.memory_space<hbm>>) target(%arg7 : memref<128x128xf32, #tpu.memory_space<vmem>>) target_semaphore(%run_scoped3A : memref<!tpu.dma_semaphore, #tpu.memory_space<semaphore_mem>>)
      %dma_wait3A_35 = arith.constant 0 : i32
      %dma_wait3A_36 = tpu.memref_slice %arg2[%mul3A_24, %dma_wait3A_35] : memref<8192x128xf32, #tpu.memory_space<hbm>> -> memref<128x128xf32, #tpu.memory_space<hbm>>
      %dma_wait3A_37 = arith.constant 0 : i32
      %dma_wait3A_38 = tpu.memref_slice %arg2[%mul3A_24, %dma_wait3A_37] : memref<8192x128xf32, #tpu.memory_space<hbm>> -> memref<128x128xf32, #tpu.memory_space<hbm>>
      tpu.wait_dma2 semaphore(%run_scoped3A : memref<!tpu.dma_semaphore, #tpu.memory_space<semaphore_mem>>) src(%dma_wait3A_38 : memref<128x128xf32, #tpu.memory_space<hbm>>) dst(%arg7 : memref<128x128xf32, #tpu.memory_space<vmem>>)
      tpu.yield
    }) : () -> ()
    %dma_start3A_25 = arith.constant 0 : i32
    %dma_start3A_26 = arith.constant 0 : i32
    %dma_start3A_27 = tpu.memref_slice %arg4[%dma_start3A_25, %dma_start3A_26] : memref<100000x128xf32, #tpu.memory_space<hbm>> -> memref<100000x128xf32, #tpu.memory_space<hbm>>
    tpu.enqueue_indirect_dma source(%arg7 : memref<128x128xf32, #tpu.memory_space<vmem>>) target(%dma_start3A_27 : memref<100000x128xf32, #tpu.memory_space<hbm>>) offsets(%arg6 : memref<128xi32, #tpu.memory_space<vmem>>) semaphore(%arg8 : memref<!tpu.dma_semaphore, #tpu.memory_space<semaphore_mem>>)
    %dma_wait3A_28 = arith.constant 0 : i32
    %dma_wait3A_29 = arith.constant 0 : i32
    %dma_wait3A_30 = tpu.memref_slice %arg4[%dma_wait3A_28, %dma_wait3A_29] : memref<100000x128xf32, #tpu.memory_space<hbm>> -> memref<100000x128xf32, #tpu.memory_space<hbm>>
    tpu.wait_indirect_dma semaphore(%arg8 : memref<!tpu.dma_semaphore, #tpu.memory_space<semaphore_mem>>) src(%arg7 : memref<128x128xf32, #tpu.memory_space<vmem>>) dst(%dma_wait3A_30 : memref<100000x128xf32, #tpu.memory_space<hbm>>)
    return
  }
}

#map = affine_map<(d0, d1) -> (0)>
#map1 = affine_map<(d0, d1) -> (0, 0)>
module attributes {stable_mosaic.version = 14 : i64} {
  func.func @_k3_body(%arg0: i32, %arg1: i32, %arg2: memref<8192xi32, #tpu.memory_space<hbm>>, %arg3: memref<8192xi32, #tpu.memory_space<hbm>>, %arg4: memref<8192x128xf32, #tpu.memory_space<hbm>>, %arg5: memref<8192x128xf32, #tpu.memory_space<hbm>>, %arg6: memref<100016xi32, #tpu.memory_space<vmem>>, %arg7: memref<8192xi32, #tpu.memory_space<vmem>>, %arg8: memref<256xi32, #tpu.memory_space<vmem>>, %arg9: memref<128xi32, #tpu.memory_space<vmem>>, %arg10: memref<128x128xf32, #tpu.memory_space<vmem>>, %arg11: memref<!tpu.dma_semaphore, #tpu.memory_space<semaphore_mem>>) attributes {dimension_semantics = [#tpu.dimension_semantics<core_parallel>, #tpu.dimension_semantics<subcore_parallel>], iteration_bounds = array<i64: 2, 16>, scalar_prefetch = 0 : i64, scratch_operands = 6 : i64, tpu.core_type = #tpu.core_type<sc_vector_subcore>, window_params = [{transform_indices = #map}, {transform_indices = #map}, {transform_indices = #map1}, {transform_indices = #map1}]} {
    %mul3A = arith.constant 2 : i32
    %mul3A_0 = arith.muli %arg1, %mul3A : i32
    %add3A = arith.addi %mul3A_0, %arg0 : i32
    "tpu.region"() ({
      %run_scoped3A = tpu.sem_alloc : memref<!tpu.dma_semaphore, #tpu.memory_space<semaphore_mem>>
      tpu.enqueue_dma source(%arg2 : memref<8192xi32, #tpu.memory_space<hbm>>) target(%arg7 : memref<8192xi32, #tpu.memory_space<vmem>>) target_semaphore(%run_scoped3A : memref<!tpu.dma_semaphore, #tpu.memory_space<semaphore_mem>>)
      tpu.wait_dma2 semaphore(%run_scoped3A : memref<!tpu.dma_semaphore, #tpu.memory_space<semaphore_mem>>) src(%arg2 : memref<8192xi32, #tpu.memory_space<hbm>>) dst(%arg7 : memref<8192xi32, #tpu.memory_space<vmem>>)
      tpu.yield
    }) : () -> ()
    %mul3A_1 = arith.constant 256 : i32
    %mul3A_2 = arith.muli %add3A, %mul3A_1 : i32
    "tpu.region"() ({
      %run_scoped3A = tpu.sem_alloc : memref<!tpu.dma_semaphore, #tpu.memory_space<semaphore_mem>>
      %dma_start3A_103 = tpu.memref_slice %arg3[%mul3A_2] : memref<8192xi32, #tpu.memory_space<hbm>> -> memref<256xi32, #tpu.memory_space<hbm>>
      %dma_start3A_104 = tpu.memref_slice %arg3[%mul3A_2] : memref<8192xi32, #tpu.memory_space<hbm>> -> memref<256xi32, #tpu.memory_space<hbm>>
      tpu.enqueue_dma source(%dma_start3A_104 : memref<256xi32, #tpu.memory_space<hbm>>) target(%arg8 : memref<256xi32, #tpu.memory_space<vmem>>) target_semaphore(%run_scoped3A : memref<!tpu.dma_semaphore, #tpu.memory_space<semaphore_mem>>)
      %dma_wait3A_105 = tpu.memref_slice %arg3[%mul3A_2] : memref<8192xi32, #tpu.memory_space<hbm>> -> memref<256xi32, #tpu.memory_space<hbm>>
      %dma_wait3A_106 = tpu.memref_slice %arg3[%mul3A_2] : memref<8192xi32, #tpu.memory_space<hbm>> -> memref<256xi32, #tpu.memory_space<hbm>>
      tpu.wait_dma2 semaphore(%run_scoped3A : memref<!tpu.dma_semaphore, #tpu.memory_space<semaphore_mem>>) src(%dma_wait3A_106 : memref<256xi32, #tpu.memory_space<hbm>>) dst(%arg8 : memref<256xi32, #tpu.memory_space<vmem>>)
      tpu.yield
    }) : () -> ()
    %scan3A = arith.constant 0 : i32
    %scan3A_3 = arith.constant 0 : i32
    %scan3A_4 = arith.constant 512 : i32
    %scan3A_5 = arith.addi %scan3A_3, %scan3A_4 : i32
    %scan3A_6 = arith.constant 1 : i32
    scf.for %scan3A_103 = %scan3A_3 to %scan3A_5 step %scan3A_6  : i32 {
      %mul3A_104 = arith.constant 16 : i32
      %mul3A_105 = arith.muli %scan3A_103, %mul3A_104 : i32
      %get3A_106 = arith.index_cast %mul3A_105 : i32 to index
      %get3A_107 = tpu.vector_load %arg7[%get3A_106] {strides = array<i32>} : memref<8192xi32, #tpu.memory_space<vmem>>, vector<16xi32>,
      %mul3A_108 = arith.constant 16 : i32
      %mul3A_109 = arith.muli %scan3A_103, %mul3A_108 : i32
      %iota3A = tpu.iota {dimensions = array<i32: 0>} : vector<16xi32>
      %add3A_110 = vector.broadcast %mul3A_109 : i32 to vector<16xi32>
      %add3A_111 = arith.addi %add3A_110, %iota3A : vector<16xi32>
      tpu.vector_store_idx %arg6[%get3A_107], %add3A_111 : memref<100016xi32, #tpu.memory_space<vmem>>[vector<16xi32>], vector<16xi32>,
    }
    %scan3A_7 = arith.constant 512 : i32
    %get3A = arith.constant 0 : index
    %get3A_8 = tpu.vector_load %arg8[%get3A] {strides = array<i32>} : memref<256xi32, #tpu.memory_space<vmem>>, vector<16xi32>,
    %gather3A = tpu.vector_load_idx %arg6[%get3A_8] : memref<100016xi32, #tpu.memory_space<vmem>>[vector<16xi32>], vector<16xi32>,
    %swap3A = arith.constant 0 : index
    %swap3A_9 = tpu.vector_load %arg9[%swap3A] {strides = array<i32>} : memref<128xi32, #tpu.memory_space<vmem>>, vector<16xi32>,
    tpu.vector_store %arg9[%swap3A], %gather3A {strides = array<i32>} : memref<128xi32, #tpu.memory_space<vmem>>, vector<16xi32>,
    %get3A_10 = arith.constant 16 : index
    %get3A_11 = tpu.vector_load %arg8[%get3A_10] {strides = array<i32>} : memref<256xi32, #tpu.memory_space<vmem>>, vector<16xi32>,
    %gather3A_12 = tpu.vector_load_idx %arg6[%get3A_11] : memref<100016xi32, #tpu.memory_space<vmem>>[vector<16xi32>], vector<16xi32>,
    %swap3A_13 = arith.constant 16 : index
    %swap3A_14 = tpu.vector_load %arg9[%swap3A_13] {strides = array<i32>} : memref<128xi32, #tpu.memory_space<vmem>>, vector<16xi32>,
    tpu.vector_store %arg9[%swap3A_13], %gather3A_12 {strides = array<i32>} : memref<128xi32, #tpu.memory_space<vmem>>, vector<16xi32>,
    %get3A_15 = arith.constant 32 : index
    %get3A_16 = tpu.vector_load %arg8[%get3A_15] {strides = array<i32>} : memref<256xi32, #tpu.memory_space<vmem>>, vector<16xi32>,
    %gather3A_17 = tpu.vector_load_idx %arg6[%get3A_16] : memref<100016xi32, #tpu.memory_space<vmem>>[vector<16xi32>], vector<16xi32>,
    %swap3A_18 = arith.constant 32 : index
    %swap3A_19 = tpu.vector_load %arg9[%swap3A_18] {strides = array<i32>} : memref<128xi32, #tpu.memory_space<vmem>>, vector<16xi32>,
    tpu.vector_store %arg9[%swap3A_18], %gather3A_17 {strides = array<i32>} : memref<128xi32, #tpu.memory_space<vmem>>, vector<16xi32>,
    %get3A_20 = arith.constant 48 : index
    %get3A_21 = tpu.vector_load %arg8[%get3A_20] {strides = array<i32>} : memref<256xi32, #tpu.memory_space<vmem>>, vector<16xi32>,
    %gather3A_22 = tpu.vector_load_idx %arg6[%get3A_21] : memref<100016xi32, #tpu.memory_space<vmem>>[vector<16xi32>], vector<16xi32>,
    %swap3A_23 = arith.constant 48 : index
    %swap3A_24 = tpu.vector_load %arg9[%swap3A_23] {strides = array<i32>} : memref<128xi32, #tpu.memory_space<vmem>>, vector<16xi32>,
    tpu.vector_store %arg9[%swap3A_23], %gather3A_22 {strides = array<i32>} : memref<128xi32, #tpu.memory_space<vmem>>, vector<16xi32>,
    %get3A_25 = arith.constant 64 : index
    %get3A_26 = tpu.vector_load %arg8[%get3A_25] {strides = array<i32>} : memref<256xi32, #tpu.memory_space<vmem>>, vector<16xi32>,
    %gather3A_27 = tpu.vector_load_idx %arg6[%get3A_26] : memref<100016xi32, #tpu.memory_space<vmem>>[vector<16xi32>], vector<16xi32>,
    %swap3A_28 = arith.constant 64 : index
    %swap3A_29 = tpu.vector_load %arg9[%swap3A_28] {strides = array<i32>} : memref<128xi32, #tpu.memory_space<vmem>>, vector<16xi32>,
    tpu.vector_store %arg9[%swap3A_28], %gather3A_27 {strides = array<i32>} : memref<128xi32, #tpu.memory_space<vmem>>, vector<16xi32>,
    %get3A_30 = arith.constant 80 : index
    %get3A_31 = tpu.vector_load %arg8[%get3A_30] {strides = array<i32>} : memref<256xi32, #tpu.memory_space<vmem>>, vector<16xi32>,
    %gather3A_32 = tpu.vector_load_idx %arg6[%get3A_31] : memref<100016xi32, #tpu.memory_space<vmem>>[vector<16xi32>], vector<16xi32>,
    %swap3A_33 = arith.constant 80 : index
    %swap3A_34 = tpu.vector_load %arg9[%swap3A_33] {strides = array<i32>} : memref<128xi32, #tpu.memory_space<vmem>>, vector<16xi32>,
    tpu.vector_store %arg9[%swap3A_33], %gather3A_32 {strides = array<i32>} : memref<128xi32, #tpu.memory_space<vmem>>, vector<16xi32>,
    %get3A_35 = arith.constant 96 : index
    %get3A_36 = tpu.vector_load %arg8[%get3A_35] {strides = array<i32>} : memref<256xi32, #tpu.memory_space<vmem>>, vector<16xi32>,
    %gather3A_37 = tpu.vector_load_idx %arg6[%get3A_36] : memref<100016xi32, #tpu.memory_space<vmem>>[vector<16xi32>], vector<16xi32>,
    %swap3A_38 = arith.constant 96 : index
    %swap3A_39 = tpu.vector_load %arg9[%swap3A_38] {strides = array<i32>} : memref<128xi32, #tpu.memory_space<vmem>>, vector<16xi32>,
    tpu.vector_store %arg9[%swap3A_38], %gather3A_37 {strides = array<i32>} : memref<128xi32, #tpu.memory_space<vmem>>, vector<16xi32>,
    %get3A_40 = arith.constant 112 : index
    %get3A_41 = tpu.vector_load %arg8[%get3A_40] {strides = array<i32>} : memref<256xi32, #tpu.memory_space<vmem>>, vector<16xi32>,
    %gather3A_42 = tpu.vector_load_idx %arg6[%get3A_41] : memref<100016xi32, #tpu.memory_space<vmem>>[vector<16xi32>], vector<16xi32>,
    %swap3A_43 = arith.constant 112 : index
    %swap3A_44 = tpu.vector_load %arg9[%swap3A_43] {strides = array<i32>} : memref<128xi32, #tpu.memory_space<vmem>>, vector<16xi32>,
    tpu.vector_store %arg9[%swap3A_43], %gather3A_42 {strides = array<i32>} : memref<128xi32, #tpu.memory_space<vmem>>, vector<16xi32>,
    %dma_start3A = arith.constant 0 : i32
    %dma_start3A_45 = arith.constant 0 : i32
    %dma_start3A_46 = tpu.memref_slice %arg4[%dma_start3A, %dma_start3A_45] : memref<8192x128xf32, #tpu.memory_space<hbm>> -> memref<8192x128xf32, #tpu.memory_space<hbm>>
    tpu.enqueue_indirect_dma source(%dma_start3A_46 : memref<8192x128xf32, #tpu.memory_space<hbm>>) target(%arg10 : memref<128x128xf32, #tpu.memory_space<vmem>>) offsets(%arg9 : memref<128xi32, #tpu.memory_space<vmem>>) semaphore(%arg11 : memref<!tpu.dma_semaphore, #tpu.memory_space<semaphore_mem>>)
    %dma_wait3A = arith.constant 0 : i32
    %dma_wait3A_47 = arith.constant 0 : i32
    %dma_wait3A_48 = tpu.memref_slice %arg4[%dma_wait3A, %dma_wait3A_47] : memref<8192x128xf32, #tpu.memory_space<hbm>> -> memref<8192x128xf32, #tpu.memory_space<hbm>>
    tpu.wait_indirect_dma semaphore(%arg11 : memref<!tpu.dma_semaphore, #tpu.memory_space<semaphore_mem>>) src(%dma_wait3A_48 : memref<8192x128xf32, #tpu.memory_space<hbm>>) dst(%arg10 : memref<128x128xf32, #tpu.memory_space<vmem>>)
    %mul3A_49 = arith.constant 256 : i32
    %mul3A_50 = arith.muli %add3A, %mul3A_49 : i32
    %add3A_51 = arith.constant 0 : i32
    %add3A_52 = arith.addi %mul3A_50, %add3A_51 : i32
    "tpu.region"() ({
      %run_scoped3A = tpu.sem_alloc : memref<!tpu.dma_semaphore, #tpu.memory_space<semaphore_mem>>
      %dma_start3A_103 = arith.constant 0 : i32
      %dma_start3A_104 = tpu.memref_slice %arg5[%add3A_52, %dma_start3A_103] : memref<8192x128xf32, #tpu.memory_space<hbm>> -> memref<128x128xf32, #tpu.memory_space<hbm>>
      %dma_start3A_105 = arith.constant 0 : i32
      %dma_start3A_106 = tpu.memref_slice %arg5[%add3A_52, %dma_start3A_105] : memref<8192x128xf32, #tpu.memory_space<hbm>> -> memref<128x128xf32, #tpu.memory_space<hbm>>
      tpu.enqueue_dma source(%arg10 : memref<128x128xf32, #tpu.memory_space<vmem>>) target(%dma_start3A_106 : memref<128x128xf32, #tpu.memory_space<hbm>>) target_semaphore(%run_scoped3A : memref<!tpu.dma_semaphore, #tpu.memory_space<semaphore_mem>>)
      %dma_wait3A_107 = arith.constant 0 : i32
      %dma_wait3A_108 = tpu.memref_slice %arg5[%add3A_52, %dma_wait3A_107] : memref<8192x128xf32, #tpu.memory_space<hbm>> -> memref<128x128xf32, #tpu.memory_space<hbm>>
      %dma_wait3A_109 = arith.constant 0 : i32
      %dma_wait3A_110 = tpu.memref_slice %arg5[%add3A_52, %dma_wait3A_109] : memref<8192x128xf32, #tpu.memory_space<hbm>> -> memref<128x128xf32, #tpu.memory_space<hbm>>
      tpu.wait_dma2 semaphore(%run_scoped3A : memref<!tpu.dma_semaphore, #tpu.memory_space<semaphore_mem>>) src(%arg10 : memref<128x128xf32, #tpu.memory_space<vmem>>) dst(%dma_wait3A_110 : memref<128x128xf32, #tpu.memory_space<hbm>>)
      tpu.yield
    }) : () -> ()
    %get3A_53 = arith.constant 128 : index
    %get3A_54 = tpu.vector_load %arg8[%get3A_53] {strides = array<i32>} : memref<256xi32, #tpu.memory_space<vmem>>, vector<16xi32>,
    %gather3A_55 = tpu.vector_load_idx %arg6[%get3A_54] : memref<100016xi32, #tpu.memory_space<vmem>>[vector<16xi32>], vector<16xi32>,
    %swap3A_56 = arith.constant 0 : index
    %swap3A_57 = tpu.vector_load %arg9[%swap3A_56] {strides = array<i32>} : memref<128xi32, #tpu.memory_space<vmem>>, vector<16xi32>,
    tpu.vector_store %arg9[%swap3A_56], %gather3A_55 {strides = array<i32>} : memref<128xi32, #tpu.memory_space<vmem>>, vector<16xi32>,
    %get3A_58 = arith.constant 144 : index
    %get3A_59 = tpu.vector_load %arg8[%get3A_58] {strides = array<i32>} : memref<256xi32, #tpu.memory_space<vmem>>, vector<16xi32>,
    %gather3A_60 = tpu.vector_load_idx %arg6[%get3A_59] : memref<100016xi32, #tpu.memory_space<vmem>>[vector<16xi32>], vector<16xi32>,
    %swap3A_61 = arith.constant 16 : index
    %swap3A_62 = tpu.vector_load %arg9[%swap3A_61] {strides = array<i32>} : memref<128xi32, #tpu.memory_space<vmem>>, vector<16xi32>,
    tpu.vector_store %arg9[%swap3A_61], %gather3A_60 {strides = array<i32>} : memref<128xi32, #tpu.memory_space<vmem>>, vector<16xi32>,
    %get3A_63 = arith.constant 160 : index
    %get3A_64 = tpu.vector_load %arg8[%get3A_63] {strides = array<i32>} : memref<256xi32, #tpu.memory_space<vmem>>, vector<16xi32>,
    %gather3A_65 = tpu.vector_load_idx %arg6[%get3A_64] : memref<100016xi32, #tpu.memory_space<vmem>>[vector<16xi32>], vector<16xi32>,
    %swap3A_66 = arith.constant 32 : index
    %swap3A_67 = tpu.vector_load %arg9[%swap3A_66] {strides = array<i32>} : memref<128xi32, #tpu.memory_space<vmem>>, vector<16xi32>,
    tpu.vector_store %arg9[%swap3A_66], %gather3A_65 {strides = array<i32>} : memref<128xi32, #tpu.memory_space<vmem>>, vector<16xi32>,
    %get3A_68 = arith.constant 176 : index
    %get3A_69 = tpu.vector_load %arg8[%get3A_68] {strides = array<i32>} : memref<256xi32, #tpu.memory_space<vmem>>, vector<16xi32>,
    %gather3A_70 = tpu.vector_load_idx %arg6[%get3A_69] : memref<100016xi32, #tpu.memory_space<vmem>>[vector<16xi32>], vector<16xi32>,
    %swap3A_71 = arith.constant 48 : index
    %swap3A_72 = tpu.vector_load %arg9[%swap3A_71] {strides = array<i32>} : memref<128xi32, #tpu.memory_space<vmem>>, vector<16xi32>,
    tpu.vector_store %arg9[%swap3A_71], %gather3A_70 {strides = array<i32>} : memref<128xi32, #tpu.memory_space<vmem>>, vector<16xi32>,
    %get3A_73 = arith.constant 192 : index
    %get3A_74 = tpu.vector_load %arg8[%get3A_73] {strides = array<i32>} : memref<256xi32, #tpu.memory_space<vmem>>, vector<16xi32>,
    %gather3A_75 = tpu.vector_load_idx %arg6[%get3A_74] : memref<100016xi32, #tpu.memory_space<vmem>>[vector<16xi32>], vector<16xi32>,
    %swap3A_76 = arith.constant 64 : index
    %swap3A_77 = tpu.vector_load %arg9[%swap3A_76] {strides = array<i32>} : memref<128xi32, #tpu.memory_space<vmem>>, vector<16xi32>,
    tpu.vector_store %arg9[%swap3A_76], %gather3A_75 {strides = array<i32>} : memref<128xi32, #tpu.memory_space<vmem>>, vector<16xi32>,
    %get3A_78 = arith.constant 208 : index
    %get3A_79 = tpu.vector_load %arg8[%get3A_78] {strides = array<i32>} : memref<256xi32, #tpu.memory_space<vmem>>, vector<16xi32>,
    %gather3A_80 = tpu.vector_load_idx %arg6[%get3A_79] : memref<100016xi32, #tpu.memory_space<vmem>>[vector<16xi32>], vector<16xi32>,
    %swap3A_81 = arith.constant 80 : index
    %swap3A_82 = tpu.vector_load %arg9[%swap3A_81] {strides = array<i32>} : memref<128xi32, #tpu.memory_space<vmem>>, vector<16xi32>,
    tpu.vector_store %arg9[%swap3A_81], %gather3A_80 {strides = array<i32>} : memref<128xi32, #tpu.memory_space<vmem>>, vector<16xi32>,
    %get3A_83 = arith.constant 224 : index
    %get3A_84 = tpu.vector_load %arg8[%get3A_83] {strides = array<i32>} : memref<256xi32, #tpu.memory_space<vmem>>, vector<16xi32>,
    %gather3A_85 = tpu.vector_load_idx %arg6[%get3A_84] : memref<100016xi32, #tpu.memory_space<vmem>>[vector<16xi32>], vector<16xi32>,
    %swap3A_86 = arith.constant 96 : index
    %swap3A_87 = tpu.vector_load %arg9[%swap3A_86] {strides = array<i32>} : memref<128xi32, #tpu.memory_space<vmem>>, vector<16xi32>,
    tpu.vector_store %arg9[%swap3A_86], %gather3A_85 {strides = array<i32>} : memref<128xi32, #tpu.memory_space<vmem>>, vector<16xi32>,
    %get3A_88 = arith.constant 240 : index
    %get3A_89 = tpu.vector_load %arg8[%get3A_88] {strides = array<i32>} : memref<256xi32, #tpu.memory_space<vmem>>, vector<16xi32>,
    %gather3A_90 = tpu.vector_load_idx %arg6[%get3A_89] : memref<100016xi32, #tpu.memory_space<vmem>>[vector<16xi32>], vector<16xi32>,
    %swap3A_91 = arith.constant 112 : index
    %swap3A_92 = tpu.vector_load %arg9[%swap3A_91] {strides = array<i32>} : memref<128xi32, #tpu.memory_space<vmem>>, vector<16xi32>,
    tpu.vector_store %arg9[%swap3A_91], %gather3A_90 {strides = array<i32>} : memref<128xi32, #tpu.memory_space<vmem>>, vector<16xi32>,
    %dma_start3A_93 = arith.constant 0 : i32
    %dma_start3A_94 = arith.constant 0 : i32
    %dma_start3A_95 = tpu.memref_slice %arg4[%dma_start3A_93, %dma_start3A_94] : memref<8192x128xf32, #tpu.memory_space<hbm>> -> memref<8192x128xf32, #tpu.memory_space<hbm>>
    tpu.enqueue_indirect_dma source(%dma_start3A_95 : memref<8192x128xf32, #tpu.memory_space<hbm>>) target(%arg10 : memref<128x128xf32, #tpu.memory_space<vmem>>) offsets(%arg9 : memref<128xi32, #tpu.memory_space<vmem>>) semaphore(%arg11 : memref<!tpu.dma_semaphore, #tpu.memory_space<semaphore_mem>>)
    %dma_wait3A_96 = arith.constant 0 : i32
    %dma_wait3A_97 = arith.constant 0 : i32
    %dma_wait3A_98 = tpu.memref_slice %arg4[%dma_wait3A_96, %dma_wait3A_97] : memref<8192x128xf32, #tpu.memory_space<hbm>> -> memref<8192x128xf32, #tpu.memory_space<hbm>>
    tpu.wait_indirect_dma semaphore(%arg11 : memref<!tpu.dma_semaphore, #tpu.memory_space<semaphore_mem>>) src(%dma_wait3A_98 : memref<8192x128xf32, #tpu.memory_space<hbm>>) dst(%arg10 : memref<128x128xf32, #tpu.memory_space<vmem>>)
    %mul3A_99 = arith.constant 256 : i32
    %mul3A_100 = arith.muli %add3A, %mul3A_99 : i32
    %add3A_101 = arith.constant 128 : i32
    %add3A_102 = arith.addi %mul3A_100, %add3A_101 : i32
    "tpu.region"() ({
      %run_scoped3A = tpu.sem_alloc : memref<!tpu.dma_semaphore, #tpu.memory_space<semaphore_mem>>
      %dma_start3A_103 = arith.constant 0 : i32
      %dma_start3A_104 = tpu.memref_slice %arg5[%add3A_102, %dma_start3A_103] : memref<8192x128xf32, #tpu.memory_space<hbm>> -> memref<128x128xf32, #tpu.memory_space<hbm>>
      %dma_start3A_105 = arith.constant 0 : i32
      %dma_start3A_106 = tpu.memref_slice %arg5[%add3A_102, %dma_start3A_105] : memref<8192x128xf32, #tpu.memory_space<hbm>> -> memref<128x128xf32, #tpu.memory_space<hbm>>
      tpu.enqueue_dma source(%arg10 : memref<128x128xf32, #tpu.memory_space<vmem>>) target(%dma_start3A_106 : memref<128x128xf32, #tpu.memory_space<hbm>>) target_semaphore(%run_scoped3A : memref<!tpu.dma_semaphore, #tpu.memory_space<semaphore_mem>>)
      %dma_wait3A_107 = arith.constant 0 : i32
      %dma_wait3A_108 = tpu.memref_slice %arg5[%add3A_102, %dma_wait3A_107] : memref<8192x128xf32, #tpu.memory_space<hbm>> -> memref<128x128xf32, #tpu.memory_space<hbm>>
      %dma_wait3A_109 = arith.constant 0 : i32
      %dma_wait3A_110 = tpu.memref_slice %arg5[%add3A_102, %dma_wait3A_109] : memref<8192x128xf32, #tpu.memory_space<hbm>> -> memref<128x128xf32, #tpu.memory_space<hbm>>
      tpu.wait_dma2 semaphore(%run_scoped3A : memref<!tpu.dma_semaphore, #tpu.memory_space<semaphore_mem>>) src(%arg10 : memref<128x128xf32, #tpu.memory_space<vmem>>) dst(%dma_wait3A_110 : memref<128x128xf32, #tpu.memory_space<hbm>>)
      tpu.yield
    }) : () -> ()
    return
  }
}

#map = affine_map<(d0, d1) -> (0, 0)>
module attributes {stable_mosaic.version = 14 : i64} {
  func.func @_k1_body(%arg0: i32, %arg1: i32, %arg2: memref<100000x128xf32, #tpu.memory_space<hbm>>, %arg3: memref<1600000x16xf32, #tpu.memory_space<hbm>>, %arg4: memref<64x128xi32, #tpu.memory_space<hbm>>, %arg5: memref<32x128xi32, #tpu.memory_space<hbm>>, %arg6: memref<8192x128xf32, #tpu.memory_space<hbm>>, %arg7: memref<4096x16xf32, #tpu.memory_space<hbm>>, %arg8: memref<128xi32, #tpu.memory_space<vmem>>, %arg9: memref<128x128xf32, #tpu.memory_space<vmem>>, %arg10: memref<128x16xf32, #tpu.memory_space<vmem>>, %arg11: memref<!tpu.dma_semaphore, #tpu.memory_space<semaphore_mem>>) attributes {dimension_semantics = [#tpu.dimension_semantics<core_parallel>, #tpu.dimension_semantics<subcore_parallel>], iteration_bounds = array<i64: 2, 16>, scalar_prefetch = 0 : i64, scratch_operands = 4 : i64, tpu.core_type = #tpu.core_type<sc_vector_subcore>, window_params = [{transform_indices = #map}, {transform_indices = #map}, {transform_indices = #map}, {transform_indices = #map}, {transform_indices = #map}, {transform_indices = #map}]} {
    %mul3A = arith.constant 2 : i32
    %mul3A_0 = arith.muli %arg1, %mul3A : i32
    %add3A = arith.addi %mul3A_0, %arg0 : i32
    %mul3A_1 = arith.constant 2 : i32
    %mul3A_2 = arith.muli %add3A, %mul3A_1 : i32
    %add3A_3 = arith.constant 0 : i32
    %add3A_4 = arith.addi %mul3A_2, %add3A_3 : i32
    "tpu.region"() ({
      %run_scoped3A = tpu.sem_alloc : memref<!tpu.dma_semaphore, #tpu.memory_space<semaphore_mem>>
      %dma_start3A_39 = arith.constant 0 : i32
      %dma_start3A_40 = tpu.memref_slice %arg4[%add3A_4, %dma_start3A_39] : memref<64x128xi32, #tpu.memory_space<hbm>> -> memref<1x128xi32, #tpu.memory_space<hbm>>
      %dma_start3A_41 = tpu.memref_squeeze %dma_start3A_40 : memref<1x128xi32, #tpu.memory_space<hbm>> -> memref<128xi32, #tpu.memory_space<hbm>>
      %dma_start3A_42 = arith.constant 0 : i32
      %dma_start3A_43 = tpu.memref_slice %arg4[%add3A_4, %dma_start3A_42] : memref<64x128xi32, #tpu.memory_space<hbm>> -> memref<1x128xi32, #tpu.memory_space<hbm>>
      %dma_start3A_44 = tpu.memref_squeeze %dma_start3A_43 : memref<1x128xi32, #tpu.memory_space<hbm>> -> memref<128xi32, #tpu.memory_space<hbm>>
      tpu.enqueue_dma source(%dma_start3A_44 : memref<128xi32, #tpu.memory_space<hbm>>) target(%arg8 : memref<128xi32, #tpu.memory_space<vmem>>) target_semaphore(%run_scoped3A : memref<!tpu.dma_semaphore, #tpu.memory_space<semaphore_mem>>)
      %dma_wait3A_45 = arith.constant 0 : i32
      %dma_wait3A_46 = tpu.memref_slice %arg4[%add3A_4, %dma_wait3A_45] : memref<64x128xi32, #tpu.memory_space<hbm>> -> memref<1x128xi32, #tpu.memory_space<hbm>>
      %dma_wait3A_47 = tpu.memref_squeeze %dma_wait3A_46 : memref<1x128xi32, #tpu.memory_space<hbm>> -> memref<128xi32, #tpu.memory_space<hbm>>
      %dma_wait3A_48 = arith.constant 0 : i32
      %dma_wait3A_49 = tpu.memref_slice %arg4[%add3A_4, %dma_wait3A_48] : memref<64x128xi32, #tpu.memory_space<hbm>> -> memref<1x128xi32, #tpu.memory_space<hbm>>
      %dma_wait3A_50 = tpu.memref_squeeze %dma_wait3A_49 : memref<1x128xi32, #tpu.memory_space<hbm>> -> memref<128xi32, #tpu.memory_space<hbm>>
      tpu.wait_dma2 semaphore(%run_scoped3A : memref<!tpu.dma_semaphore, #tpu.memory_space<semaphore_mem>>) src(%dma_wait3A_50 : memref<128xi32, #tpu.memory_space<hbm>>) dst(%arg8 : memref<128xi32, #tpu.memory_space<vmem>>)
      tpu.yield
    }) : () -> ()
    %dma_start3A = arith.constant 0 : i32
    %dma_start3A_5 = arith.constant 0 : i32
    %dma_start3A_6 = tpu.memref_slice %arg2[%dma_start3A, %dma_start3A_5] : memref<100000x128xf32, #tpu.memory_space<hbm>> -> memref<100000x128xf32, #tpu.memory_space<hbm>>
    tpu.enqueue_indirect_dma source(%dma_start3A_6 : memref<100000x128xf32, #tpu.memory_space<hbm>>) target(%arg9 : memref<128x128xf32, #tpu.memory_space<vmem>>) offsets(%arg8 : memref<128xi32, #tpu.memory_space<vmem>>) semaphore(%arg11 : memref<!tpu.dma_semaphore, #tpu.memory_space<semaphore_mem>>)
    %dma_wait3A = arith.constant 0 : i32
    %dma_wait3A_7 = arith.constant 0 : i32
    %dma_wait3A_8 = tpu.memref_slice %arg2[%dma_wait3A, %dma_wait3A_7] : memref<100000x128xf32, #tpu.memory_space<hbm>> -> memref<100000x128xf32, #tpu.memory_space<hbm>>
    tpu.wait_indirect_dma semaphore(%arg11 : memref<!tpu.dma_semaphore, #tpu.memory_space<semaphore_mem>>) src(%dma_wait3A_8 : memref<100000x128xf32, #tpu.memory_space<hbm>>) dst(%arg9 : memref<128x128xf32, #tpu.memory_space<vmem>>)
    %mul3A_9 = arith.constant 2 : i32
    %mul3A_10 = arith.muli %add3A, %mul3A_9 : i32
    %add3A_11 = arith.constant 0 : i32
    %add3A_12 = arith.addi %mul3A_10, %add3A_11 : i32
    %mul3A_13 = arith.constant 128 : i32
    %mul3A_14 = arith.muli %add3A_12, %mul3A_13 : i32
    "tpu.region"() ({
      %run_scoped3A = tpu.sem_alloc : memref<!tpu.dma_semaphore, #tpu.memory_space<semaphore_mem>>
      %dma_start3A_39 = arith.constant 0 : i32
      %dma_start3A_40 = tpu.memref_slice %arg6[%mul3A_14, %dma_start3A_39] : memref<8192x128xf32, #tpu.memory_space<hbm>> -> memref<128x128xf32, #tpu.memory_space<hbm>>
      %dma_start3A_41 = arith.constant 0 : i32
      %dma_start3A_42 = tpu.memref_slice %arg6[%mul3A_14, %dma_start3A_41] : memref<8192x128xf32, #tpu.memory_space<hbm>> -> memref<128x128xf32, #tpu.memory_space<hbm>>
      tpu.enqueue_dma source(%arg9 : memref<128x128xf32, #tpu.memory_space<vmem>>) target(%dma_start3A_42 : memref<128x128xf32, #tpu.memory_space<hbm>>) target_semaphore(%run_scoped3A : memref<!tpu.dma_semaphore, #tpu.memory_space<semaphore_mem>>)
      %dma_wait3A_43 = arith.constant 0 : i32
      %dma_wait3A_44 = tpu.memref_slice %arg6[%mul3A_14, %dma_wait3A_43] : memref<8192x128xf32, #tpu.memory_space<hbm>> -> memref<128x128xf32, #tpu.memory_space<hbm>>
      %dma_wait3A_45 = arith.constant 0 : i32
      %dma_wait3A_46 = tpu.memref_slice %arg6[%mul3A_14, %dma_wait3A_45] : memref<8192x128xf32, #tpu.memory_space<hbm>> -> memref<128x128xf32, #tpu.memory_space<hbm>>
      tpu.wait_dma2 semaphore(%run_scoped3A : memref<!tpu.dma_semaphore, #tpu.memory_space<semaphore_mem>>) src(%arg9 : memref<128x128xf32, #tpu.memory_space<vmem>>) dst(%dma_wait3A_46 : memref<128x128xf32, #tpu.memory_space<hbm>>)
      tpu.yield
    }) : () -> ()
    %mul3A_15 = arith.constant 2 : i32
    %mul3A_16 = arith.muli %add3A, %mul3A_15 : i32
    %add3A_17 = arith.constant 1 : i32
    %add3A_18 = arith.addi %mul3A_16, %add3A_17 : i32
    "tpu.region"() ({
      %run_scoped3A = tpu.sem_alloc : memref<!tpu.dma_semaphore, #tpu.memory_space<semaphore_mem>>
      %dma_start3A_39 = arith.constant 0 : i32
      %dma_start3A_40 = tpu.memref_slice %arg4[%add3A_18, %dma_start3A_39] : memref<64x128xi32, #tpu.memory_space<hbm>> -> memref<1x128xi32, #tpu.memory_space<hbm>>
      %dma_start3A_41 = tpu.memref_squeeze %dma_start3A_40 : memref<1x128xi32, #tpu.memory_space<hbm>> -> memref<128xi32, #tpu.memory_space<hbm>>
      %dma_start3A_42 = arith.constant 0 : i32
      %dma_start3A_43 = tpu.memref_slice %arg4[%add3A_18, %dma_start3A_42] : memref<64x128xi32, #tpu.memory_space<hbm>> -> memref<1x128xi32, #tpu.memory_space<hbm>>
      %dma_start3A_44 = tpu.memref_squeeze %dma_start3A_43 : memref<1x128xi32, #tpu.memory_space<hbm>> -> memref<128xi32, #tpu.memory_space<hbm>>
      tpu.enqueue_dma source(%dma_start3A_44 : memref<128xi32, #tpu.memory_space<hbm>>) target(%arg8 : memref<128xi32, #tpu.memory_space<vmem>>) target_semaphore(%run_scoped3A : memref<!tpu.dma_semaphore, #tpu.memory_space<semaphore_mem>>)
      %dma_wait3A_45 = arith.constant 0 : i32
      %dma_wait3A_46 = tpu.memref_slice %arg4[%add3A_18, %dma_wait3A_45] : memref<64x128xi32, #tpu.memory_space<hbm>> -> memref<1x128xi32, #tpu.memory_space<hbm>>
      %dma_wait3A_47 = tpu.memref_squeeze %dma_wait3A_46 : memref<1x128xi32, #tpu.memory_space<hbm>> -> memref<128xi32, #tpu.memory_space<hbm>>
      %dma_wait3A_48 = arith.constant 0 : i32
      %dma_wait3A_49 = tpu.memref_slice %arg4[%add3A_18, %dma_wait3A_48] : memref<64x128xi32, #tpu.memory_space<hbm>> -> memref<1x128xi32, #tpu.memory_space<hbm>>
      %dma_wait3A_50 = tpu.memref_squeeze %dma_wait3A_49 : memref<1x128xi32, #tpu.memory_space<hbm>> -> memref<128xi32, #tpu.memory_space<hbm>>
      tpu.wait_dma2 semaphore(%run_scoped3A : memref<!tpu.dma_semaphore, #tpu.memory_space<semaphore_mem>>) src(%dma_wait3A_50 : memref<128xi32, #tpu.memory_space<hbm>>) dst(%arg8 : memref<128xi32, #tpu.memory_space<vmem>>)
      tpu.yield
    }) : () -> ()
    %dma_start3A_19 = arith.constant 0 : i32
    %dma_start3A_20 = arith.constant 0 : i32
    %dma_start3A_21 = tpu.memref_slice %arg2[%dma_start3A_19, %dma_start3A_20] : memref<100000x128xf32, #tpu.memory_space<hbm>> -> memref<100000x128xf32, #tpu.memory_space<hbm>>
    tpu.enqueue_indirect_dma source(%dma_start3A_21 : memref<100000x128xf32, #tpu.memory_space<hbm>>) target(%arg9 : memref<128x128xf32, #tpu.memory_space<vmem>>) offsets(%arg8 : memref<128xi32, #tpu.memory_space<vmem>>) semaphore(%arg11 : memref<!tpu.dma_semaphore, #tpu.memory_space<semaphore_mem>>)
    %dma_wait3A_22 = arith.constant 0 : i32
    %dma_wait3A_23 = arith.constant 0 : i32
    %dma_wait3A_24 = tpu.memref_slice %arg2[%dma_wait3A_22, %dma_wait3A_23] : memref<100000x128xf32, #tpu.memory_space<hbm>> -> memref<100000x128xf32, #tpu.memory_space<hbm>>
    tpu.wait_indirect_dma semaphore(%arg11 : memref<!tpu.dma_semaphore, #tpu.memory_space<semaphore_mem>>) src(%dma_wait3A_24 : memref<100000x128xf32, #tpu.memory_space<hbm>>) dst(%arg9 : memref<128x128xf32, #tpu.memory_space<vmem>>)
    %mul3A_25 = arith.constant 2 : i32
    %mul3A_26 = arith.muli %add3A, %mul3A_25 : i32
    %add3A_27 = arith.constant 1 : i32
    %add3A_28 = arith.addi %mul3A_26, %add3A_27 : i32
    %mul3A_29 = arith.constant 128 : i32
    %mul3A_30 = arith.muli %add3A_28, %mul3A_29 : i32
    "tpu.region"() ({
      %run_scoped3A = tpu.sem_alloc : memref<!tpu.dma_semaphore, #tpu.memory_space<semaphore_mem>>
      %dma_start3A_39 = arith.constant 0 : i32
      %dma_start3A_40 = tpu.memref_slice %arg6[%mul3A_30, %dma_start3A_39] : memref<8192x128xf32, #tpu.memory_space<hbm>> -> memref<128x128xf32, #tpu.memory_space<hbm>>
      %dma_start3A_41 = arith.constant 0 : i32
      %dma_start3A_42 = tpu.memref_slice %arg6[%mul3A_30, %dma_start3A_41] : memref<8192x128xf32, #tpu.memory_space<hbm>> -> memref<128x128xf32, #tpu.memory_space<hbm>>
      tpu.enqueue_dma source(%arg9 : memref<128x128xf32, #tpu.memory_space<vmem>>) target(%dma_start3A_42 : memref<128x128xf32, #tpu.memory_space<hbm>>) target_semaphore(%run_scoped3A : memref<!tpu.dma_semaphore, #tpu.memory_space<semaphore_mem>>)
      %dma_wait3A_43 = arith.constant 0 : i32
      %dma_wait3A_44 = tpu.memref_slice %arg6[%mul3A_30, %dma_wait3A_43] : memref<8192x128xf32, #tpu.memory_space<hbm>> -> memref<128x128xf32, #tpu.memory_space<hbm>>
      %dma_wait3A_45 = arith.constant 0 : i32
      %dma_wait3A_46 = tpu.memref_slice %arg6[%mul3A_30, %dma_wait3A_45] : memref<8192x128xf32, #tpu.memory_space<hbm>> -> memref<128x128xf32, #tpu.memory_space<hbm>>
      tpu.wait_dma2 semaphore(%run_scoped3A : memref<!tpu.dma_semaphore, #tpu.memory_space<semaphore_mem>>) src(%arg9 : memref<128x128xf32, #tpu.memory_space<vmem>>) dst(%dma_wait3A_46 : memref<128x128xf32, #tpu.memory_space<hbm>>)
      tpu.yield
    }) : () -> ()
    "tpu.region"() ({
      %run_scoped3A = tpu.sem_alloc : memref<!tpu.dma_semaphore, #tpu.memory_space<semaphore_mem>>
      %dma_start3A_39 = arith.constant 0 : i32
      %dma_start3A_40 = tpu.memref_slice %arg5[%add3A, %dma_start3A_39] : memref<32x128xi32, #tpu.memory_space<hbm>> -> memref<1x128xi32, #tpu.memory_space<hbm>>
      %dma_start3A_41 = tpu.memref_squeeze %dma_start3A_40 : memref<1x128xi32, #tpu.memory_space<hbm>> -> memref<128xi32, #tpu.memory_space<hbm>>
      %dma_start3A_42 = arith.constant 0 : i32
      %dma_start3A_43 = tpu.memref_slice %arg5[%add3A, %dma_start3A_42] : memref<32x128xi32, #tpu.memory_space<hbm>> -> memref<1x128xi32, #tpu.memory_space<hbm>>
      %dma_start3A_44 = tpu.memref_squeeze %dma_start3A_43 : memref<1x128xi32, #tpu.memory_space<hbm>> -> memref<128xi32, #tpu.memory_space<hbm>>
      tpu.enqueue_dma source(%dma_start3A_44 : memref<128xi32, #tpu.memory_space<hbm>>) target(%arg8 : memref<128xi32, #tpu.memory_space<vmem>>) target_semaphore(%run_scoped3A : memref<!tpu.dma_semaphore, #tpu.memory_space<semaphore_mem>>)
      %dma_wait3A_45 = arith.constant 0 : i32
      %dma_wait3A_46 = tpu.memref_slice %arg5[%add3A, %dma_wait3A_45] : memref<32x128xi32, #tpu.memory_space<hbm>> -> memref<1x128xi32, #tpu.memory_space<hbm>>
      %dma_wait3A_47 = tpu.memref_squeeze %dma_wait3A_46 : memref<1x128xi32, #tpu.memory_space<hbm>> -> memref<128xi32, #tpu.memory_space<hbm>>
      %dma_wait3A_48 = arith.constant 0 : i32
      %dma_wait3A_49 = tpu.memref_slice %arg5[%add3A, %dma_wait3A_48] : memref<32x128xi32, #tpu.memory_space<hbm>> -> memref<1x128xi32, #tpu.memory_space<hbm>>
      %dma_wait3A_50 = tpu.memref_squeeze %dma_wait3A_49 : memref<1x128xi32, #tpu.memory_space<hbm>> -> memref<128xi32, #tpu.memory_space<hbm>>
      tpu.wait_dma2 semaphore(%run_scoped3A : memref<!tpu.dma_semaphore, #tpu.memory_space<semaphore_mem>>) src(%dma_wait3A_50 : memref<128xi32, #tpu.memory_space<hbm>>) dst(%arg8 : memref<128xi32, #tpu.memory_space<vmem>>)
      tpu.yield
    }) : () -> ()
    %dma_start3A_31 = arith.constant 0 : i32
    %dma_start3A_32 = arith.constant 0 : i32
    %dma_start3A_33 = tpu.memref_slice %arg3[%dma_start3A_31, %dma_start3A_32] : memref<1600000x16xf32, #tpu.memory_space<hbm>> -> memref<1600000x16xf32, #tpu.memory_space<hbm>>
    tpu.enqueue_indirect_dma source(%dma_start3A_33 : memref<1600000x16xf32, #tpu.memory_space<hbm>>) target(%arg10 : memref<128x16xf32, #tpu.memory_space<vmem>>) offsets(%arg8 : memref<128xi32, #tpu.memory_space<vmem>>) semaphore(%arg11 : memref<!tpu.dma_semaphore, #tpu.memory_space<semaphore_mem>>)
    %dma_wait3A_34 = arith.constant 0 : i32
    %dma_wait3A_35 = arith.constant 0 : i32
    %dma_wait3A_36 = tpu.memref_slice %arg3[%dma_wait3A_34, %dma_wait3A_35] : memref<1600000x16xf32, #tpu.memory_space<hbm>> -> memref<1600000x16xf32, #tpu.memory_space<hbm>>
    tpu.wait_indirect_dma semaphore(%arg11 : memref<!tpu.dma_semaphore, #tpu.memory_space<semaphore_mem>>) src(%dma_wait3A_36 : memref<1600000x16xf32, #tpu.memory_space<hbm>>) dst(%arg10 : memref<128x16xf32, #tpu.memory_space<vmem>>)
    %mul3A_37 = arith.constant 128 : i32
    %mul3A_38 = arith.muli %add3A, %mul3A_37 : i32
    "tpu.region"() ({
      %run_scoped3A = tpu.sem_alloc : memref<!tpu.dma_semaphore, #tpu.memory_space<semaphore_mem>>
      %dma_start3A_39 = arith.constant 0 : i32
      %dma_start3A_40 = tpu.memref_slice %arg7[%mul3A_38, %dma_start3A_39] : memref<4096x16xf32, #tpu.memory_space<hbm>> -> memref<128x16xf32, #tpu.memory_space<hbm>>
      %dma_start3A_41 = arith.constant 0 : i32
      %dma_start3A_42 = tpu.memref_slice %arg7[%mul3A_38, %dma_start3A_41] : memref<4096x16xf32, #tpu.memory_space<hbm>> -> memref<128x16xf32, #tpu.memory_space<hbm>>
      tpu.enqueue_dma source(%arg10 : memref<128x16xf32, #tpu.memory_space<vmem>>) target(%dma_start3A_42 : memref<128x16xf32, #tpu.memory_space<hbm>>) target_semaphore(%run_scoped3A : memref<!tpu.dma_semaphore, #tpu.memory_space<semaphore_mem>>)
      %dma_wait3A_43 = arith.constant 0 : i32
      %dma_wait3A_44 = tpu.memref_slice %arg7[%mul3A_38, %dma_wait3A_43] : memref<4096x16xf32, #tpu.memory_space<hbm>> -> memref<128x16xf32, #tpu.memory_space<hbm>>
      %dma_wait3A_45 = arith.constant 0 : i32
      %dma_wait3A_46 = tpu.memref_slice %arg7[%mul3A_38, %dma_wait3A_45] : memref<4096x16xf32, #tpu.memory_space<hbm>> -> memref<128x16xf32, #tpu.memory_space<hbm>>
      tpu.wait_dma2 semaphore(%run_scoped3A : memref<!tpu.dma_semaphore, #tpu.memory_space<semaphore_mem>>) src(%arg10 : memref<128x16xf32, #tpu.memory_space<vmem>>) dst(%dma_wait3A_46 : memref<128x16xf32, #tpu.memory_space<hbm>>)
      tpu.yield
    }) : () -> ()
    return
  }
}

#map = affine_map<(d0, d1) -> (0, 0)>
module attributes {stable_mosaic.version = 14 : i64} {
  func.func @_k6_body(%arg0: i32, %arg1: i32, %arg2: memref<100000x128xf32, #tpu.memory_space<hbm>>, %arg3: memref<96x128xi32, #tpu.memory_space<hbm>>, %arg4: memref<1536x128xi32, #tpu.memory_space<hbm>>, %arg5: memref<1536x128xi32, #tpu.memory_space<hbm>>, %arg6: memref<1600000x16xf32, #tpu.memory_space<hbm>>, %arg7: memref<12288x128xf32, #tpu.memory_space<hbm>>, %arg8: memref<196608x128xf32, #tpu.memory_space<hbm>>, %arg9: memref<196608x16xf32, #tpu.memory_space<hbm>>, %arg10: memref<128xi32, #tpu.memory_space<vmem>>, %arg11: memref<128x128xf32, #tpu.memory_space<vmem>>, %arg12: memref<128x16xf32, #tpu.memory_space<vmem>>, %arg13: memref<!tpu.dma_semaphore, #tpu.memory_space<semaphore_mem>>) attributes {dimension_semantics = [#tpu.dimension_semantics<core_parallel>, #tpu.dimension_semantics<subcore_parallel>], iteration_bounds = array<i64: 2, 16>, scalar_prefetch = 0 : i64, scratch_operands = 4 : i64, tpu.core_type = #tpu.core_type<sc_vector_subcore>, window_params = [{transform_indices = #map}, {transform_indices = #map}, {transform_indices = #map}, {transform_indices = #map}, {transform_indices = #map}, {transform_indices = #map}, {transform_indices = #map}, {transform_indices = #map}]} {
    %mul3A = arith.constant 2 : i32
    %mul3A_0 = arith.muli %arg1, %mul3A : i32
    %add3A = arith.addi %mul3A_0, %arg0 : i32
    %mul3A_1 = arith.constant 3 : i32
    %mul3A_2 = arith.muli %add3A, %mul3A_1 : i32
    %add3A_3 = arith.constant 0 : i32
    %add3A_4 = arith.addi %mul3A_2, %add3A_3 : i32
    "tpu.region"() ({
      %run_scoped3A = tpu.sem_alloc : memref<!tpu.dma_semaphore, #tpu.memory_space<semaphore_mem>>
      %dma_start3A_52 = arith.constant 0 : i32
      %dma_start3A_53 = tpu.memref_slice %arg3[%add3A_4, %dma_start3A_52] : memref<96x128xi32, #tpu.memory_space<hbm>> -> memref<1x128xi32, #tpu.memory_space<hbm>>
      %dma_start3A_54 = tpu.memref_squeeze %dma_start3A_53 : memref<1x128xi32, #tpu.memory_space<hbm>> -> memref<128xi32, #tpu.memory_space<hbm>>
      %dma_start3A_55 = arith.constant 0 : i32
      %dma_start3A_56 = tpu.memref_slice %arg3[%add3A_4, %dma_start3A_55] : memref<96x128xi32, #tpu.memory_space<hbm>> -> memref<1x128xi32, #tpu.memory_space<hbm>>
      %dma_start3A_57 = tpu.memref_squeeze %dma_start3A_56 : memref<1x128xi32, #tpu.memory_space<hbm>> -> memref<128xi32, #tpu.memory_space<hbm>>
      tpu.enqueue_dma source(%dma_start3A_57 : memref<128xi32, #tpu.memory_space<hbm>>) target(%arg10 : memref<128xi32, #tpu.memory_space<vmem>>) target_semaphore(%run_scoped3A : memref<!tpu.dma_semaphore, #tpu.memory_space<semaphore_mem>>)
      %dma_wait3A_58 = arith.constant 0 : i32
      %dma_wait3A_59 = tpu.memref_slice %arg3[%add3A_4, %dma_wait3A_58] : memref<96x128xi32, #tpu.memory_space<hbm>> -> memref<1x128xi32, #tpu.memory_space<hbm>>
      %dma_wait3A_60 = tpu.memref_squeeze %dma_wait3A_59 : memref<1x128xi32, #tpu.memory_space<hbm>> -> memref<128xi32, #tpu.memory_space<hbm>>
      %dma_wait3A_61 = arith.constant 0 : i32
      %dma_wait3A_62 = tpu.memref_slice %arg3[%add3A_4, %dma_wait3A_61] : memref<96x128xi32, #tpu.memory_space<hbm>> -> memref<1x128xi32, #tpu.memory_space<hbm>>
      %dma_wait3A_63 = tpu.memref_squeeze %dma_wait3A_62 : memref<1x128xi32, #tpu.memory_space<hbm>> -> memref<128xi32, #tpu.memory_space<hbm>>
      tpu.wait_dma2 semaphore(%run_scoped3A : memref<!tpu.dma_semaphore, #tpu.memory_space<semaphore_mem>>) src(%dma_wait3A_63 : memref<128xi32, #tpu.memory_space<hbm>>) dst(%arg10 : memref<128xi32, #tpu.memory_space<vmem>>)
      tpu.yield
    }) : () -> ()
    %dma_start3A = arith.constant 0 : i32
    %dma_start3A_5 = arith.constant 0 : i32
    %dma_start3A_6 = tpu.memref_slice %arg2[%dma_start3A, %dma_start3A_5] : memref<100000x128xf32, #tpu.memory_space<hbm>> -> memref<100000x128xf32, #tpu.memory_space<hbm>>
    tpu.enqueue_indirect_dma source(%dma_start3A_6 : memref<100000x128xf32, #tpu.memory_space<hbm>>) target(%arg11 : memref<128x128xf32, #tpu.memory_space<vmem>>) offsets(%arg10 : memref<128xi32, #tpu.memory_space<vmem>>) semaphore(%arg13 : memref<!tpu.dma_semaphore, #tpu.memory_space<semaphore_mem>>)
    %dma_wait3A = arith.constant 0 : i32
    %dma_wait3A_7 = arith.constant 0 : i32
    %dma_wait3A_8 = tpu.memref_slice %arg2[%dma_wait3A, %dma_wait3A_7] : memref<100000x128xf32, #tpu.memory_space<hbm>> -> memref<100000x128xf32, #tpu.memory_space<hbm>>
    tpu.wait_indirect_dma semaphore(%arg13 : memref<!tpu.dma_semaphore, #tpu.memory_space<semaphore_mem>>) src(%dma_wait3A_8 : memref<100000x128xf32, #tpu.memory_space<hbm>>) dst(%arg11 : memref<128x128xf32, #tpu.memory_space<vmem>>)
    %mul3A_9 = arith.constant 3 : i32
    %mul3A_10 = arith.muli %add3A, %mul3A_9 : i32
    %add3A_11 = arith.constant 0 : i32
    %add3A_12 = arith.addi %mul3A_10, %add3A_11 : i32
    %mul3A_13 = arith.constant 128 : i32
    %mul3A_14 = arith.muli %add3A_12, %mul3A_13 : i32
    "tpu.region"() ({
      %run_scoped3A = tpu.sem_alloc : memref<!tpu.dma_semaphore, #tpu.memory_space<semaphore_mem>>
      %dma_start3A_52 = arith.constant 0 : i32
      %dma_start3A_53 = tpu.memref_slice %arg7[%mul3A_14, %dma_start3A_52] : memref<12288x128xf32, #tpu.memory_space<hbm>> -> memref<128x128xf32, #tpu.memory_space<hbm>>
      %dma_start3A_54 = arith.constant 0 : i32
      %dma_start3A_55 = tpu.memref_slice %arg7[%mul3A_14, %dma_start3A_54] : memref<12288x128xf32, #tpu.memory_space<hbm>> -> memref<128x128xf32, #tpu.memory_space<hbm>>
      tpu.enqueue_dma source(%arg11 : memref<128x128xf32, #tpu.memory_space<vmem>>) target(%dma_start3A_55 : memref<128x128xf32, #tpu.memory_space<hbm>>) target_semaphore(%run_scoped3A : memref<!tpu.dma_semaphore, #tpu.memory_space<semaphore_mem>>)
      %dma_wait3A_56 = arith.constant 0 : i32
      %dma_wait3A_57 = tpu.memref_slice %arg7[%mul3A_14, %dma_wait3A_56] : memref<12288x128xf32, #tpu.memory_space<hbm>> -> memref<128x128xf32, #tpu.memory_space<hbm>>
      %dma_wait3A_58 = arith.constant 0 : i32
      %dma_wait3A_59 = tpu.memref_slice %arg7[%mul3A_14, %dma_wait3A_58] : memref<12288x128xf32, #tpu.memory_space<hbm>> -> memref<128x128xf32, #tpu.memory_space<hbm>>
      tpu.wait_dma2 semaphore(%run_scoped3A : memref<!tpu.dma_semaphore, #tpu.memory_space<semaphore_mem>>) src(%arg11 : memref<128x128xf32, #tpu.memory_space<vmem>>) dst(%dma_wait3A_59 : memref<128x128xf32, #tpu.memory_space<hbm>>)
      tpu.yield
    }) : () -> ()
    %mul3A_15 = arith.constant 3 : i32
    %mul3A_16 = arith.muli %add3A, %mul3A_15 : i32
    %add3A_17 = arith.constant 1 : i32
    %add3A_18 = arith.addi %mul3A_16, %add3A_17 : i32
    "tpu.region"() ({
      %run_scoped3A = tpu.sem_alloc : memref<!tpu.dma_semaphore, #tpu.memory_space<semaphore_mem>>
      %dma_start3A_52 = arith.constant 0 : i32
      %dma_start3A_53 = tpu.memref_slice %arg3[%add3A_18, %dma_start3A_52] : memref<96x128xi32, #tpu.memory_space<hbm>> -> memref<1x128xi32, #tpu.memory_space<hbm>>
      %dma_start3A_54 = tpu.memref_squeeze %dma_start3A_53 : memref<1x128xi32, #tpu.memory_space<hbm>> -> memref<128xi32, #tpu.memory_space<hbm>>
      %dma_start3A_55 = arith.constant 0 : i32
      %dma_start3A_56 = tpu.memref_slice %arg3[%add3A_18, %dma_start3A_55] : memref<96x128xi32, #tpu.memory_space<hbm>> -> memref<1x128xi32, #tpu.memory_space<hbm>>
      %dma_start3A_57 = tpu.memref_squeeze %dma_start3A_56 : memref<1x128xi32, #tpu.memory_space<hbm>> -> memref<128xi32, #tpu.memory_space<hbm>>
      tpu.enqueue_dma source(%dma_start3A_57 : memref<128xi32, #tpu.memory_space<hbm>>) target(%arg10 : memref<128xi32, #tpu.memory_space<vmem>>) target_semaphore(%run_scoped3A : memref<!tpu.dma_semaphore, #tpu.memory_space<semaphore_mem>>)
      %dma_wait3A_58 = arith.constant 0 : i32
      %dma_wait3A_59 = tpu.memref_slice %arg3[%add3A_18, %dma_wait3A_58] : memref<96x128xi32, #tpu.memory_space<hbm>> -> memref<1x128xi32, #tpu.memory_space<hbm>>
      %dma_wait3A_60 = tpu.memref_squeeze %dma_wait3A_59 : memref<1x128xi32, #tpu.memory_space<hbm>> -> memref<128xi32, #tpu.memory_space<hbm>>
      %dma_wait3A_61 = arith.constant 0 : i32
      %dma_wait3A_62 = tpu.memref_slice %arg3[%add3A_18, %dma_wait3A_61] : memref<96x128xi32, #tpu.memory_space<hbm>> -> memref<1x128xi32, #tpu.memory_space<hbm>>
      %dma_wait3A_63 = tpu.memref_squeeze %dma_wait3A_62 : memref<1x128xi32, #tpu.memory_space<hbm>> -> memref<128xi32, #tpu.memory_space<hbm>>
      tpu.wait_dma2 semaphore(%run_scoped3A : memref<!tpu.dma_semaphore, #tpu.memory_space<semaphore_mem>>) src(%dma_wait3A_63 : memref<128xi32, #tpu.memory_space<hbm>>) dst(%arg10 : memref<128xi32, #tpu.memory_space<vmem>>)
      tpu.yield
    }) : () -> ()
    %dma_start3A_19 = arith.constant 0 : i32
    %dma_start3A_20 = arith.constant 0 : i32
    %dma_start3A_21 = tpu.memref_slice %arg2[%dma_start3A_19, %dma_start3A_20] : memref<100000x128xf32, #tpu.memory_space<hbm>> -> memref<100000x128xf32, #tpu.memory_space<hbm>>
    tpu.enqueue_indirect_dma source(%dma_start3A_21 : memref<100000x128xf32, #tpu.memory_space<hbm>>) target(%arg11 : memref<128x128xf32, #tpu.memory_space<vmem>>) offsets(%arg10 : memref<128xi32, #tpu.memory_space<vmem>>) semaphore(%arg13 : memref<!tpu.dma_semaphore, #tpu.memory_space<semaphore_mem>>)
    %dma_wait3A_22 = arith.constant 0 : i32
    %dma_wait3A_23 = arith.constant 0 : i32
    %dma_wait3A_24 = tpu.memref_slice %arg2[%dma_wait3A_22, %dma_wait3A_23] : memref<100000x128xf32, #tpu.memory_space<hbm>> -> memref<100000x128xf32, #tpu.memory_space<hbm>>
    tpu.wait_indirect_dma semaphore(%arg13 : memref<!tpu.dma_semaphore, #tpu.memory_space<semaphore_mem>>) src(%dma_wait3A_24 : memref<100000x128xf32, #tpu.memory_space<hbm>>) dst(%arg11 : memref<128x128xf32, #tpu.memory_space<vmem>>)
    %mul3A_25 = arith.constant 3 : i32
    %mul3A_26 = arith.muli %add3A, %mul3A_25 : i32
    %add3A_27 = arith.constant 1 : i32
    %add3A_28 = arith.addi %mul3A_26, %add3A_27 : i32
    %mul3A_29 = arith.constant 128 : i32
    %mul3A_30 = arith.muli %add3A_28, %mul3A_29 : i32
    "tpu.region"() ({
      %run_scoped3A = tpu.sem_alloc : memref<!tpu.dma_semaphore, #tpu.memory_space<semaphore_mem>>
      %dma_start3A_52 = arith.constant 0 : i32
      %dma_start3A_53 = tpu.memref_slice %arg7[%mul3A_30, %dma_start3A_52] : memref<12288x128xf32, #tpu.memory_space<hbm>> -> memref<128x128xf32, #tpu.memory_space<hbm>>
      %dma_start3A_54 = arith.constant 0 : i32
      %dma_start3A_55 = tpu.memref_slice %arg7[%mul3A_30, %dma_start3A_54] : memref<12288x128xf32, #tpu.memory_space<hbm>> -> memref<128x128xf32, #tpu.memory_space<hbm>>
      tpu.enqueue_dma source(%arg11 : memref<128x128xf32, #tpu.memory_space<vmem>>) target(%dma_start3A_55 : memref<128x128xf32, #tpu.memory_space<hbm>>) target_semaphore(%run_scoped3A : memref<!tpu.dma_semaphore, #tpu.memory_space<semaphore_mem>>)
      %dma_wait3A_56 = arith.constant 0 : i32
      %dma_wait3A_57 = tpu.memref_slice %arg7[%mul3A_30, %dma_wait3A_56] : memref<12288x128xf32, #tpu.memory_space<hbm>> -> memref<128x128xf32, #tpu.memory_space<hbm>>
      %dma_wait3A_58 = arith.constant 0 : i32
      %dma_wait3A_59 = tpu.memref_slice %arg7[%mul3A_30, %dma_wait3A_58] : memref<12288x128xf32, #tpu.memory_space<hbm>> -> memref<128x128xf32, #tpu.memory_space<hbm>>
      tpu.wait_dma2 semaphore(%run_scoped3A : memref<!tpu.dma_semaphore, #tpu.memory_space<semaphore_mem>>) src(%arg11 : memref<128x128xf32, #tpu.memory_space<vmem>>) dst(%dma_wait3A_59 : memref<128x128xf32, #tpu.memory_space<hbm>>)
      tpu.yield
    }) : () -> ()
    %mul3A_31 = arith.constant 3 : i32
    %mul3A_32 = arith.muli %add3A, %mul3A_31 : i32
    %add3A_33 = arith.constant 2 : i32
    %add3A_34 = arith.addi %mul3A_32, %add3A_33 : i32
    "tpu.region"() ({
      %run_scoped3A = tpu.sem_alloc : memref<!tpu.dma_semaphore, #tpu.memory_space<semaphore_mem>>
      %dma_start3A_52 = arith.constant 0 : i32
      %dma_start3A_53 = tpu.memref_slice %arg3[%add3A_34, %dma_start3A_52] : memref<96x128xi32, #tpu.memory_space<hbm>> -> memref<1x128xi32, #tpu.memory_space<hbm>>
      %dma_start3A_54 = tpu.memref_squeeze %dma_start3A_53 : memref<1x128xi32, #tpu.memory_space<hbm>> -> memref<128xi32, #tpu.memory_space<hbm>>
      %dma_start3A_55 = arith.constant 0 : i32
      %dma_start3A_56 = tpu.memref_slice %arg3[%add3A_34, %dma_start3A_55] : memref<96x128xi32, #tpu.memory_space<hbm>> -> memref<1x128xi32, #tpu.memory_space<hbm>>
      %dma_start3A_57 = tpu.memref_squeeze %dma_start3A_56 : memref<1x128xi32, #tpu.memory_space<hbm>> -> memref<128xi32, #tpu.memory_space<hbm>>
      tpu.enqueue_dma source(%dma_start3A_57 : memref<128xi32, #tpu.memory_space<hbm>>) target(%arg10 : memref<128xi32, #tpu.memory_space<vmem>>) target_semaphore(%run_scoped3A : memref<!tpu.dma_semaphore, #tpu.memory_space<semaphore_mem>>)
      %dma_wait3A_58 = arith.constant 0 : i32
      %dma_wait3A_59 = tpu.memref_slice %arg3[%add3A_34, %dma_wait3A_58] : memref<96x128xi32, #tpu.memory_space<hbm>> -> memref<1x128xi32, #tpu.memory_space<hbm>>
      %dma_wait3A_60 = tpu.memref_squeeze %dma_wait3A_59 : memref<1x128xi32, #tpu.memory_space<hbm>> -> memref<128xi32, #tpu.memory_space<hbm>>
      %dma_wait3A_61 = arith.constant 0 : i32
      %dma_wait3A_62 = tpu.memref_slice %arg3[%add3A_34, %dma_wait3A_61] : memref<96x128xi32, #tpu.memory_space<hbm>> -> memref<1x128xi32, #tpu.memory_space<hbm>>
      %dma_wait3A_63 = tpu.memref_squeeze %dma_wait3A_62 : memref<1x128xi32, #tpu.memory_space<hbm>> -> memref<128xi32, #tpu.memory_space<hbm>>
      tpu.wait_dma2 semaphore(%run_scoped3A : memref<!tpu.dma_semaphore, #tpu.memory_space<semaphore_mem>>) src(%dma_wait3A_63 : memref<128xi32, #tpu.memory_space<hbm>>) dst(%arg10 : memref<128xi32, #tpu.memory_space<vmem>>)
      tpu.yield
    }) : () -> ()
    %dma_start3A_35 = arith.constant 0 : i32
    %dma_start3A_36 = arith.constant 0 : i32
    %dma_start3A_37 = tpu.memref_slice %arg2[%dma_start3A_35, %dma_start3A_36] : memref<100000x128xf32, #tpu.memory_space<hbm>> -> memref<100000x128xf32, #tpu.memory_space<hbm>>
    tpu.enqueue_indirect_dma source(%dma_start3A_37 : memref<100000x128xf32, #tpu.memory_space<hbm>>) target(%arg11 : memref<128x128xf32, #tpu.memory_space<vmem>>) offsets(%arg10 : memref<128xi32, #tpu.memory_space<vmem>>) semaphore(%arg13 : memref<!tpu.dma_semaphore, #tpu.memory_space<semaphore_mem>>)
    %dma_wait3A_38 = arith.constant 0 : i32
    %dma_wait3A_39 = arith.constant 0 : i32
    %dma_wait3A_40 = tpu.memref_slice %arg2[%dma_wait3A_38, %dma_wait3A_39] : memref<100000x128xf32, #tpu.memory_space<hbm>> -> memref<100000x128xf32, #tpu.memory_space<hbm>>
    tpu.wait_indirect_dma semaphore(%arg13 : memref<!tpu.dma_semaphore, #tpu.memory_space<semaphore_mem>>) src(%dma_wait3A_40 : memref<100000x128xf32, #tpu.memory_space<hbm>>) dst(%arg11 : memref<128x128xf32, #tpu.memory_space<vmem>>)
    %mul3A_41 = arith.constant 3 : i32
    %mul3A_42 = arith.muli %add3A, %mul3A_41 : i32
    %add3A_43 = arith.constant 2 : i32
    %add3A_44 = arith.addi %mul3A_42, %add3A_43 : i32
    %mul3A_45 = arith.constant 128 : i32
    %mul3A_46 = arith.muli %add3A_44, %mul3A_45 : i32
    "tpu.region"() ({
      %run_scoped3A = tpu.sem_alloc : memref<!tpu.dma_semaphore, #tpu.memory_space<semaphore_mem>>
      %dma_start3A_52 = arith.constant 0 : i32
      %dma_start3A_53 = tpu.memref_slice %arg7[%mul3A_46, %dma_start3A_52] : memref<12288x128xf32, #tpu.memory_space<hbm>> -> memref<128x128xf32, #tpu.memory_space<hbm>>
      %dma_start3A_54 = arith.constant 0 : i32
      %dma_start3A_55 = tpu.memref_slice %arg7[%mul3A_46, %dma_start3A_54] : memref<12288x128xf32, #tpu.memory_space<hbm>> -> memref<128x128xf32, #tpu.memory_space<hbm>>
      tpu.enqueue_dma source(%arg11 : memref<128x128xf32, #tpu.memory_space<vmem>>) target(%dma_start3A_55 : memref<128x128xf32, #tpu.memory_space<hbm>>) target_semaphore(%run_scoped3A : memref<!tpu.dma_semaphore, #tpu.memory_space<semaphore_mem>>)
      %dma_wait3A_56 = arith.constant 0 : i32
      %dma_wait3A_57 = tpu.memref_slice %arg7[%mul3A_46, %dma_wait3A_56] : memref<12288x128xf32, #tpu.memory_space<hbm>> -> memref<128x128xf32, #tpu.memory_space<hbm>>
      %dma_wait3A_58 = arith.constant 0 : i32
      %dma_wait3A_59 = tpu.memref_slice %arg7[%mul3A_46, %dma_wait3A_58] : memref<12288x128xf32, #tpu.memory_space<hbm>> -> memref<128x128xf32, #tpu.memory_space<hbm>>
      tpu.wait_dma2 semaphore(%run_scoped3A : memref<!tpu.dma_semaphore, #tpu.memory_space<semaphore_mem>>) src(%arg11 : memref<128x128xf32, #tpu.memory_space<vmem>>) dst(%dma_wait3A_59 : memref<128x128xf32, #tpu.memory_space<hbm>>)
      tpu.yield
    }) : () -> ()
    %scan3A = arith.constant 0 : i32
    %scan3A_47 = arith.constant 0 : i32
    %scan3A_48 = arith.constant 48 : i32
    %scan3A_49 = arith.addi %scan3A_47, %scan3A_48 : i32
    %scan3A_50 = arith.constant 1 : i32
    scf.for %scan3A_52 = %scan3A_47 to %scan3A_49 step %scan3A_50  : i32 {
      %mul3A_53 = arith.constant 48 : i32
      %mul3A_54 = arith.muli %add3A, %mul3A_53 : i32
      %add3A_55 = arith.addi %mul3A_54, %scan3A_52 : i32
      "tpu.region"() ({
        %run_scoped3A = tpu.sem_alloc : memref<!tpu.dma_semaphore, #tpu.memory_space<semaphore_mem>>
        %dma_start3A_81 = arith.constant 0 : i32
        %dma_start3A_82 = tpu.memref_slice %arg4[%add3A_55, %dma_start3A_81] : memref<1536x128xi32, #tpu.memory_space<hbm>> -> memref<1x128xi32, #tpu.memory_space<hbm>>
        %dma_start3A_83 = tpu.memref_squeeze %dma_start3A_82 : memref<1x128xi32, #tpu.memory_space<hbm>> -> memref<128xi32, #tpu.memory_space<hbm>>
        %dma_start3A_84 = arith.constant 0 : i32
        %dma_start3A_85 = tpu.memref_slice %arg4[%add3A_55, %dma_start3A_84] : memref<1536x128xi32, #tpu.memory_space<hbm>> -> memref<1x128xi32, #tpu.memory_space<hbm>>
        %dma_start3A_86 = tpu.memref_squeeze %dma_start3A_85 : memref<1x128xi32, #tpu.memory_space<hbm>> -> memref<128xi32, #tpu.memory_space<hbm>>
        tpu.enqueue_dma source(%dma_start3A_86 : memref<128xi32, #tpu.memory_space<hbm>>) target(%arg10 : memref<128xi32, #tpu.memory_space<vmem>>) target_semaphore(%run_scoped3A : memref<!tpu.dma_semaphore, #tpu.memory_space<semaphore_mem>>)
        %dma_wait3A_87 = arith.constant 0 : i32
        %dma_wait3A_88 = tpu.memref_slice %arg4[%add3A_55, %dma_wait3A_87] : memref<1536x128xi32, #tpu.memory_space<hbm>> -> memref<1x128xi32, #tpu.memory_space<hbm>>
        %dma_wait3A_89 = tpu.memref_squeeze %dma_wait3A_88 : memref<1x128xi32, #tpu.memory_space<hbm>> -> memref<128xi32, #tpu.memory_space<hbm>>
        %dma_wait3A_90 = arith.constant 0 : i32
        %dma_wait3A_91 = tpu.memref_slice %arg4[%add3A_55, %dma_wait3A_90] : memref<1536x128xi32, #tpu.memory_space<hbm>> -> memref<1x128xi32, #tpu.memory_space<hbm>>
        %dma_wait3A_92 = tpu.memref_squeeze %dma_wait3A_91 : memref<1x128xi32, #tpu.memory_space<hbm>> -> memref<128xi32, #tpu.memory_space<hbm>>
        tpu.wait_dma2 semaphore(%run_scoped3A : memref<!tpu.dma_semaphore, #tpu.memory_space<semaphore_mem>>) src(%dma_wait3A_92 : memref<128xi32, #tpu.memory_space<hbm>>) dst(%arg10 : memref<128xi32, #tpu.memory_space<vmem>>)
        tpu.yield
      }) : () -> ()
      %dma_start3A_56 = arith.constant 0 : i32
      %dma_start3A_57 = arith.constant 0 : i32
      %dma_start3A_58 = tpu.memref_slice %arg2[%dma_start3A_56, %dma_start3A_57] : memref<100000x128xf32, #tpu.memory_space<hbm>> -> memref<100000x128xf32, #tpu.memory_space<hbm>>
      tpu.enqueue_indirect_dma source(%dma_start3A_58 : memref<100000x128xf32, #tpu.memory_space<hbm>>) target(%arg11 : memref<128x128xf32, #tpu.memory_space<vmem>>) offsets(%arg10 : memref<128xi32, #tpu.memory_space<vmem>>) semaphore(%arg13 : memref<!tpu.dma_semaphore, #tpu.memory_space<semaphore_mem>>)
      %dma_wait3A_59 = arith.constant 0 : i32
      %dma_wait3A_60 = arith.constant 0 : i32
      %dma_wait3A_61 = tpu.memref_slice %arg2[%dma_wait3A_59, %dma_wait3A_60] : memref<100000x128xf32, #tpu.memory_space<hbm>> -> memref<100000x128xf32, #tpu.memory_space<hbm>>
      tpu.wait_indirect_dma semaphore(%arg13 : memref<!tpu.dma_semaphore, #tpu.memory_space<semaphore_mem>>) src(%dma_wait3A_61 : memref<100000x128xf32, #tpu.memory_space<hbm>>) dst(%arg11 : memref<128x128xf32, #tpu.memory_space<vmem>>)
      %mul3A_62 = arith.constant 48 : i32
      %mul3A_63 = arith.muli %add3A, %mul3A_62 : i32
      %add3A_64 = arith.addi %mul3A_63, %scan3A_52 : i32
      %mul3A_65 = arith.constant 128 : i32
      %mul3A_66 = arith.muli %add3A_64, %mul3A_65 : i32
      "tpu.region"() ({
        %run_scoped3A = tpu.sem_alloc : memref<!tpu.dma_semaphore, #tpu.memory_space<semaphore_mem>>
        %dma_start3A_81 = arith.constant 0 : i32
        %dma_start3A_82 = tpu.memref_slice %arg8[%mul3A_66, %dma_start3A_81] : memref<196608x128xf32, #tpu.memory_space<hbm>> -> memref<128x128xf32, #tpu.memory_space<hbm>>
        %dma_start3A_83 = arith.constant 0 : i32
        %dma_start3A_84 = tpu.memref_slice %arg8[%mul3A_66, %dma_start3A_83] : memref<196608x128xf32, #tpu.memory_space<hbm>> -> memref<128x128xf32, #tpu.memory_space<hbm>>
        tpu.enqueue_dma source(%arg11 : memref<128x128xf32, #tpu.memory_space<vmem>>) target(%dma_start3A_84 : memref<128x128xf32, #tpu.memory_space<hbm>>) target_semaphore(%run_scoped3A : memref<!tpu.dma_semaphore, #tpu.memory_space<semaphore_mem>>)
        %dma_wait3A_85 = arith.constant 0 : i32
        %dma_wait3A_86 = tpu.memref_slice %arg8[%mul3A_66, %dma_wait3A_85] : memref<196608x128xf32, #tpu.memory_space<hbm>> -> memref<128x128xf32, #tpu.memory_space<hbm>>
        %dma_wait3A_87 = arith.constant 0 : i32
        %dma_wait3A_88 = tpu.memref_slice %arg8[%mul3A_66, %dma_wait3A_87] : memref<196608x128xf32, #tpu.memory_space<hbm>> -> memref<128x128xf32, #tpu.memory_space<hbm>>
        tpu.wait_dma2 semaphore(%run_scoped3A : memref<!tpu.dma_semaphore, #tpu.memory_space<semaphore_mem>>) src(%arg11 : memref<128x128xf32, #tpu.memory_space<vmem>>) dst(%dma_wait3A_88 : memref<128x128xf32, #tpu.memory_space<hbm>>)
        tpu.yield
      }) : () -> ()
      %mul3A_67 = arith.constant 48 : i32
      %mul3A_68 = arith.muli %add3A, %mul3A_67 : i32
      %add3A_69 = arith.addi %mul3A_68, %scan3A_52 : i32
      "tpu.region"() ({
        %run_scoped3A = tpu.sem_alloc : memref<!tpu.dma_semaphore, #tpu.memory_space<semaphore_mem>>
        %dma_start3A_81 = arith.constant 0 : i32
        %dma_start3A_82 = tpu.memref_slice %arg5[%add3A_69, %dma_start3A_81] : memref<1536x128xi32, #tpu.memory_space<hbm>> -> memref<1x128xi32, #tpu.memory_space<hbm>>
        %dma_start3A_83 = tpu.memref_squeeze %dma_start3A_82 : memref<1x128xi32, #tpu.memory_space<hbm>> -> memref<128xi32, #tpu.memory_space<hbm>>
        %dma_start3A_84 = arith.constant 0 : i32
        %dma_start3A_85 = tpu.memref_slice %arg5[%add3A_69, %dma_start3A_84] : memref<1536x128xi32, #tpu.memory_space<hbm>> -> memref<1x128xi32, #tpu.memory_space<hbm>>
        %dma_start3A_86 = tpu.memref_squeeze %dma_start3A_85 : memref<1x128xi32, #tpu.memory_space<hbm>> -> memref<128xi32, #tpu.memory_space<hbm>>
        tpu.enqueue_dma source(%dma_start3A_86 : memref<128xi32, #tpu.memory_space<hbm>>) target(%arg10 : memref<128xi32, #tpu.memory_space<vmem>>) target_semaphore(%run_scoped3A : memref<!tpu.dma_semaphore, #tpu.memory_space<semaphore_mem>>)
        %dma_wait3A_87 = arith.constant 0 : i32
        %dma_wait3A_88 = tpu.memref_slice %arg5[%add3A_69, %dma_wait3A_87] : memref<1536x128xi32, #tpu.memory_space<hbm>> -> memref<1x128xi32, #tpu.memory_space<hbm>>
        %dma_wait3A_89 = tpu.memref_squeeze %dma_wait3A_88 : memref<1x128xi32, #tpu.memory_space<hbm>> -> memref<128xi32, #tpu.memory_space<hbm>>
        %dma_wait3A_90 = arith.constant 0 : i32
        %dma_wait3A_91 = tpu.memref_slice %arg5[%add3A_69, %dma_wait3A_90] : memref<1536x128xi32, #tpu.memory_space<hbm>> -> memref<1x128xi32, #tpu.memory_space<hbm>>
        %dma_wait3A_92 = tpu.memref_squeeze %dma_wait3A_91 : memref<1x128xi32, #tpu.memory_space<hbm>> -> memref<128xi32, #tpu.memory_space<hbm>>
        tpu.wait_dma2 semaphore(%run_scoped3A : memref<!tpu.dma_semaphore, #tpu.memory_space<semaphore_mem>>) src(%dma_wait3A_92 : memref<128xi32, #tpu.memory_space<hbm>>) dst(%arg10 : memref<128xi32, #tpu.memory_space<vmem>>)
        tpu.yield
      }) : () -> ()
      %dma_start3A_70 = arith.constant 0 : i32
      %dma_start3A_71 = arith.constant 0 : i32
      %dma_start3A_72 = tpu.memref_slice %arg6[%dma_start3A_70, %dma_start3A_71] : memref<1600000x16xf32, #tpu.memory_space<hbm>> -> memref<1600000x16xf32, #tpu.memory_space<hbm>>
      tpu.enqueue_indirect_dma source(%dma_start3A_72 : memref<1600000x16xf32, #tpu.memory_space<hbm>>) target(%arg12 : memref<128x16xf32, #tpu.memory_space<vmem>>) offsets(%arg10 : memref<128xi32, #tpu.memory_space<vmem>>) semaphore(%arg13 : memref<!tpu.dma_semaphore, #tpu.memory_space<semaphore_mem>>)
      %dma_wait3A_73 = arith.constant 0 : i32
      %dma_wait3A_74 = arith.constant 0 : i32
      %dma_wait3A_75 = tpu.memref_slice %arg6[%dma_wait3A_73, %dma_wait3A_74] : memref<1600000x16xf32, #tpu.memory_space<hbm>> -> memref<1600000x16xf32, #tpu.memory_space<hbm>>
      tpu.wait_indirect_dma semaphore(%arg13 : memref<!tpu.dma_semaphore, #tpu.memory_space<semaphore_mem>>) src(%dma_wait3A_75 : memref<1600000x16xf32, #tpu.memory_space<hbm>>) dst(%arg12 : memref<128x16xf32, #tpu.memory_space<vmem>>)
      %mul3A_76 = arith.constant 48 : i32
      %mul3A_77 = arith.muli %add3A, %mul3A_76 : i32
      %add3A_78 = arith.addi %mul3A_77, %scan3A_52 : i32
      %mul3A_79 = arith.constant 128 : i32
      %mul3A_80 = arith.muli %add3A_78, %mul3A_79 : i32
      "tpu.region"() ({
        %run_scoped3A = tpu.sem_alloc : memref<!tpu.dma_semaphore, #tpu.memory_space<semaphore_mem>>
        %dma_start3A_81 = arith.constant 0 : i32
        %dma_start3A_82 = tpu.memref_slice %arg9[%mul3A_80, %dma_start3A_81] : memref<196608x16xf32, #tpu.memory_space<hbm>> -> memref<128x16xf32, #tpu.memory_space<hbm>>
        %dma_start3A_83 = arith.constant 0 : i32
        %dma_start3A_84 = tpu.memref_slice %arg9[%mul3A_80, %dma_start3A_83] : memref<196608x16xf32, #tpu.memory_space<hbm>> -> memref<128x16xf32, #tpu.memory_space<hbm>>
        tpu.enqueue_dma source(%arg12 : memref<128x16xf32, #tpu.memory_space<vmem>>) target(%dma_start3A_84 : memref<128x16xf32, #tpu.memory_space<hbm>>) target_semaphore(%run_scoped3A : memref<!tpu.dma_semaphore, #tpu.memory_space<semaphore_mem>>)
        %dma_wait3A_85 = arith.constant 0 : i32
        %dma_wait3A_86 = tpu.memref_slice %arg9[%mul3A_80, %dma_wait3A_85] : memref<196608x16xf32, #tpu.memory_space<hbm>> -> memref<128x16xf32, #tpu.memory_space<hbm>>
        %dma_wait3A_87 = arith.constant 0 : i32
        %dma_wait3A_88 = tpu.memref_slice %arg9[%mul3A_80, %dma_wait3A_87] : memref<196608x16xf32, #tpu.memory_space<hbm>> -> memref<128x16xf32, #tpu.memory_space<hbm>>
        tpu.wait_dma2 semaphore(%run_scoped3A : memref<!tpu.dma_semaphore, #tpu.memory_space<semaphore_mem>>) src(%arg12 : memref<128x16xf32, #tpu.memory_space<vmem>>) dst(%dma_wait3A_88 : memref<128x16xf32, #tpu.memory_space<hbm>>)
        tpu.yield
      }) : () -> ()
    }
    %scan3A_51 = arith.constant 48 : i32
    return
  }
}

module attributes {stable_mosaic.version = 14 : i64} {
  func.func @_k2b_body(%arg0: memref<512x16xi32, #tpu.memory_space<vmem>>, %arg1: memref<512x16xi32, #tpu.memory_space<vmem>>) attributes {dimension_semantics = [], scalar_prefetch = 0 : i64, scratch_operands = 0 : i64, tpu.core_type = #tpu.core_type<tc>} {
    %get3A = arith.constant 0 : index
    %get3A_0 = arith.constant 0 : index
    %get3A_1 = vector.load %arg0[%get3A, %get3A_0] : memref<512x16xi32, #tpu.memory_space<vmem>>, vector<512x16xi32>
    %broadcast_in_dim3A = vector.shape_cast %get3A_1 : vector<512x16xi32> to vector<512x16x1xi32>
    %broadcast_in_dim3A_2 = vector.shape_cast %get3A_1 : vector<512x16xi32> to vector<512x1x16xi32>
    %eq3A = vector.broadcast %broadcast_in_dim3A : vector<512x16x1xi32> to vector<512x16x16xi32>
    %eq3A_3 = vector.broadcast %broadcast_in_dim3A_2 : vector<512x1x16xi32> to vector<512x16x16xi32>
    %eq3A_4 = arith.cmpi eq, %eq3A, %eq3A_3 : vector<512x16x16xi32>
    %iota3A = tpu.iota {dimensions = array<i32: 1>} : vector<512x16x16xi32>
    %iota3A_5 = tpu.iota {dimensions = array<i32: 2>} : vector<512x16x16xi32>
    %gt3A = arith.cmpi sgt, %iota3A_5, %iota3A : vector<512x16x16xi32>
    %and3A = arith.andi %eq3A_4, %gt3A : vector<512x16x16xi1>
    %reduce_or3A = arith.constant 1.000000e+00 : f32
    %reduce_or3A_6 = arith.constant 0.000000e+00 : f32
    %reduce_or3A_7 = vector.broadcast %reduce_or3A : f32 to vector<512x16x16xf32>
    %reduce_or3A_8 = vector.broadcast %reduce_or3A_6 : f32 to vector<512x16x16xf32>
    %reduce_or3A_9 = arith.select %and3A, %reduce_or3A_7, %reduce_or3A_8 : vector<512x16x16xi1>, vector<512x16x16xf32>
    %reduce_or3A_10 = arith.constant dense<0xFF800000> : vector<512x16xf32>
    %reduce_or3A_11 = vector.multi_reduction <maximumf>, %reduce_or3A_9, %reduce_or3A_10 [2] : vector<512x16x16xf32> to vector<512x16xf32>
    %reduce_or3A_12 = arith.constant 0.000000e+00 : f32
    %reduce_or3A_13 = vector.broadcast %reduce_or3A_12 : f32 to vector<512x16xf32>
    %reduce_or3A_14 = arith.cmpf ogt, %reduce_or3A_11, %reduce_or3A_13 : vector<512x16xf32>
    %jit3A = arith.constant 100008 : i32
    %broadcast_in_dim3A_15 = vector.broadcast %jit3A : i32 to vector<512x16xi32>
    %select_n3A = arith.select %reduce_or3A_14, %broadcast_in_dim3A_15, %get3A_1 : vector<512x16xi1>, vector<512x16xi32>
    %swap3A = arith.constant 0 : index
    %swap3A_16 = arith.constant 0 : index
    %swap3A_17 = vector.load %arg1[%swap3A, %swap3A_16] : memref<512x16xi32, #tpu.memory_space<vmem>>, vector<512x16xi32>
    tpu.vector_store %arg1[%swap3A, %swap3A_16], %select_n3A {strides = array<i32>} : memref<512x16xi32, #tpu.memory_space<vmem>>, vector<512x16xi32>,
    return
  }
}

module attributes {stable_mosaic.version = 14 : i64} {
  func.func @_k2_body(%arg0: i32, %arg1: memref<512x128xf32, #tpu.memory_space<vmem>>, %arg2: memref<512x128xf32, #tpu.memory_space<vmem>>, %arg3: memref<512x16xf32, #tpu.memory_space<vmem>>, %arg4: memref<512x1xf32, #tpu.memory_space<vmem>>, %arg5: memref<8x128xf32, #tpu.memory_space<vmem>>, %arg6: memref<8x128xf32, #tpu.memory_space<vmem>>, %arg7: memref<128x200xf32, #tpu.memory_space<vmem>>, %arg8: memref<128x200xf32, #tpu.memory_space<vmem>>, %arg9: memref<16x200xf32, #tpu.memory_space<vmem>>, %arg10: memref<128x200xf32, #tpu.memory_space<vmem>>, %arg11: memref<8x200xf32, #tpu.memory_space<vmem>>, %arg12: memref<200x128xf32, #tpu.memory_space<vmem>>, %arg13: memref<8x128xf32, #tpu.memory_space<vmem>>, %arg14: memref<512x128xf32, #tpu.memory_space<vmem>>) attributes {dimension_semantics = [#tpu.dimension_semantics<arbitrary>], iteration_bounds = array<i64: 16>, scalar_prefetch = 0 : i64, scratch_operands = 0 : i64, tpu.core_type = #tpu.core_type<tc>, window_params = [{transform_indices = @transform_0, window_bounds = array<i64: 512, 128>}, {transform_indices = @transform_1, window_bounds = array<i64: 512, 128>}, {transform_indices = @transform_2, window_bounds = array<i64: 512, 16>}, {transform_indices = @transform_3, window_bounds = array<i64: 512, 1>}, {pipeline_mode = #tpu.pipeline_mode<synchronous>, transform_indices = @transform_4, window_bounds = array<i64: 8, 128>}, {pipeline_mode = #tpu.pipeline_mode<synchronous>, transform_indices = @transform_5, window_bounds = array<i64: 8, 128>}, {pipeline_mode = #tpu.pipeline_mode<synchronous>, transform_indices = @transform_6, window_bounds = array<i64: 128, 200>}, {pipeline_mode = #tpu.pipeline_mode<synchronous>, transform_indices = @transform_7, window_bounds = array<i64: 128, 200>}, {pipeline_mode = #tpu.pipeline_mode<synchronous>, transform_indices = @transform_8, window_bounds = array<i64: 16, 200>}, {pipeline_mode = #tpu.pipeline_mode<synchronous>, transform_indices = @transform_9, window_bounds = array<i64: 128, 200>}, {pipeline_mode = #tpu.pipeline_mode<synchronous>, transform_indices = @transform_10, window_bounds = array<i64: 8, 200>}, {pipeline_mode = #tpu.pipeline_mode<synchronous>, transform_indices = @transform_11, window_bounds = array<i64: 200, 128>}, {pipeline_mode = #tpu.pipeline_mode<synchronous>, transform_indices = @transform_12, window_bounds = array<i64: 8, 128>}, {transform_indices = @transform_13, window_bounds = array<i64: 512, 128>}]} {
    %get3A = arith.constant 0 : index
    %get3A_0 = arith.constant 0 : index
    %get3A_1 = vector.load %arg1[%get3A, %get3A_0] : memref<512x128xf32, #tpu.memory_space<vmem>>, vector<512x128xf32>
    %get3A_2 = arith.constant 0 : index
    %get3A_3 = arith.constant 0 : index
    %get3A_4 = vector.load %arg2[%get3A_2, %get3A_3] : memref<512x128xf32, #tpu.memory_space<vmem>>, vector<512x128xf32>
    %get3A_5 = arith.constant 0 : index
    %get3A_6 = arith.constant 0 : index
    %get3A_7 = vector.load %arg3[%get3A_5, %get3A_6] : memref<512x16xf32, #tpu.memory_space<vmem>>, vector<512x16xf32>
    %get3A_8 = arith.constant 0 : index
    %get3A_9 = arith.constant 0 : index
    %get3A_10 = vector.load %arg4[%get3A_8, %get3A_9] : memref<512x1xf32, #tpu.memory_space<vmem>>, vector<512x1xf32>
    %get3A_11 = arith.constant 0 : index
    %get3A_12 = arith.constant 0 : index
    %get3A_13 = vector.load %arg5[%get3A_11, %get3A_12] : memref<8x128xf32, #tpu.memory_space<vmem>>, vector<1x128xf32>
    %get3A_14 = arith.constant 0 : index
    %get3A_15 = arith.constant 0 : index
    %get3A_16 = vector.load %arg6[%get3A_14, %get3A_15] : memref<8x128xf32, #tpu.memory_space<vmem>>, vector<1x128xf32>
    %mul3A = vector.broadcast %get3A_10 : vector<512x1xf32> to vector<512x128xf32>
    %mul3A_17 = vector.broadcast %get3A_13 : vector<1x128xf32> to vector<512x128xf32>
    %mul3A_18 = arith.mulf %mul3A, %mul3A_17 : vector<512x128xf32>
    %add3A = vector.broadcast %get3A_16 : vector<1x128xf32> to vector<512x128xf32>
    %add3A_19 = arith.addf %mul3A_18, %add3A : vector<512x128xf32>
    %mul3A_20 = arith.constant 0.159154937 : f32
    %mul3A_21 = vector.broadcast %mul3A_20 : f32 to vector<512x128xf32>
    %mul3A_22 = arith.mulf %add3A_19, %mul3A_21 : vector<512x128xf32>
    %add3A_23 = arith.constant 0x4B400000 : f32
    %add3A_24 = vector.broadcast %add3A_23 : f32 to vector<512x128xf32>
    %add3A_25 = arith.addf %mul3A_22, %add3A_24 : vector<512x128xf32>
    %sub3A = arith.constant 0x4B400000 : f32
    %sub3A_26 = vector.broadcast %sub3A : f32 to vector<512x128xf32>
    %sub3A_27 = arith.subf %add3A_25, %sub3A_26 : vector<512x128xf32>
    %mul3A_28 = arith.constant 6.281250e+00 : f32
    %mul3A_29 = vector.broadcast %mul3A_28 : f32 to vector<512x128xf32>
    %mul3A_30 = arith.mulf %sub3A_27, %mul3A_29 : vector<512x128xf32>
    %sub3A_31 = arith.subf %add3A_19, %mul3A_30 : vector<512x128xf32>
    %mul3A_32 = arith.constant 0.00193500519 : f32
    %mul3A_33 = vector.broadcast %mul3A_32 : f32 to vector<512x128xf32>
    %mul3A_34 = arith.mulf %sub3A_27, %mul3A_33 : vector<512x128xf32>
    %sub3A_35 = arith.subf %sub3A_31, %mul3A_34 : vector<512x128xf32>
    %mul3A_36 = arith.constant 3.01991605E-7 : f32
    %mul3A_37 = vector.broadcast %mul3A_36 : f32 to vector<512x128xf32>
    %mul3A_38 = arith.mulf %sub3A_27, %mul3A_37 : vector<512x128xf32>
    %sub3A_39 = arith.subf %sub3A_35, %mul3A_38 : vector<512x128xf32>
    %mul3A_40 = arith.mulf %sub3A_39, %sub3A_39 : vector<512x128xf32>
    %mul3A_41 = arith.constant 1.72239423E-9 : f32
    %mul3A_42 = vector.broadcast %mul3A_41 : f32 to vector<512x128xf32>
    %mul3A_43 = arith.mulf %mul3A_42, %mul3A_40 : vector<512x128xf32>
    %add3A_44 = arith.constant -2.70732727E-7 : f32
    %add3A_45 = vector.broadcast %add3A_44 : f32 to vector<512x128xf32>
    %add3A_46 = arith.addf %mul3A_43, %add3A_45 : vector<512x128xf32>
    %mul3A_47 = arith.mulf %add3A_46, %mul3A_40 : vector<512x128xf32>
    %add3A_48 = arith.constant 2.476930e-05 : f32
    %add3A_49 = vector.broadcast %add3A_48 : f32 to vector<512x128xf32>
    %add3A_50 = arith.addf %mul3A_47, %add3A_49 : vector<512x128xf32>
    %mul3A_51 = arith.mulf %add3A_50, %mul3A_40 : vector<512x128xf32>
    %add3A_52 = arith.constant -0.00138877763 : f32
    %add3A_53 = vector.broadcast %add3A_52 : f32 to vector<512x128xf32>
    %add3A_54 = arith.addf %mul3A_51, %add3A_53 : vector<512x128xf32>
    %mul3A_55 = arith.mulf %add3A_54, %mul3A_40 : vector<512x128xf32>
    %add3A_56 = arith.constant 0.0416664854 : f32
    %add3A_57 = vector.broadcast %add3A_56 : f32 to vector<512x128xf32>
    %add3A_58 = arith.addf %mul3A_55, %add3A_57 : vector<512x128xf32>
    %mul3A_59 = arith.mulf %add3A_58, %mul3A_40 : vector<512x128xf32>
    %add3A_60 = arith.constant -0.499999881 : f32
    %add3A_61 = vector.broadcast %add3A_60 : f32 to vector<512x128xf32>
    %add3A_62 = arith.addf %mul3A_59, %add3A_61 : vector<512x128xf32>
    %mul3A_63 = arith.mulf %add3A_62, %mul3A_40 : vector<512x128xf32>
    %add3A_64 = arith.constant 1.000000e+00 : f32
    %add3A_65 = vector.broadcast %add3A_64 : f32 to vector<512x128xf32>
    %add3A_66 = arith.addf %mul3A_63, %add3A_65 : vector<512x128xf32>
    %get3A_67 = arith.constant 0 : index
    %get3A_68 = arith.constant 0 : index
    %get3A_69 = vector.load %arg7[%get3A_67, %get3A_68] : memref<128x200xf32, #tpu.memory_space<vmem>>, vector<128x200xf32>
    %dot_general3A = arith.constant dense<0.000000e+00> : vector<512x200xf32>
    %dot_general3A_70 = tpu.matmul %get3A_1, %get3A_69, %dot_general3A {dimension_numbers = #tpu.dot_dimension_numbers<[1], [0], [0], [1], [0, 0, 1, 1], [], []>, transpose_lhs_hint = false} : vector<512x128xf32>, vector<128x200xf32>, vector<512x200xf32> -> vector<512x200xf32>
    %get3A_71 = arith.constant 0 : index
    %get3A_72 = arith.constant 0 : index
    %get3A_73 = vector.load %arg8[%get3A_71, %get3A_72] : memref<128x200xf32, #tpu.memory_space<vmem>>, vector<128x200xf32>
    %dot_general3A_74 = arith.constant dense<0.000000e+00> : vector<512x200xf32>
    %dot_general3A_75 = tpu.matmul %get3A_4, %get3A_73, %dot_general3A_74 {dimension_numbers = #tpu.dot_dimension_numbers<[1], [0], [0], [1], [0, 0, 1, 1], [], []>, transpose_lhs_hint = false} : vector<512x128xf32>, vector<128x200xf32>, vector<512x200xf32> -> vector<512x200xf32>
    %add3A_76 = arith.addf %dot_general3A_70, %dot_general3A_75 : vector<512x200xf32>
    %get3A_77 = arith.constant 0 : index
    %get3A_78 = arith.constant 0 : index
    %get3A_79 = vector.load %arg9[%get3A_77, %get3A_78] : memref<16x200xf32, #tpu.memory_space<vmem>>, vector<16x200xf32>
    %dot_general3A_80 = arith.constant dense<0.000000e+00> : vector<512x200xf32>
    %dot_general3A_81 = tpu.matmul %get3A_7, %get3A_79, %dot_general3A_80 {dimension_numbers = #tpu.dot_dimension_numbers<[1], [0], [0], [1], [0, 0, 1, 1], [], []>, transpose_lhs_hint = false} : vector<512x16xf32>, vector<16x200xf32>, vector<512x200xf32> -> vector<512x200xf32>
    %add3A_82 = arith.addf %add3A_76, %dot_general3A_81 : vector<512x200xf32>
    %get3A_83 = arith.constant 0 : index
    %get3A_84 = arith.constant 0 : index
    %get3A_85 = vector.load %arg10[%get3A_83, %get3A_84] : memref<128x200xf32, #tpu.memory_space<vmem>>, vector<128x200xf32>
    %dot_general3A_86 = arith.constant dense<0.000000e+00> : vector<512x200xf32>
    %dot_general3A_87 = tpu.matmul %add3A_66, %get3A_85, %dot_general3A_86 {dimension_numbers = #tpu.dot_dimension_numbers<[1], [0], [0], [1], [0, 0, 1, 1], [], []>, transpose_lhs_hint = false} : vector<512x128xf32>, vector<128x200xf32>, vector<512x200xf32> -> vector<512x200xf32>
    %add3A_88 = arith.addf %add3A_82, %dot_general3A_87 : vector<512x200xf32>
    %get3A_89 = arith.constant 0 : index
    %get3A_90 = arith.constant 0 : index
    %get3A_91 = vector.load %arg11[%get3A_89, %get3A_90] : memref<8x200xf32, #tpu.memory_space<vmem>>, vector<1x200xf32>
    %add3A_92 = vector.broadcast %get3A_91 : vector<1x200xf32> to vector<512x200xf32>
    %add3A_93 = arith.addf %add3A_88, %add3A_92 : vector<512x200xf32>
    %max3A = arith.constant 0.000000e+00 : f32
    %max3A_94 = vector.broadcast %max3A : f32 to vector<512x200xf32>
    %max3A_95 = arith.maximumf %add3A_93, %max3A_94 : vector<512x200xf32>
    %get3A_96 = arith.constant 0 : index
    %get3A_97 = arith.constant 0 : index
    %get3A_98 = vector.load %arg12[%get3A_96, %get3A_97] : memref<200x128xf32, #tpu.memory_space<vmem>>, vector<200x128xf32>
    %dot_general3A_99 = arith.constant dense<0.000000e+00> : vector<512x128xf32>
    %dot_general3A_100 = tpu.matmul %max3A_95, %get3A_98, %dot_general3A_99 {dimension_numbers = #tpu.dot_dimension_numbers<[1], [0], [0], [1], [0, 0, 1, 1], [], []>, transpose_lhs_hint = false} : vector<512x200xf32>, vector<200x128xf32>, vector<512x128xf32> -> vector<512x128xf32>
    %get3A_101 = arith.constant 0 : index
    %get3A_102 = arith.constant 0 : index
    %get3A_103 = vector.load %arg13[%get3A_101, %get3A_102] : memref<8x128xf32, #tpu.memory_space<vmem>>, vector<1x128xf32>
    %add3A_104 = vector.broadcast %get3A_103 : vector<1x128xf32> to vector<512x128xf32>
    %add3A_105 = arith.addf %dot_general3A_100, %add3A_104 : vector<512x128xf32>
    %swap3A = arith.constant 0 : index
    %swap3A_106 = arith.constant 0 : index
    %swap3A_107 = vector.load %arg14[%swap3A, %swap3A_106] : memref<512x128xf32, #tpu.memory_space<vmem>>, vector<512x128xf32>
    tpu.vector_store %arg14[%swap3A, %swap3A_106], %add3A_105 {strides = array<i32>} : memref<512x128xf32, #tpu.memory_space<vmem>>, vector<512x128xf32>,
    return
  }
  func.func @transform_0(%arg0: i32) -> (i32, i32) {
    %c0_i32 = arith.constant 0 : i32
    %c0_i32_0 = arith.constant 0 : i32
    return %arg0, %c0_i32 : i32, i32
  }
  func.func @transform_1(%arg0: i32) -> (i32, i32) {
    %add3A = arith.constant 8 : i32
    %add3A_0 = arith.addi %arg0, %add3A : i32
    %jit3A = arith.constant 16 : i32
    %eq3A = arith.constant 0 : i32
    %eq3A_1 = arith.cmpi eq, %jit3A, %eq3A : i32
    %jit3A_2 = arith.constant 1 : i32
    %select_n3A = arith.select %eq3A_1, %jit3A_2, %jit3A : i32
    %rem3A = arith.remsi %add3A_0, %select_n3A : i32
    %ne3A = arith.constant 0 : i32
    %ne3A_3 = arith.cmpi ne, %rem3A, %ne3A : i32
    %lt3A = arith.constant 0 : i32
    %lt3A_4 = arith.cmpi slt, %rem3A, %lt3A : i32
    %lt3A_5 = arith.constant 0 : i32
    %lt3A_6 = arith.cmpi slt, %select_n3A, %lt3A_5 : i32
    %ne3A_7 = arith.xori %lt3A_4, %lt3A_6 : i1
    %and3A = arith.andi %ne3A_7, %ne3A_3 : i1
    %add3A_8 = arith.addi %rem3A, %select_n3A : i32
    %select_n3A_9 = arith.select %and3A, %add3A_8, %rem3A : i32
    %c0_i32 = arith.constant 0 : i32
    %c0_i32_10 = arith.constant 0 : i32
    return %select_n3A_9, %c0_i32 : i32, i32
  }
  func.func @transform_2(%arg0: i32) -> (i32, i32) {
    %jit3A = arith.constant 8 : i32
    %eq3A = arith.constant 0 : i32
    %eq3A_0 = arith.cmpi eq, %jit3A, %eq3A : i32
    %jit3A_1 = arith.constant 1 : i32
    %select_n3A = arith.select %eq3A_0, %jit3A_1, %jit3A : i32
    %rem3A = arith.remsi %arg0, %select_n3A : i32
    %ne3A = arith.constant 0 : i32
    %ne3A_2 = arith.cmpi ne, %rem3A, %ne3A : i32
    %lt3A = arith.constant 0 : i32
    %lt3A_3 = arith.cmpi slt, %rem3A, %lt3A : i32
    %lt3A_4 = arith.constant 0 : i32
    %lt3A_5 = arith.cmpi slt, %select_n3A, %lt3A_4 : i32
    %ne3A_6 = arith.xori %lt3A_3, %lt3A_5 : i1
    %and3A = arith.andi %ne3A_6, %ne3A_2 : i1
    %add3A = arith.addi %rem3A, %select_n3A : i32
    %select_n3A_7 = arith.select %and3A, %add3A, %rem3A : i32
    %c0_i32 = arith.constant 0 : i32
    %c0_i32_8 = arith.constant 0 : i32
    return %select_n3A_7, %c0_i32 : i32, i32
  }
  func.func @transform_3(%arg0: i32) -> (i32, i32) {
    %jit3A = arith.constant 8 : i32
    %eq3A = arith.constant 0 : i32
    %eq3A_0 = arith.cmpi eq, %jit3A, %eq3A : i32
    %jit3A_1 = arith.constant 1 : i32
    %select_n3A = arith.select %eq3A_0, %jit3A_1, %jit3A : i32
    %rem3A = arith.remsi %arg0, %select_n3A : i32
    %ne3A = arith.constant 0 : i32
    %ne3A_2 = arith.cmpi ne, %rem3A, %ne3A : i32
    %lt3A = arith.constant 0 : i32
    %lt3A_3 = arith.cmpi slt, %rem3A, %lt3A : i32
    %lt3A_4 = arith.constant 0 : i32
    %lt3A_5 = arith.cmpi slt, %select_n3A, %lt3A_4 : i32
    %ne3A_6 = arith.xori %lt3A_3, %lt3A_5 : i1
    %and3A = arith.andi %ne3A_6, %ne3A_2 : i1
    %add3A = arith.addi %rem3A, %select_n3A : i32
    %select_n3A_7 = arith.select %and3A, %add3A, %rem3A : i32
    %c0_i32 = arith.constant 0 : i32
    %c0_i32_8 = arith.constant 0 : i32
    return %select_n3A_7, %c0_i32 : i32, i32
  }
  func.func @transform_4(%arg0: i32) -> (i32, i32) {
    %c0_i32 = arith.constant 0 : i32
    %c0_i32_0 = arith.constant 0 : i32
    %c0_i32_1 = arith.constant 0 : i32
    return %c0_i32, %c0_i32_0 : i32, i32
  }
  func.func @transform_5(%arg0: i32) -> (i32, i32) {
    %c0_i32 = arith.constant 0 : i32
    %c0_i32_0 = arith.constant 0 : i32
    %c0_i32_1 = arith.constant 0 : i32
    return %c0_i32, %c0_i32_0 : i32, i32
  }
  func.func @transform_6(%arg0: i32) -> (i32, i32) {
    %c0_i32 = arith.constant 0 : i32
    %c0_i32_0 = arith.constant 0 : i32
    %c0_i32_1 = arith.constant 0 : i32
    return %c0_i32, %c0_i32_0 : i32, i32
  }
  func.func @transform_7(%arg0: i32) -> (i32, i32) {
    %c0_i32 = arith.constant 0 : i32
    %c0_i32_0 = arith.constant 0 : i32
    %c0_i32_1 = arith.constant 0 : i32
    return %c0_i32, %c0_i32_0 : i32, i32
  }
  func.func @transform_8(%arg0: i32) -> (i32, i32) {
    %c0_i32 = arith.constant 0 : i32
    %c0_i32_0 = arith.constant 0 : i32
    %c0_i32_1 = arith.constant 0 : i32
    return %c0_i32, %c0_i32_0 : i32, i32
  }
  func.func @transform_9(%arg0: i32) -> (i32, i32) {
    %c0_i32 = arith.constant 0 : i32
    %c0_i32_0 = arith.constant 0 : i32
    %c0_i32_1 = arith.constant 0 : i32
    return %c0_i32, %c0_i32_0 : i32, i32
  }
  func.func @transform_10(%arg0: i32) -> (i32, i32) {
    %c0_i32 = arith.constant 0 : i32
    %c0_i32_0 = arith.constant 0 : i32
    %c0_i32_1 = arith.constant 0 : i32
    return %c0_i32, %c0_i32_0 : i32, i32
  }
  func.func @transform_11(%arg0: i32) -> (i32, i32) {
    %c0_i32 = arith.constant 0 : i32
    %c0_i32_0 = arith.constant 0 : i32
    %c0_i32_1 = arith.constant 0 : i32
    return %c0_i32, %c0_i32_0 : i32, i32
  }
  func.func @transform_12(%arg0: i32) -> (i32, i32) {
    %c0_i32 = arith.constant 0 : i32
    %c0_i32_0 = arith.constant 0 : i32
    %c0_i32_1 = arith.constant 0 : i32
    return %c0_i32, %c0_i32_0 : i32, i32
  }
  func.func @transform_13(%arg0: i32) -> (i32, i32) {
    %c0_i32 = arith.constant 0 : i32
    %c0_i32_0 = arith.constant 0 : i32
    return %arg0, %c0_i32 : i32, i32
  }
}

module attributes {stable_mosaic.version = 14 : i64} {
  func.func @_k4_body(%arg0: i32, %arg1: memref<512x128xf32, #tpu.memory_space<vmem>>, %arg2: memref<512x128xf32, #tpu.memory_space<vmem>>, %arg3: memref<128x384xf32, #tpu.memory_space<vmem>>, %arg4: memref<128x384xf32, #tpu.memory_space<vmem>>, %arg5: memref<8x384xf32, #tpu.memory_space<vmem>>, %arg6: memref<8x384xf32, #tpu.memory_space<vmem>>, %arg7: memref<512x128xf32, #tpu.memory_space<vmem>>) attributes {dimension_semantics = [#tpu.dimension_semantics<arbitrary>], iteration_bounds = array<i64: 16>, scalar_prefetch = 0 : i64, scratch_operands = 0 : i64, tpu.core_type = #tpu.core_type<tc>, window_params = [{transform_indices = @transform_0, window_bounds = array<i64: 512, 128>}, {transform_indices = @transform_1, window_bounds = array<i64: 512, 128>}, {pipeline_mode = #tpu.pipeline_mode<synchronous>, transform_indices = @transform_2, window_bounds = array<i64: 128, 384>}, {pipeline_mode = #tpu.pipeline_mode<synchronous>, transform_indices = @transform_3, window_bounds = array<i64: 128, 384>}, {pipeline_mode = #tpu.pipeline_mode<synchronous>, transform_indices = @transform_4, window_bounds = array<i64: 8, 384>}, {pipeline_mode = #tpu.pipeline_mode<synchronous>, transform_indices = @transform_5, window_bounds = array<i64: 8, 384>}, {transform_indices = @transform_6, window_bounds = array<i64: 512, 128>}]} {
    %get3A = arith.constant 0 : index
    %get3A_0 = arith.constant 0 : index
    %get3A_1 = vector.load %arg1[%get3A, %get3A_0] : memref<512x128xf32, #tpu.memory_space<vmem>>, vector<512x128xf32>
    %get3A_2 = arith.constant 0 : index
    %get3A_3 = arith.constant 0 : index
    %get3A_4 = vector.load %arg2[%get3A_2, %get3A_3] : memref<512x128xf32, #tpu.memory_space<vmem>>, vector<512x128xf32>
    %get3A_5 = arith.constant 0 : index
    %get3A_6 = arith.constant 0 : index
    %get3A_7 = vector.load %arg3[%get3A_5, %get3A_6] : memref<128x384xf32, #tpu.memory_space<vmem>>, vector<128x384xf32>
    %dot_general3A = arith.constant dense<0.000000e+00> : vector<512x384xf32>
    %dot_general3A_8 = tpu.matmul %get3A_1, %get3A_7, %dot_general3A {dimension_numbers = #tpu.dot_dimension_numbers<[1], [0], [0], [1], [0, 0, 1, 1], [], []>, transpose_lhs_hint = false} : vector<512x128xf32>, vector<128x384xf32>, vector<512x384xf32> -> vector<512x384xf32>
    %get3A_9 = arith.constant 0 : index
    %get3A_10 = arith.constant 0 : index
    %get3A_11 = vector.load %arg5[%get3A_9, %get3A_10] : memref<8x384xf32, #tpu.memory_space<vmem>>, vector<1x384xf32>
    %add3A = vector.broadcast %get3A_11 : vector<1x384xf32> to vector<512x384xf32>
    %add3A_12 = arith.addf %dot_general3A_8, %add3A : vector<512x384xf32>
    %get3A_13 = arith.constant 0 : index
    %get3A_14 = arith.constant 0 : index
    %get3A_15 = vector.load %arg4[%get3A_13, %get3A_14] : memref<128x384xf32, #tpu.memory_space<vmem>>, vector<128x384xf32>
    %dot_general3A_16 = arith.constant dense<0.000000e+00> : vector<512x384xf32>
    %dot_general3A_17 = tpu.matmul %get3A_4, %get3A_15, %dot_general3A_16 {dimension_numbers = #tpu.dot_dimension_numbers<[1], [0], [0], [1], [0, 0, 1, 1], [], []>, transpose_lhs_hint = false} : vector<512x128xf32>, vector<128x384xf32>, vector<512x384xf32> -> vector<512x384xf32>
    %get3A_18 = arith.constant 0 : index
    %get3A_19 = arith.constant 0 : index
    %get3A_20 = vector.load %arg6[%get3A_18, %get3A_19] : memref<8x384xf32, #tpu.memory_space<vmem>>, vector<1x384xf32>
    %add3A_21 = vector.broadcast %get3A_20 : vector<1x384xf32> to vector<512x384xf32>
    %add3A_22 = arith.addf %dot_general3A_17, %add3A_21 : vector<512x384xf32>
    %slice3A = vector.extract_strided_slice %add3A_12 {offsets = [0, 0], sizes = [512, 128], strides = [1, 1]} : vector<512x384xf32> to vector<512x128xf32>
    %slice3A_23 = vector.extract_strided_slice %add3A_22 {offsets = [0, 0], sizes = [512, 128], strides = [1, 1]} : vector<512x384xf32> to vector<512x128xf32>
    %add3A_24 = arith.addf %slice3A, %slice3A_23 : vector<512x128xf32>
    %logistic3A = arith.negf %add3A_24 : vector<512x128xf32>
    %logistic3A_25 = math.exp %logistic3A : vector<512x128xf32>
    %logistic3A_26 = arith.constant 1.000000e+00 : f32
    %logistic3A_27 = vector.broadcast %logistic3A_26 : f32 to vector<512x128xf32>
    %logistic3A_28 = arith.addf %logistic3A_27, %logistic3A_25 : vector<512x128xf32>
    %logistic3A_29 = arith.divf %logistic3A_27, %logistic3A_28 : vector<512x128xf32>
    %slice3A_30 = vector.extract_strided_slice %add3A_12 {offsets = [0, 128], sizes = [512, 128], strides = [1, 1]} : vector<512x384xf32> to vector<512x128xf32>
    %slice3A_31 = vector.extract_strided_slice %add3A_22 {offsets = [0, 128], sizes = [512, 128], strides = [1, 1]} : vector<512x384xf32> to vector<512x128xf32>
    %add3A_32 = arith.addf %slice3A_30, %slice3A_31 : vector<512x128xf32>
    %logistic3A_33 = arith.negf %add3A_32 : vector<512x128xf32>
    %logistic3A_34 = math.exp %logistic3A_33 : vector<512x128xf32>
    %logistic3A_35 = arith.constant 1.000000e+00 : f32
    %logistic3A_36 = vector.broadcast %logistic3A_35 : f32 to vector<512x128xf32>
    %logistic3A_37 = arith.addf %logistic3A_36, %logistic3A_34 : vector<512x128xf32>
    %logistic3A_38 = arith.divf %logistic3A_36, %logistic3A_37 : vector<512x128xf32>
    %slice3A_39 = vector.extract_strided_slice %add3A_12 {offsets = [0, 256], sizes = [512, 128], strides = [1, 1]} : vector<512x384xf32> to vector<512x128xf32>
    %slice3A_40 = vector.extract_strided_slice %add3A_22 {offsets = [0, 256], sizes = [512, 128], strides = [1, 1]} : vector<512x384xf32> to vector<512x128xf32>
    %mul3A = arith.mulf %logistic3A_29, %slice3A_40 : vector<512x128xf32>
    %add3A_41 = arith.addf %slice3A_39, %mul3A : vector<512x128xf32>
    %tanh3A = math.tanh %add3A_41 : vector<512x128xf32>
    %sub3A = arith.constant 1.000000e+00 : f32
    %sub3A_42 = vector.broadcast %sub3A : f32 to vector<512x128xf32>
    %sub3A_43 = arith.subf %sub3A_42, %logistic3A_38 : vector<512x128xf32>
    %mul3A_44 = arith.mulf %sub3A_43, %tanh3A : vector<512x128xf32>
    %mul3A_45 = arith.mulf %logistic3A_38, %get3A_4 : vector<512x128xf32>
    %add3A_46 = arith.addf %mul3A_44, %mul3A_45 : vector<512x128xf32>
    %swap3A = arith.constant 0 : index
    %swap3A_47 = arith.constant 0 : index
    %swap3A_48 = vector.load %arg7[%swap3A, %swap3A_47] : memref<512x128xf32, #tpu.memory_space<vmem>>, vector<512x128xf32>
    tpu.vector_store %arg7[%swap3A, %swap3A_47], %add3A_46 {strides = array<i32>} : memref<512x128xf32, #tpu.memory_space<vmem>>, vector<512x128xf32>,
    return
  }
  func.func @transform_0(%arg0: i32) -> (i32, i32) {
    %c0_i32 = arith.constant 0 : i32
    %c0_i32_0 = arith.constant 0 : i32
    return %arg0, %c0_i32 : i32, i32
  }
  func.func @transform_1(%arg0: i32) -> (i32, i32) {
    %c0_i32 = arith.constant 0 : i32
    %c0_i32_0 = arith.constant 0 : i32
    return %arg0, %c0_i32 : i32, i32
  }
  func.func @transform_2(%arg0: i32) -> (i32, i32) {
    %c0_i32 = arith.constant 0 : i32
    %c0_i32_0 = arith.constant 0 : i32
    %c0_i32_1 = arith.constant 0 : i32
    return %c0_i32, %c0_i32_0 : i32, i32
  }
  func.func @transform_3(%arg0: i32) -> (i32, i32) {
    %c0_i32 = arith.constant 0 : i32
    %c0_i32_0 = arith.constant 0 : i32
    %c0_i32_1 = arith.constant 0 : i32
    return %c0_i32, %c0_i32_0 : i32, i32
  }
  func.func @transform_4(%arg0: i32) -> (i32, i32) {
    %c0_i32 = arith.constant 0 : i32
    %c0_i32_0 = arith.constant 0 : i32
    %c0_i32_1 = arith.constant 0 : i32
    return %c0_i32, %c0_i32_0 : i32, i32
  }
  func.func @transform_5(%arg0: i32) -> (i32, i32) {
    %c0_i32 = arith.constant 0 : i32
    %c0_i32_0 = arith.constant 0 : i32
    %c0_i32_1 = arith.constant 0 : i32
    return %c0_i32, %c0_i32_0 : i32, i32
  }
  func.func @transform_6(%arg0: i32) -> (i32, i32) {
    %c0_i32 = arith.constant 0 : i32
    %c0_i32_0 = arith.constant 0 : i32
    return %arg0, %c0_i32 : i32, i32
  }
}

module attributes {stable_mosaic.version = 14 : i64} {
  func.func @_k7_body(%arg0: i32, %arg1: memref<128x128xf32, #tpu.memory_space<vmem>>, %arg2: memref<2048x128xf32, #tpu.memory_space<vmem>>, %arg3: memref<2048x16xf32, #tpu.memory_space<vmem>>, %arg4: memref<128x16xf32, #tpu.memory_space<vmem>>, %arg5: memref<128x1xf32, #tpu.memory_space<vmem>>, %arg6: memref<8x128xf32, #tpu.memory_space<vmem>>, %arg7: memref<8x128xf32, #tpu.memory_space<vmem>>, %arg8: memref<128x128xf32, #tpu.memory_space<vmem>>, %arg9: memref<128x128xf32, #tpu.memory_space<vmem>>, %arg10: memref<128x128xf32, #tpu.memory_space<vmem>>, %arg11: memref<128x128xf32, #tpu.memory_space<vmem>>, %arg12: memref<16x128xf32, #tpu.memory_space<vmem>>, %arg13: memref<128x128xf32, #tpu.memory_space<vmem>>, %arg14: memref<128x128xf32, #tpu.memory_space<vmem>>, %arg15: memref<16x128xf32, #tpu.memory_space<vmem>>, %arg16: memref<128x128xf32, #tpu.memory_space<vmem>>, %arg17: memref<128x128xf32, #tpu.memory_space<vmem>>, %arg18: memref<128x128xf32, #tpu.memory_space<vmem>>, %arg19: memref<8x128xf32, #tpu.memory_space<vmem>>, %arg20: memref<128x128xf32, #tpu.memory_space<vmem>>, %arg21: memref<8x128xf32, #tpu.memory_space<vmem>>, %arg22: memref<128x128xf32, #tpu.memory_space<vmem>>) attributes {dimension_semantics = [#tpu.dimension_semantics<arbitrary>], iteration_bounds = array<i64: 96>, scalar_prefetch = 0 : i64, scratch_operands = 0 : i64, tpu.core_type = #tpu.core_type<tc>, window_params = [{transform_indices = @transform_0, window_bounds = array<i64: 128, 128>}, {transform_indices = @transform_1, window_bounds = array<i64: 2048, 128>}, {transform_indices = @transform_2, window_bounds = array<i64: 2048, 16>}, {transform_indices = @transform_3, window_bounds = array<i64: 128, 16>}, {transform_indices = @transform_4, window_bounds = array<i64: 128, 1>}, {pipeline_mode = #tpu.pipeline_mode<synchronous>, transform_indices = @transform_5, window_bounds = array<i64: 8, 128>}, {pipeline_mode = #tpu.pipeline_mode<synchronous>, transform_indices = @transform_6, window_bounds = array<i64: 8, 128>}, {pipeline_mode = #tpu.pipeline_mode<synchronous>, transform_indices = @transform_7, window_bounds = array<i64: 128, 128>}, {pipeline_mode = #tpu.pipeline_mode<synchronous>, transform_indices = @transform_8, window_bounds = array<i64: 128, 128>}, {pipeline_mode = #tpu.pipeline_mode<synchronous>, transform_indices = @transform_9, window_bounds = array<i64: 128, 128>}, {pipeline_mode = #tpu.pipeline_mode<synchronous>, transform_indices = @transform_10, window_bounds = array<i64: 128, 128>}, {pipeline_mode = #tpu.pipeline_mode<synchronous>, transform_indices = @transform_11, window_bounds = array<i64: 16, 128>}, {pipeline_mode = #tpu.pipeline_mode<synchronous>, transform_indices = @transform_12, window_bounds = array<i64: 128, 128>}, {pipeline_mode = #tpu.pipeline_mode<synchronous>, transform_indices = @transform_13, window_bounds = array<i64: 128, 128>}, {pipeline_mode = #tpu.pipeline_mode<synchronous>, transform_indices = @transform_14, window_bounds = array<i64: 16, 128>}, {pipeline_mode = #tpu.pipeline_mode<synchronous>, transform_indices = @transform_15, window_bounds = array<i64: 128, 128>}, {pipeline_mode = #tpu.pipeline_mode<synchronous>, transform_indices = @transform_16, window_bounds = array<i64: 128, 128>}, {pipeline_mode = #tpu.pipeline_mode<synchronous>, transform_indices = @transform_17, window_bounds = array<i64: 128, 128>}, {pipeline_mode = #tpu.pipeline_mode<synchronous>, transform_indices = @transform_18, window_bounds = array<i64: 8, 128>}, {pipeline_mode = #tpu.pipeline_mode<synchronous>, transform_indices = @transform_19, window_bounds = array<i64: 128, 128>}, {pipeline_mode = #tpu.pipeline_mode<synchronous>, transform_indices = @transform_20, window_bounds = array<i64: 8, 128>}, {transform_indices = @transform_21, window_bounds = array<i64: 128, 128>}]} {
    %get3A = arith.constant 0 : index
    %get3A_0 = arith.constant 0 : index
    %get3A_1 = vector.load %arg1[%get3A, %get3A_0] : memref<128x128xf32, #tpu.memory_space<vmem>>, vector<128x128xf32>
    %get3A_2 = arith.constant 0 : index
    %get3A_3 = arith.constant 0 : index
    %get3A_4 = vector.load %arg2[%get3A_2, %get3A_3] : memref<2048x128xf32, #tpu.memory_space<vmem>>, vector<2048x128xf32>
    %get3A_5 = arith.constant 0 : index
    %get3A_6 = arith.constant 0 : index
    %get3A_7 = vector.load %arg3[%get3A_5, %get3A_6] : memref<2048x16xf32, #tpu.memory_space<vmem>>, vector<2048x16xf32>
    %get3A_8 = arith.constant 0 : index
    %get3A_9 = arith.constant 0 : index
    %get3A_10 = vector.load %arg4[%get3A_8, %get3A_9] : memref<128x16xf32, #tpu.memory_space<vmem>>, vector<128x16xf32>
    %get3A_11 = arith.constant 0 : index
    %get3A_12 = arith.constant 0 : index
    %get3A_13 = vector.load %arg5[%get3A_11, %get3A_12] : memref<128x1xf32, #tpu.memory_space<vmem>>, vector<128x1xf32>
    %get3A_14 = arith.constant 0 : index
    %get3A_15 = arith.constant 0 : index
    %get3A_16 = vector.load %arg6[%get3A_14, %get3A_15] : memref<8x128xf32, #tpu.memory_space<vmem>>, vector<1x128xf32>
    %get3A_17 = arith.constant 0 : index
    %get3A_18 = arith.constant 0 : index
    %get3A_19 = vector.load %arg7[%get3A_17, %get3A_18] : memref<8x128xf32, #tpu.memory_space<vmem>>, vector<1x128xf32>
    %broadcast_in_dim3A = vector.shape_cast %get3A_13 : vector<128x1xf32> to vector<128x1x1xf32>
    %broadcast_in_dim3A_20 = vector.shape_cast %get3A_10 : vector<128x16xf32> to vector<128x16x1xf32>
    %sub3A = vector.broadcast %broadcast_in_dim3A : vector<128x1x1xf32> to vector<128x16x1xf32>
    %sub3A_21 = arith.subf %sub3A, %broadcast_in_dim3A_20 : vector<128x16x1xf32>
    %broadcast_in_dim3A_22 = vector.shape_cast %get3A_16 : vector<1x128xf32> to vector<1x1x128xf32>
    %mul3A = vector.broadcast %sub3A_21 : vector<128x16x1xf32> to vector<128x16x128xf32>
    %mul3A_23 = vector.broadcast %broadcast_in_dim3A_22 : vector<1x1x128xf32> to vector<128x16x128xf32>
    %mul3A_24 = arith.mulf %mul3A, %mul3A_23 : vector<128x16x128xf32>
    %broadcast_in_dim3A_25 = vector.shape_cast %get3A_19 : vector<1x128xf32> to vector<1x1x128xf32>
    %add3A = vector.broadcast %broadcast_in_dim3A_25 : vector<1x1x128xf32> to vector<128x16x128xf32>
    %add3A_26 = arith.addf %mul3A_24, %add3A : vector<128x16x128xf32>
    %mul3A_27 = arith.constant 0.159154937 : f32
    %mul3A_28 = vector.broadcast %mul3A_27 : f32 to vector<128x16x128xf32>
    %mul3A_29 = arith.mulf %add3A_26, %mul3A_28 : vector<128x16x128xf32>
    %add3A_30 = arith.constant 0x4B400000 : f32
    %add3A_31 = vector.broadcast %add3A_30 : f32 to vector<128x16x128xf32>
    %add3A_32 = arith.addf %mul3A_29, %add3A_31 : vector<128x16x128xf32>
    %sub3A_33 = arith.constant 0x4B400000 : f32
    %sub3A_34 = vector.broadcast %sub3A_33 : f32 to vector<128x16x128xf32>
    %sub3A_35 = arith.subf %add3A_32, %sub3A_34 : vector<128x16x128xf32>
    %mul3A_36 = arith.constant 6.281250e+00 : f32
    %mul3A_37 = vector.broadcast %mul3A_36 : f32 to vector<128x16x128xf32>
    %mul3A_38 = arith.mulf %sub3A_35, %mul3A_37 : vector<128x16x128xf32>
    %sub3A_39 = arith.subf %add3A_26, %mul3A_38 : vector<128x16x128xf32>
    %mul3A_40 = arith.constant 0.00193500519 : f32
    %mul3A_41 = vector.broadcast %mul3A_40 : f32 to vector<128x16x128xf32>
    %mul3A_42 = arith.mulf %sub3A_35, %mul3A_41 : vector<128x16x128xf32>
    %sub3A_43 = arith.subf %sub3A_39, %mul3A_42 : vector<128x16x128xf32>
    %mul3A_44 = arith.constant 3.01991605E-7 : f32
    %mul3A_45 = vector.broadcast %mul3A_44 : f32 to vector<128x16x128xf32>
    %mul3A_46 = arith.mulf %sub3A_35, %mul3A_45 : vector<128x16x128xf32>
    %sub3A_47 = arith.subf %sub3A_43, %mul3A_46 : vector<128x16x128xf32>
    %mul3A_48 = arith.mulf %sub3A_47, %sub3A_47 : vector<128x16x128xf32>
    %mul3A_49 = arith.constant 1.72239423E-9 : f32
    %mul3A_50 = vector.broadcast %mul3A_49 : f32 to vector<128x16x128xf32>
    %mul3A_51 = arith.mulf %mul3A_50, %mul3A_48 : vector<128x16x128xf32>
    %add3A_52 = arith.constant -2.70732727E-7 : f32
    %add3A_53 = vector.broadcast %add3A_52 : f32 to vector<128x16x128xf32>
    %add3A_54 = arith.addf %mul3A_51, %add3A_53 : vector<128x16x128xf32>
    %mul3A_55 = arith.mulf %add3A_54, %mul3A_48 : vector<128x16x128xf32>
    %add3A_56 = arith.constant 2.476930e-05 : f32
    %add3A_57 = vector.broadcast %add3A_56 : f32 to vector<128x16x128xf32>
    %add3A_58 = arith.addf %mul3A_55, %add3A_57 : vector<128x16x128xf32>
    %mul3A_59 = arith.mulf %add3A_58, %mul3A_48 : vector<128x16x128xf32>
    %add3A_60 = arith.constant -0.00138877763 : f32
    %add3A_61 = vector.broadcast %add3A_60 : f32 to vector<128x16x128xf32>
    %add3A_62 = arith.addf %mul3A_59, %add3A_61 : vector<128x16x128xf32>
    %mul3A_63 = arith.mulf %add3A_62, %mul3A_48 : vector<128x16x128xf32>
    %add3A_64 = arith.constant 0.0416664854 : f32
    %add3A_65 = vector.broadcast %add3A_64 : f32 to vector<128x16x128xf32>
    %add3A_66 = arith.addf %mul3A_63, %add3A_65 : vector<128x16x128xf32>
    %mul3A_67 = arith.mulf %add3A_66, %mul3A_48 : vector<128x16x128xf32>
    %add3A_68 = arith.constant -0.499999881 : f32
    %add3A_69 = vector.broadcast %add3A_68 : f32 to vector<128x16x128xf32>
    %add3A_70 = arith.addf %mul3A_67, %add3A_69 : vector<128x16x128xf32>
    %mul3A_71 = arith.mulf %add3A_70, %mul3A_48 : vector<128x16x128xf32>
    %add3A_72 = arith.constant 1.000000e+00 : f32
    %add3A_73 = vector.broadcast %add3A_72 : f32 to vector<128x16x128xf32>
    %add3A_74 = arith.addf %mul3A_71, %add3A_73 : vector<128x16x128xf32>
    %reshape3A = vector.shape_cast %add3A_74 : vector<128x16x128xf32> to vector<2048x128xf32>
    %get3A_75 = arith.constant 0 : index
    %get3A_76 = arith.constant 0 : index
    %get3A_77 = vector.load %arg10[%get3A_75, %get3A_76] : memref<128x128xf32, #tpu.memory_space<vmem>>, vector<128x128xf32>
    %dot_general3A = arith.constant dense<0.000000e+00> : vector<2048x128xf32>
    %dot_general3A_78 = tpu.matmul %get3A_4, %get3A_77, %dot_general3A {dimension_numbers = #tpu.dot_dimension_numbers<[1], [0], [0], [1], [0, 0, 1, 1], [], []>, transpose_lhs_hint = false} : vector<2048x128xf32>, vector<128x128xf32>, vector<2048x128xf32> -> vector<2048x128xf32>
    %get3A_79 = arith.constant 0 : index
    %get3A_80 = arith.constant 0 : index
    %get3A_81 = vector.load %arg11[%get3A_79, %get3A_80] : memref<128x128xf32, #tpu.memory_space<vmem>>, vector<128x128xf32>
    %dot_general3A_82 = arith.constant dense<0.000000e+00> : vector<2048x128xf32>
    %dot_general3A_83 = tpu.matmul %reshape3A, %get3A_81, %dot_general3A_82 {dimension_numbers = #tpu.dot_dimension_numbers<[1], [0], [0], [1], [0, 0, 1, 1], [], []>, transpose_lhs_hint = false} : vector<2048x128xf32>, vector<128x128xf32>, vector<2048x128xf32> -> vector<2048x128xf32>
    %add3A_84 = arith.addf %dot_general3A_78, %dot_general3A_83 : vector<2048x128xf32>
    %get3A_85 = arith.constant 0 : index
    %get3A_86 = arith.constant 0 : index
    %get3A_87 = vector.load %arg12[%get3A_85, %get3A_86] : memref<16x128xf32, #tpu.memory_space<vmem>>, vector<16x128xf32>
    %dot_general3A_88 = arith.constant dense<0.000000e+00> : vector<2048x128xf32>
    %dot_general3A_89 = tpu.matmul %get3A_7, %get3A_87, %dot_general3A_88 {dimension_numbers = #tpu.dot_dimension_numbers<[1], [0], [0], [1], [0, 0, 1, 1], [], []>, transpose_lhs_hint = false} : vector<2048x16xf32>, vector<16x128xf32>, vector<2048x128xf32> -> vector<2048x128xf32>
    %add3A_90 = arith.addf %add3A_84, %dot_general3A_89 : vector<2048x128xf32>
    %get3A_91 = arith.constant 0 : index
    %get3A_92 = arith.constant 0 : index
    %get3A_93 = vector.load %arg13[%get3A_91, %get3A_92] : memref<128x128xf32, #tpu.memory_space<vmem>>, vector<128x128xf32>
    %dot_general3A_94 = arith.constant dense<0.000000e+00> : vector<2048x128xf32>
    %dot_general3A_95 = tpu.matmul %get3A_4, %get3A_93, %dot_general3A_94 {dimension_numbers = #tpu.dot_dimension_numbers<[1], [0], [0], [1], [0, 0, 1, 1], [], []>, transpose_lhs_hint = false} : vector<2048x128xf32>, vector<128x128xf32>, vector<2048x128xf32> -> vector<2048x128xf32>
    %get3A_96 = arith.constant 0 : index
    %get3A_97 = arith.constant 0 : index
    %get3A_98 = vector.load %arg14[%get3A_96, %get3A_97] : memref<128x128xf32, #tpu.memory_space<vmem>>, vector<128x128xf32>
    %dot_general3A_99 = arith.constant dense<0.000000e+00> : vector<2048x128xf32>
    %dot_general3A_100 = tpu.matmul %reshape3A, %get3A_98, %dot_general3A_99 {dimension_numbers = #tpu.dot_dimension_numbers<[1], [0], [0], [1], [0, 0, 1, 1], [], []>, transpose_lhs_hint = false} : vector<2048x128xf32>, vector<128x128xf32>, vector<2048x128xf32> -> vector<2048x128xf32>
    %add3A_101 = arith.addf %dot_general3A_95, %dot_general3A_100 : vector<2048x128xf32>
    %get3A_102 = arith.constant 0 : index
    %get3A_103 = arith.constant 0 : index
    %get3A_104 = vector.load %arg15[%get3A_102, %get3A_103] : memref<16x128xf32, #tpu.memory_space<vmem>>, vector<16x128xf32>
    %dot_general3A_105 = arith.constant dense<0.000000e+00> : vector<2048x128xf32>
    %dot_general3A_106 = tpu.matmul %get3A_7, %get3A_104, %dot_general3A_105 {dimension_numbers = #tpu.dot_dimension_numbers<[1], [0], [0], [1], [0, 0, 1, 1], [], []>, transpose_lhs_hint = false} : vector<2048x16xf32>, vector<16x128xf32>, vector<2048x128xf32> -> vector<2048x128xf32>
    %add3A_107 = arith.addf %add3A_101, %dot_general3A_106 : vector<2048x128xf32>
    %cos3A = math.cos %get3A_19 : vector<1x128xf32>
    %get3A_108 = arith.constant 0 : index
    %get3A_109 = arith.constant 0 : index
    %get3A_110 = vector.load %arg9[%get3A_108, %get3A_109] : memref<128x128xf32, #tpu.memory_space<vmem>>, vector<128x128xf32>
    %dot_general3A_111 = arith.constant dense<0.000000e+00> : vector<1x128xf32>
    %dot_general3A_112 = tpu.matmul %cos3A, %get3A_110, %dot_general3A_111 {dimension_numbers = #tpu.dot_dimension_numbers<[1], [0], [0], [1], [0, 0, 1, 1], [], []>, transpose_lhs_hint = false} : vector<1x128xf32>, vector<128x128xf32>, vector<1x128xf32> -> vector<1x128xf32>
    %get3A_113 = arith.constant 0 : index
    %get3A_114 = arith.constant 0 : index
    %get3A_115 = vector.load %arg8[%get3A_113, %get3A_114] : memref<128x128xf32, #tpu.memory_space<vmem>>, vector<128x128xf32>
    %dot_general3A_116 = arith.constant dense<0.000000e+00> : vector<128x128xf32>
    %dot_general3A_117 = tpu.matmul %get3A_1, %get3A_115, %dot_general3A_116 {dimension_numbers = #tpu.dot_dimension_numbers<[1], [0], [0], [1], [0, 0, 1, 1], [], []>, transpose_lhs_hint = false} : vector<128x128xf32>, vector<128x128xf32>, vector<128x128xf32> -> vector<128x128xf32>
    %add3A_118 = vector.broadcast %dot_general3A_112 : vector<1x128xf32> to vector<128x128xf32>
    %add3A_119 = arith.addf %dot_general3A_117, %add3A_118 : vector<128x128xf32>
    %broadcast_in_dim3A_120 = vector.shape_cast %add3A_119 : vector<128x128xf32> to vector<128x1x128xf32>
    %broadcast_in_dim3A_121 = vector.shape_cast %broadcast_in_dim3A_120 : vector<128x1x128xf32> to vector<128x1x128xf32>
    %broadcast_in_dim3A_122 = vector.broadcast %broadcast_in_dim3A_121 : vector<128x1x128xf32> to vector<128x16x128xf32>
    %reshape3A_123 = vector.shape_cast %broadcast_in_dim3A_122 : vector<128x16x128xf32> to vector<2048x128xf32>
    %mul3A_124 = arith.mulf %reshape3A_123, %add3A_90 : vector<2048x128xf32>
    %iota3A = tpu.iota {dimensions = array<i32: 0>} : vector<128x128xi32>
    %lt3A = arith.constant 64 : i32
    %lt3A_125 = vector.broadcast %lt3A : i32 to vector<128x128xi32>
    %lt3A_126 = arith.cmpi slt, %iota3A, %lt3A_125 : vector<128x128xi32>
    %iota3A_127 = tpu.iota {dimensions = array<i32: 1>} : vector<128x128xi32>
    %lt3A_128 = arith.constant 64 : i32
    %lt3A_129 = vector.broadcast %lt3A_128 : i32 to vector<128x128xi32>
    %lt3A_130 = arith.cmpi slt, %iota3A_127, %lt3A_129 : vector<128x128xi32>
    %eq3A = arith.xori %lt3A_126, %lt3A_130 : vector<128x128xi1>
    %eq3A_131 = arith.constant dense<true> : vector<128x128xi1>
    %eq3A_132 = arith.xori %eq3A, %eq3A_131 : vector<128x128xi1>
    %jit3A = arith.constant 1.250000e-01 : f32
    %jit3A_133 = arith.constant 0.000000e+00 : f32
    %broadcast_in_dim3A_134 = vector.broadcast %jit3A : f32 to vector<128x128xf32>
    %broadcast_in_dim3A_135 = vector.broadcast %jit3A_133 : f32 to vector<128x128xf32>
    %select_n3A = arith.select %eq3A_132, %broadcast_in_dim3A_134, %broadcast_in_dim3A_135 : vector<128x128xi1>, vector<128x128xf32>
    %dot_general3A_136 = arith.constant dense<0.000000e+00> : vector<2048x128xf32>
    %dot_general3A_137 = tpu.matmul %mul3A_124, %select_n3A, %dot_general3A_136 {dimension_numbers = #tpu.dot_dimension_numbers<[1], [0], [0], [1], [0, 0, 1, 1], [], []>, transpose_lhs_hint = false} : vector<2048x128xf32>, vector<128x128xf32>, vector<2048x128xf32> -> vector<2048x128xf32>
    %exp3A = math.exp %dot_general3A_137 : vector<2048x128xf32>
    %mul3A_138 = arith.mulf %exp3A, %add3A_107 : vector<2048x128xf32>
    %reshape3A_139 = vector.shape_cast %mul3A_138 : vector<2048x128xf32> to vector<128x16x128xf32>
    %reduce_sum3A = arith.constant dense<0.000000e+00> : vector<128x128xf32>
    %reduce_sum3A_140 = vector.multi_reduction <add>, %reshape3A_139, %reduce_sum3A [1] : vector<128x16x128xf32> to vector<128x128xf32>
    %reshape3A_141 = vector.shape_cast %exp3A : vector<2048x128xf32> to vector<128x16x128xf32>
    %reduce_sum3A_142 = arith.constant dense<0.000000e+00> : vector<128x128xf32>
    %reduce_sum3A_143 = vector.multi_reduction <add>, %reshape3A_141, %reduce_sum3A_142 [1] : vector<128x16x128xf32> to vector<128x128xf32>
    %div3A = arith.divf %reduce_sum3A_140, %reduce_sum3A_143 : vector<128x128xf32>
    %get3A_144 = arith.constant 0 : index
    %get3A_145 = arith.constant 0 : index
    %get3A_146 = vector.load %arg16[%get3A_144, %get3A_145] : memref<128x128xf32, #tpu.memory_space<vmem>>, vector<128x128xf32>
    %dot_general3A_147 = arith.constant dense<0.000000e+00> : vector<128x128xf32>
    %dot_general3A_148 = tpu.matmul %div3A, %get3A_146, %dot_general3A_147 {dimension_numbers = #tpu.dot_dimension_numbers<[1], [0], [0], [1], [0, 0, 1, 1], [], []>, transpose_lhs_hint = false} : vector<128x128xf32>, vector<128x128xf32>, vector<128x128xf32> -> vector<128x128xf32>
    %get3A_149 = arith.constant 0 : index
    %get3A_150 = arith.constant 0 : index
    %get3A_151 = vector.load %arg17[%get3A_149, %get3A_150] : memref<128x128xf32, #tpu.memory_space<vmem>>, vector<128x128xf32>
    %dot_general3A_152 = arith.constant dense<0.000000e+00> : vector<128x128xf32>
    %dot_general3A_153 = tpu.matmul %dot_general3A_148, %get3A_151, %dot_general3A_152 {dimension_numbers = #tpu.dot_dimension_numbers<[1], [0], [0], [1], [0, 0, 1, 1], [], []>, transpose_lhs_hint = false} : vector<128x128xf32>, vector<128x128xf32>, vector<128x128xf32> -> vector<128x128xf32>
    %get3A_154 = arith.constant 0 : index
    %get3A_155 = arith.constant 0 : index
    %get3A_156 = vector.load %arg18[%get3A_154, %get3A_155] : memref<128x128xf32, #tpu.memory_space<vmem>>, vector<128x128xf32>
    %dot_general3A_157 = arith.constant dense<0.000000e+00> : vector<128x128xf32>
    %dot_general3A_158 = tpu.matmul %get3A_1, %get3A_156, %dot_general3A_157 {dimension_numbers = #tpu.dot_dimension_numbers<[1], [0], [0], [1], [0, 0, 1, 1], [], []>, transpose_lhs_hint = false} : vector<128x128xf32>, vector<128x128xf32>, vector<128x128xf32> -> vector<128x128xf32>
    %add3A_159 = arith.addf %dot_general3A_153, %dot_general3A_158 : vector<128x128xf32>
    %get3A_160 = arith.constant 0 : index
    %get3A_161 = arith.constant 0 : index
    %get3A_162 = vector.load %arg19[%get3A_160, %get3A_161] : memref<8x128xf32, #tpu.memory_space<vmem>>, vector<1x128xf32>
    %add3A_163 = vector.broadcast %get3A_162 : vector<1x128xf32> to vector<128x128xf32>
    %add3A_164 = arith.addf %add3A_159, %add3A_163 : vector<128x128xf32>
    %max3A = arith.constant 0.000000e+00 : f32
    %max3A_165 = vector.broadcast %max3A : f32 to vector<128x128xf32>
    %max3A_166 = arith.maximumf %add3A_164, %max3A_165 : vector<128x128xf32>
    %get3A_167 = arith.constant 0 : index
    %get3A_168 = arith.constant 0 : index
    %get3A_169 = vector.load %arg20[%get3A_167, %get3A_168] : memref<128x128xf32, #tpu.memory_space<vmem>>, vector<128x128xf32>
    %dot_general3A_170 = arith.constant dense<0.000000e+00> : vector<128x128xf32>
    %dot_general3A_171 = tpu.matmul %max3A_166, %get3A_169, %dot_general3A_170 {dimension_numbers = #tpu.dot_dimension_numbers<[1], [0], [0], [1], [0, 0, 1, 1], [], []>, transpose_lhs_hint = false} : vector<128x128xf32>, vector<128x128xf32>, vector<128x128xf32> -> vector<128x128xf32>
    %get3A_172 = arith.constant 0 : index
    %get3A_173 = arith.constant 0 : index
    %get3A_174 = vector.load %arg21[%get3A_172, %get3A_173] : memref<8x128xf32, #tpu.memory_space<vmem>>, vector<1x128xf32>
    %add3A_175 = vector.broadcast %get3A_174 : vector<1x128xf32> to vector<128x128xf32>
    %add3A_176 = arith.addf %dot_general3A_171, %add3A_175 : vector<128x128xf32>
    %swap3A = arith.constant 0 : index
    %swap3A_177 = arith.constant 0 : index
    %swap3A_178 = vector.load %arg22[%swap3A, %swap3A_177] : memref<128x128xf32, #tpu.memory_space<vmem>>, vector<128x128xf32>
    tpu.vector_store %arg22[%swap3A, %swap3A_177], %add3A_176 {strides = array<i32>} : memref<128x128xf32, #tpu.memory_space<vmem>>, vector<128x128xf32>,
    return
  }
  func.func @transform_0(%arg0: i32) -> (i32, i32) {
    %c0_i32 = arith.constant 0 : i32
    %c0_i32_0 = arith.constant 0 : i32
    return %arg0, %c0_i32 : i32, i32
  }
  func.func @transform_1(%arg0: i32) -> (i32, i32) {
    %c0_i32 = arith.constant 0 : i32
    %c0_i32_0 = arith.constant 0 : i32
    return %arg0, %c0_i32 : i32, i32
  }
  func.func @transform_2(%arg0: i32) -> (i32, i32) {
    %c0_i32 = arith.constant 0 : i32
    %c0_i32_0 = arith.constant 0 : i32
    return %arg0, %c0_i32 : i32, i32
  }
  func.func @transform_3(%arg0: i32) -> (i32, i32) {
    %c0_i32 = arith.constant 0 : i32
    %c0_i32_0 = arith.constant 0 : i32
    return %arg0, %c0_i32 : i32, i32
  }
  func.func @transform_4(%arg0: i32) -> (i32, i32) {
    %c0_i32 = arith.constant 0 : i32
    %c0_i32_0 = arith.constant 0 : i32
    return %arg0, %c0_i32 : i32, i32
  }
  func.func @transform_5(%arg0: i32) -> (i32, i32) {
    %c0_i32 = arith.constant 0 : i32
    %c0_i32_0 = arith.constant 0 : i32
    %c0_i32_1 = arith.constant 0 : i32
    return %c0_i32, %c0_i32_0 : i32, i32
  }
  func.func @transform_6(%arg0: i32) -> (i32, i32) {
    %c0_i32 = arith.constant 0 : i32
    %c0_i32_0 = arith.constant 0 : i32
    %c0_i32_1 = arith.constant 0 : i32
    return %c0_i32, %c0_i32_0 : i32, i32
  }
  func.func @transform_7(%arg0: i32) -> (i32, i32) {
    %c0_i32 = arith.constant 0 : i32
    %c0_i32_0 = arith.constant 0 : i32
    %c0_i32_1 = arith.constant 0 : i32
    return %c0_i32, %c0_i32_0 : i32, i32
  }
  func.func @transform_8(%arg0: i32) -> (i32, i32) {
    %c0_i32 = arith.constant 0 : i32
    %c0_i32_0 = arith.constant 0 : i32
    %c0_i32_1 = arith.constant 0 : i32
    return %c0_i32, %c0_i32_0 : i32, i32
  }
  func.func @transform_9(%arg0: i32) -> (i32, i32) {
    %c0_i32 = arith.constant 0 : i32
    %c0_i32_0 = arith.constant 0 : i32
    %c0_i32_1 = arith.constant 0 : i32
    return %c0_i32, %c0_i32_0 : i32, i32
  }
  func.func @transform_10(%arg0: i32) -> (i32, i32) {
    %c0_i32 = arith.constant 0 : i32
    %c0_i32_0 = arith.constant 0 : i32
    %c0_i32_1 = arith.constant 0 : i32
    return %c0_i32, %c0_i32_0 : i32, i32
  }
  func.func @transform_11(%arg0: i32) -> (i32, i32) {
    %c0_i32 = arith.constant 0 : i32
    %c0_i32_0 = arith.constant 0 : i32
    %c0_i32_1 = arith.constant 0 : i32
    return %c0_i32, %c0_i32_0 : i32, i32
  }
  func.func @transform_12(%arg0: i32) -> (i32, i32) {
    %c0_i32 = arith.constant 0 : i32
    %c0_i32_0 = arith.constant 0 : i32
    %c0_i32_1 = arith.constant 0 : i32
    return %c0_i32, %c0_i32_0 : i32, i32
  }
  func.func @transform_13(%arg0: i32) -> (i32, i32) {
    %c0_i32 = arith.constant 0 : i32
    %c0_i32_0 = arith.constant 0 : i32
    %c0_i32_1 = arith.constant 0 : i32
    return %c0_i32, %c0_i32_0 : i32, i32
  }
  func.func @transform_14(%arg0: i32) -> (i32, i32) {
    %c0_i32 = arith.constant 0 : i32
    %c0_i32_0 = arith.constant 0 : i32
    %c0_i32_1 = arith.constant 0 : i32
    return %c0_i32, %c0_i32_0 : i32, i32
  }
  func.func @transform_15(%arg0: i32) -> (i32, i32) {
    %c0_i32 = arith.constant 0 : i32
    %c0_i32_0 = arith.constant 0 : i32
    %c0_i32_1 = arith.constant 0 : i32
    return %c0_i32, %c0_i32_0 : i32, i32
  }
  func.func @transform_16(%arg0: i32) -> (i32, i32) {
    %c0_i32 = arith.constant 0 : i32
    %c0_i32_0 = arith.constant 0 : i32
    %c0_i32_1 = arith.constant 0 : i32
    return %c0_i32, %c0_i32_0 : i32, i32
  }
  func.func @transform_17(%arg0: i32) -> (i32, i32) {
    %c0_i32 = arith.constant 0 : i32
    %c0_i32_0 = arith.constant 0 : i32
    %c0_i32_1 = arith.constant 0 : i32
    return %c0_i32, %c0_i32_0 : i32, i32
  }
  func.func @transform_18(%arg0: i32) -> (i32, i32) {
    %c0_i32 = arith.constant 0 : i32
    %c0_i32_0 = arith.constant 0 : i32
    %c0_i32_1 = arith.constant 0 : i32
    return %c0_i32, %c0_i32_0 : i32, i32
  }
  func.func @transform_19(%arg0: i32) -> (i32, i32) {
    %c0_i32 = arith.constant 0 : i32
    %c0_i32_0 = arith.constant 0 : i32
    %c0_i32_1 = arith.constant 0 : i32
    return %c0_i32, %c0_i32_0 : i32, i32
  }
  func.func @transform_20(%arg0: i32) -> (i32, i32) {
    %c0_i32 = arith.constant 0 : i32
    %c0_i32_0 = arith.constant 0 : i32
    %c0_i32_1 = arith.constant 0 : i32
    return %c0_i32, %c0_i32_0 : i32, i32
  }
  func.func @transform_21(%arg0: i32) -> (i32, i32) {
    %c0_i32 = arith.constant 0 : i32
    %c0_i32_0 = arith.constant 0 : i32
    return %arg0, %c0_i32 : i32, i32
  }
}

</mosaic_0001>

<sc_bundles>
// kernel: kernel.10.cloned.1.call-start
scs
__scs_entry_jumppad:
0x0: {  	(pc) =	sbr.rel $0x88, $3  }
0x1: {  	(tag) =	ssettag $0x0;
	lr =	simm.s32 $0x1  }
0x2: {  	[smem:$0x3F85] =	sst lr;
	_ =	strace $0xD0000000  }
0x3: {  	_ = 	snop  }
0x4: {  	_ = 	snop  }
0x5: {  	_ = 	snop  }
0x6: {  	_ = 	snop  }
0x7: {  	_ = 	snop  }
__scs_overlays_trampoline_lowered:
0x8: {  	[smem:$0x3F94] =	sst s0  }
0x9: {  	[smem:$0x3F95] =	sst s1  }
0xa: {  	[smem:$0x3F96] =	sst s2  }
0xb: {  	[smem:$0x3F97] =	sst s3  }
0xc: {  	[smem:$0x3F98] =	sst s4  }
0xd: {  	[smem:$0x3F99] =	sst s5  }
0xe: {  	[smem:$0x3F9A] =	sst s6  }
0xf: {  	[smem:$0x3F9B] =	sst s7  }
0x10: {  	[smem:$0x3F9C] =	sst s8  }
0x11: {  	[smem:$0x3F9D] =	sst s9;
	s0 =	simm.s32 @!p0 $0x0  }
0x12: {  	s1 =	sld [smem:$0x3F83];
	s0 =	simm.s32 @p0 $0x1  }
0x13: {  	[smem:$0x3F9E] =	sst s0;
	s0 =	simm.s32 @!p1 $0x0  }
0x14: {  	s2 =	sld [smem:$0x3F82];
	s0 =	simm.s32 @p1 $0x1  }
0x15: {  	[smem:$0x3F9F] =	sst s0;
	s0 =	simm.s32 @!p2 $0x0  }
0x16: {  	s3 =	sld [smem:$0x3FDB];
	s0 =	simm.s32 @p2 $0x1  }
0x17: {  	s4 =	simm.s32 $0x1BF5;
	[smem:$0x3FA1] =	sst s0  }
0x18: {  	s0 =	sld [smem:$0x3F84];
	_ =	swait.ge [sflag:s4], $0x0  }
0x19: {  	s7 =	sld [smem:$0x3F85]  }
0x1a: {  	s8 =	sadd.s32 $0xFFFFE003, lr  }
0x1b: {  	s9 =	sadd.s32 $0xFFFFFEF7, lr;
	s5 =	simm.s32 $0xFFFFFFFF;
	p2 =	slt.u32 s8, $0xFFFFF086  }
0x1c: {  	p1 =	slt.u32 s9, $0xF7A;
	s5 =	simm.s32 @!p2 $0x0  }
0x1d: {  	s5 =	simm.s32 @p1 $0x1;
	p0 =	seq.s32 s7, s2  }
0x1e: {  	s7 =	smul.u32 @!p0 $0xF7A, s2;
	p2 =	seq.s32 @!p0 s5, $0x0  }
0x1f: {  	s9 =	smul.u32 $0xF7A, s1;
	s8 =	simm.s32 @!p0 $0x1BF5;
	p2 =	por !p2, p0  }
0x20: {  	[sflag:s8] =	ssyncset.s32 @!p0 $0xFFFFF086;
	s6 =	sadd.s32 @!p0 s3, s7;
	s7 =	simm.s32 @!p0 $0x108  }
0x21: {  	s3 =	sadd.s32 s3, s9;
	s6 =	sadd.s32 @!p0 $0x88, s6;
	s7 =	simm.s32 @p2 $0x1082  }
0x22: {  	[simem:s7], [sflag:s8] =	dma.local @!p0 [hbm:s6], $0xF7A  }
0x23: {  	s9 =	sor.u32 $0xD0000000, s2;
	s6 =	simm.s32 $0x108;
	_ =	swait.ge @!p0 [sflag:s8], $0x0  }
0x24: {  	s3 =	sadd.s32 $0x88, s3;
	s6 =	simm.s32 @!p1 $0x1082;
	[sflag:s4] =	ssyncset.s32 $0xFFFFF086  }
0x25: {  	[simem:s6], [sflag:s4] =	dma.local [hbm:s3], $0xF7A  }
0x26: {  	[smem:$0x3F85] =	sst s1;
	(tag) =	ssettag s2;
	_ =	strace s9  }
0x27: {  	s1 =	sld [smem:$0x3F95]  }
0x28: {  	s2 =	sld [smem:$0x3F96]  }
0x29: {  	s4 =	sld [smem:$0x3F98]  }
0x2a: {  	p0 =	seq.s32 s5, $0x0;
	s5 =	sld [smem:$0x3F99]  }
0x2b: {  	s6 =	sld [smem:$0x3F9A]  }
0x2c: {  	s7 =	sld [smem:$0x3F9B]  }
0x2d: {  	s3 =	simm.s32 $0x108;
	s8 =	sld [smem:$0x3F9C]  }
0x2e: {  	s3 =	simm.s32 @!p0 $0x1082;
	s9 =	sld [smem:$0x3F9D]  }
0x2f: {  	lr =	sadd.s32 s0, s3;
	s0 =	sld [smem:$0x3F94]  }
0x30: {  	s3 =	sld [smem:$0x3F97]  }
0x31: {  	[smem:$0x3FA0] =	sst s10  }
0x32: {  	s10 =	sld [smem:$0x3F9E];
	_ =	sdelay $0x3  }
0x33: {  	p0 =	seq.s32 s10, $0x1;
	s10 =	sld [smem:$0x3FA0];
	_ =	sdelay $0x3  }
0x34: {  	[smem:$0x3FA0] =	sst s10  }
0x35: {  	s10 =	sld [smem:$0x3F9F];
	_ =	sdelay $0x3  }
0x36: {  	p1 =	seq.s32 s10, $0x1;
	s10 =	sld [smem:$0x3FA0];
	_ =	sdelay $0x3  }
0x37: {  	[smem:$0x3FA0] =	sst s10  }
0x38: {  	s10 =	sld [smem:$0x3FA1]  }
0x39: {  	_ = 	snop;
	(pc) =	sbr.ind lr, $3  }
0x3a: {  	_ = 	snop  }
0x3b: {  	_ = 	snop  }
0x3c: {  	p2 =	seq.s32 s10, $0x1;
	s10 =	sld [smem:$0x3FA0]  }
0x3d: {  	_ =	shalt  }
0x3e: {  	_ =	shalt  }
0x3f: {  	_ =	shalt  }
0x40: {  	_ =	shalt  }
0x41: {  	_ =	shalt  }
0x42: {  	_ =	shalt  }
0x43: {  	_ =	shalt  }
0x44: {  	_ =	shalt  }
0x45: {  	_ =	shalt  }
0x46: {  	_ =	shalt  }
0x47: {  	_ =	shalt  }
0x48: {  	_ =	shalt  }
0x49: {  	_ =	shalt  }
0x4a: {  	_ =	shalt  }
0x4b: {  	_ =	shalt  }
0x4c: {  	_ =	shalt  }
0x4d: {  	_ =	shalt  }
0x4e: {  	_ =	shalt  }
0x4f: {  	_ =	shalt  }
0x50: {  	_ =	shalt  }
0x51: {  	_ =	shalt  }
0x52: {  	_ =	shalt  }
0x53: {  	_ =	shalt  }
0x54: {  	_ =	shalt  }
0x55: {  	_ =	shalt  }
0x56: {  	_ =	shalt  }
0x57: {  	_ =	shalt  }
0x58: {  	_ =	shalt  }
0x59: {  	_ =	shalt  }
0x5a: {  	_ =	shalt  }
0x5b: {  	_ =	shalt  }
0x5c: {  	_ =	shalt  }
0x5d: {  	_ =	shalt  }
0x5e: {  	_ =	shalt  }
0x5f: {  	_ =	shalt  }
0x60: {  	_ =	shalt  }
0x61: {  	_ =	shalt  }
0x62: {  	_ =	shalt  }
0x63: {  	_ =	shalt  }
0x64: {  	_ =	shalt  }
0x65: {  	_ =	shalt  }
0x66: {  	_ =	shalt  }
0x67: {  	_ =	shalt  }
0x68: {  	_ =	shalt  }
0x69: {  	_ =	shalt  }
0x6a: {  	_ =	shalt  }
0x6b: {  	_ =	shalt  }
0x6c: {  	_ =	shalt  }
0x6d: {  	_ =	shalt  }
0x6e: {  	_ =	shalt  }
0x6f: {  	_ =	shalt  }
0x70: {  	_ =	shalt  }
0x71: {  	_ =	shalt  }
0x72: {  	_ =	shalt  }
0x73: {  	_ =	shalt  }
0x74: {  	_ =	shalt  }
0x75: {  	_ =	shalt  }
0x76: {  	_ =	shalt  }
0x77: {  	_ =	shalt  }
0x78: {  	_ =	shalt  }
0x79: {  	_ =	shalt  }
0x7a: {  	_ =	shalt  }
0x7b: {  	_ =	shalt  }
0x7c: {  	_ =	shalt  }
0x7d: {  	_ =	shalt  }
0x7e: {  	_ =	shalt  }
0x7f: {  	_ =	shalt  }
0x80: {  	_ =	shalt  }
0x81: {  	_ =	shalt  }
0x82: {  	_ =	shalt  }
0x83: {  	_ =	shalt  }
0x84: {  	_ =	shalt  }
0x85: {  	_ =	shalt  }
0x86: {  	_ =	shalt  }
0x87: {  	_ =	shalt  }
.Lfunc_end0:
.L_simem_size_0:
called_computation_lowered:
.L_overlay_start_0:
0x88: {  	s2 =	sld [smem:$0x3FD9]  }
0x89: {  	s3 =	sld [smem:$0x3FFE];
	_ =	sdelay $0x1  }
0x8a: {  	s1 =	srdreg.scid  }
0x8b: {  	s0 =	sand.u32 $0x1, s1  }
0x8c: {  	s17 =	sshll.u32 s0, $0xA;
	s2 =	sadd.s32 s3, s2  }
0x8d: {  	s2 =	sadd.s32 s2, s17  }
0x8e: {  	[smem:$0x3FAC] =	sst s2  }
0x8f: {  	_ = 	snop  }
0x90: {  	s2 =	sld [smem:$0x3FC5]  }
0x91: {  	s18 =	sld [smem:$0x3FD0];
	(tm) =	ssettm $0x1  }
0x92: {  	s4 =	sld [smem:$0x3FFB];
	_ =	sdelay $0x3  }
0x93: {  	_ =	strace s4  }
0x94: {  	s4 =	sld [smem:$0x3FFC];
	_ =	sdelay $0x3  }
0x95: {  	_ =	strace s4  }
0x96: {  	s4 =	sld [smem:$0x3FFD];
	_ =	sdelay $0x3  }
0x97: {  	_ =	strace s4  }
0x98: {  	_ =	strace $0x8FFFFFFF  }
0x99: {  	s19 =	sld [smem:$0x3FDB];
	_ =	sdelay $0x1  }
0x9a: {  	s5 =	simm.s32 $_scs_section_size  }
0x9b: {  	s6 =	simm.s32 $_size__tile_overlayer_lowered;
	s7 =	simm.s32 $_tile_overlayer_lowered  }
0x9c: {  	s22 =	simm.s32 $0x1BFF;
	s21 =	sshll.u32 s7, $0x1;
	s4 =	sadd.s32 s5, s19  }
0x9d: {  	s8 =	simm.s32 $0x0;
	s20 =	sshll.u32 s6, $0x1;
	s6 =	sadd.s32 s21, s4  }
0x9e: {  	[timem:s8], [sflag:s22] =	dma.local [hbm:s6], s20  }
0x9f: {  	_ =	swait.ge [sflag:s22], s20  }
0xa0: {  	s5 =	ssub.s32 $0x0, s20;
	[sflag:s22] =	ssyncset.done $0x0  }
0xa1: {  	[sflag:s22] =	ssyncadd.s32 s5;
	_ =	sdelay $0x1  }
0xa2: {  	s23 =	simm.s32 $0x1B8B  }
0xa3: {  	_ =	swait.ge [sflag:s23], $0x1  }
0xa4: {  	[sflag:s23] =	ssyncset.done $0x0  }
0xa5: {  	s25 =	simm.s32 $0x1B8E;
	s24 =	sld [smem:$0x3FFE];
	[sflag:s23] =	ssyncadd.s32 $0xFFFFFFFF  }
0xa6: {  	s26 =	simm.s32 $execute0_lowered;
	[smem:$0x3FD2] =	sst s25  }
0xa7: {  	s6 =	sshll.u32 s26, $0x1;
	_ =	strace $0x80000046;
	[dreg:$0x1] =	wrdreg $0xFFFFFFFF  }
0xa8: {  	s28 =	simm.s32 $_size_execute0_lowered;
	s4 =	sadd.s32 s4, s6;
	[dreg:$0x0] =	wrdreg $0x0  }
0xa9: {  	s6 =	sshll.u32 s28, $0x1;
	[dreg:$0x2] =	wrdreg s4  }
0xaa: {  	[dreg:$0x3] =	wrdreg s6  }
0xab: {  	[dreg:$0x4] =	wrdreg $0xC0  }
0xac: {  	_ =	task [dreg:s8], $0x5FFFF  }
0xad: {  	[dreg:$0x1] =	wrdreg $0xFFFFFFFF  }
0xae: {  	[dreg:$0x0] =	wrdreg $0x60  }
0xaf: {  	[dreg:$0x2] =	wrdreg s24  }
0xb0: {  	[dreg:$0x3] =	wrdreg s2  }
0xb1: {  	[dreg:$0x4] =	wrdreg s18  }
0xb2: {  	[dreg:$0x5] =	wrdreg $0x9  }
0xb3: {  	_ =	task.clear_ibuf [dreg:s8], $0x6FFFF;
	_ =	strace $0x90000046  }
0xb4: {  	s29 =	simm.s32 $0x9;
	_ =	strace $0x80000048  }
0xb5: {  	_ =	swait.ge [sflag:s29], $0x1  }
0xb6: {  	[sflag:s29] =	ssyncadd.s32 $0xFFFFFFFF  }
0xb7: {  	_ =	strace $0x90000048  }
0xb8: {  	_ =	sfence  }
0xb9: {  	s30 =	sld [smem:$0x0];
	_ =	sdelay $0x2  }
0xba: {  	s31 =	sshll.u32 s1, $0xD;
	s1 =	sshrl.u32 s1, $0x2  }
0xbb: {  	s3 =	sand.u32 $0x4000, s31;
	s1 =	sadd.s32 s1, s30  }
0xbc: {  	s0 =	sor.u32 s3, s0;
	s1 =	sshll.u32 s1, $0x11  }
0xbd: {  	s0 =	sor.u32 s1, s0  }
0xbe: {  	s0 =	sadd.s32 $0x8F2B, s0  }
0xbf: {  	[sflag:s0] =	ssyncadd.remote.s32 $0x1  }
0xc0: {  	_ =	sfence.sel $0xFFFF  }
0xc1: {  	[dreg:$0x0] =	wrdreg $0xFFFFFFFF;
	(pc) =	sbr.abs _section_cstart, $3  }
0xc2: {  	[dreg:$0x1] =	wrdreg $0xFFFFFFFF  }
0xc3: {  	_ =	task.clear_ibuf [dreg:s8], $0x2FFFF;
	_ =	strace $0x9FFFFFFF  }
0xc4: {  	(tm) =	ssettm $0x7FFFFFFF  }
0xc5: {  	_ =	shalt  }
tec
execute0_lowered:
.L_overlay_start_1:
0x0: {  	(tag) =	ssettag $0x1  }
0x1: {  	s14 =	rddreg [dreg:$0x0]  }
0x2: {  	s11 =	rddreg [dreg:$0x1]  }
0x3: {  	s1 =	srdreg.scid;
	s0 =	stileid.u32  }
0x4: {  	s10 =	rddreg [dreg:$0x2];
	s13 =	sand.u32 $0x1, s1;
	s3 =	sshll.u32 s0, $0x1  }
0x5: {  	s2 =	simm.s32 $0x0;
	s1 =	rddreg [dreg:$0x3];
	s12 =	sor.u32 s13, s3  }
0x6: {  	[smem:$0x7FF] =	sst s2;
	s9 =	sadd.s32 $0x18CE00, s14;
	s3 =	sshll.u32 s12, $0x5  }
0x7: {  	_ =	strace $0x80000047;
	s4 =	sadd.s32 s9, s3;
	s3 =	simm.s32 $0x2  }
0x8: {  	[tilespmem:s2], [sflag:$0x2] =	stream.linear.gather [hbm4b:s4+s2], $0x80, $0x38;
	[tilespmem:$0x4880] =	vst v63  }
0x9: {  	_ =	swait.ge [sflag:s3], $0x80  }
0xa: {  	s6 =	simm.s32 $0x80;
	[sflag:s3] =	ssyncset.done $0x0  }
0xb: {  	s7 =	simm.s32 $0x1;
	s5 =	sadd.s32 $0x6400, s14;
	[sflag:s3] =	ssyncadd.s32 $0xFFFFFF80  }
0xc: {  	[tilespmem:s6], [sflag:$0x1] =	stream.indirect.gather [hbm4b:s5+s6], $0x80, s2, s6, $0xb8;
	[tilespmem:$0x4880] =	vst v63  }
0xd: {  	_ =	swait.ge [sflag:s7], $0x4000  }
0xe: {  	s8 =	sshll.u32 s12, $0xC;
	[sflag:s7] =	ssyncset.done $0x0  }
0xf: {  	s15 =	sshll.u32 s12, $0x8;
	s8 =	sadd.s32 s10, s8;
	[sflag:s7] =	ssyncadd.s32 $0xFFFFC000  }
0x10: {  	[hbm4b:s8+s2] =	stream.linear.scatter [tilespmem:s6], [sflag:$0x2], $0x4000, $0x38;
	[tilespmem:$0x4880] =	vst v63  }
0x11: {  	s16 =	sor.u32 $0x80, s15;
	_ =	swait.ge [sflag:s3], $0x4000  }
0x12: {  	s17 =	sshrl.u32 s16, $0x3;
	[sflag:s3] =	ssyncset.done $0x0  }
0x13: {  	s9 =	sadd.s32 s9, s17;
	[sflag:s3] =	ssyncadd.s32 $0xFFFFC000  }
0x14: {  	[tilespmem:s2], [sflag:$0x2] =	stream.linear.gather [hbm4b:s9+s2], $0x80, $0x38;
	[tilespmem:$0x4880] =	vst v63  }
0x15: {  	_ =	swait.ge [sflag:s3], $0x80  }
0x16: {  	[sflag:s3] =	ssyncset.done $0x0  }
0x17: {  	[sflag:s3] =	ssyncadd.s32 $0xFFFFFF80  }
0x18: {  	[tilespmem:s6], [sflag:$0x1] =	stream.indirect.gather [hbm4b:s5+s6], $0x80, s2, s6, $0xb8;
	[tilespmem:$0x4880] =	vst v63  }
0x19: {  	_ =	swait.ge [sflag:s7], $0x4000  }
0x1a: {  	s16 =	sshll.u32 s16, $0x4;
	[sflag:s7] =	ssyncset.done $0x0  }
0x1b: {  	s10 =	sadd.s32 s10, s16;
	[sflag:s7] =	ssyncadd.s32 $0xFFFFC000  }
0x1c: {  	[hbm4b:s10+s2] =	stream.linear.scatter [tilespmem:s6], [sflag:$0x2], $0x4000, $0x38;
	[tilespmem:$0x4880] =	vst v63  }
0x1d: {  	_ =	swait.ge [sflag:s3], $0x4000  }
0x1e: {  	s12 =	sshll.u32 s12, $0x4;
	[sflag:s3] =	ssyncset.done $0x0  }
0x1f: {  	s29 =	ssub.s32 $0x2, s13;
	s11 =	sadd.s32 s11, s12;
	[sflag:s3] =	ssyncadd.s32 $0xFFFFC000  }
0x20: {  	[tilespmem:s2], [sflag:$0x2] =	stream.linear.gather [hbm4b:s11+s2], $0x80, $0x38;
	[tilespmem:$0x4880] =	vst v63  }
0x21: {  	s13 =	simm.s32 $0x4080;
	s30 =	sshrl.u32 s29, $0x1;
	_ =	swait.ge [sflag:s3], $0x80  }
0x22: {  	s12 =	sadd.s32 $0x19F6E00, s14;
	s31 =	ssub.s32 s29, s30;
	[sflag:s3] =	ssyncset.done $0x0  }
0x23: {  	s14 =	sadd.s32 s15, s14;
	s15 =	smax.u32 s31, $0x1;
	[sflag:s3] =	ssyncadd.s32 $0xFFFFFF80  }
0x24: {  	[tilespmem:s13], [sflag:$0x1] =	stream.indirect.gather [hbm4b:s12+s6], $0x10, s2, s6, $0xb8;
	[tilespmem:$0x4880] =	vst v63  }
0x25: {  	p0 =	sne.s32 s15, $0x1;
	_ =	swait.ge [sflag:s7], $0x800  }
.Ltmp0:
0x26: {  	[sflag:s7] =	ssyncset.done $0x0;
	(pc) =	sbr.rel @!p0 .LBB2_2-.Ltmp0, $4  }
0x27: {  	s14 =	sadd.s32 $0x18D200, s14;
	[sflag:s7] =	ssyncadd.s32 $0xFFFFF800  }
0x28: {  	[hbm4b:s14+s2] =	stream.linear.scatter [tilespmem:s13], [sflag:$0x2], $0x800, $0x38;
	[tilespmem:$0x4880] =	vst v63  }
0x29: {  	_ =	swait.ge [sflag:s3], $0x800  }
0x2a: {  	s15 =	sadd.s32 $0xFFFFFFFF, s15;
	[sflag:s3] =	ssyncset.done $0x0  }
.LBB2_1:
0x2b: {  	p0 =	sne.s32 s15, $0x1;
	s15 =	sadd.s32 $0xFFFFFFFF, s15;
	[sflag:s3] =	ssyncadd.s32 $0xFFFFF800  }
0x2c: {  	[tilespmem:s2], [sflag:$0x2] =	stream.linear.gather [hbm4b:s4+s2], $0x80, $0x38;
	[tilespmem:$0x4880] =	vst v63  }
0x2d: {  	_ =	swait.ge [sflag:s3], $0x80  }
0x2e: {  	[sflag:s3] =	ssyncset.done $0x0  }
0x2f: {  	[sflag:s3] =	ssyncadd.s32 $0xFFFFFF80  }
0x30: {  	[tilespmem:s6], [sflag:$0x1] =	stream.indirect.gather [hbm4b:s5+s6], $0x80, s2, s6, $0xb8;
	[tilespmem:$0x4880] =	vst v63  }
0x31: {  	_ =	swait.ge [sflag:s7], $0x4000  }
0x32: {  	[sflag:s7] =	ssyncset.done $0x0  }
0x33: {  	[sflag:s7] =	ssyncadd.s32 $0xFFFFC000  }
0x34: {  	[hbm4b:s8+s2] =	stream.linear.scatter [tilespmem:s6], [sflag:$0x2], $0x4000, $0x38;
	[tilespmem:$0x4880] =	vst v63  }
0x35: {  	_ =	swait.ge [sflag:s3], $0x4000  }
0x36: {  	[sflag:s3] =	ssyncset.done $0x0  }
0x37: {  	[sflag:s3] =	ssyncadd.s32 $0xFFFFC000  }
0x38: {  	[tilespmem:s2], [sflag:$0x2] =	stream.linear.gather [hbm4b:s9+s2], $0x80, $0x38;
	[tilespmem:$0x4880] =	vst v63  }
0x39: {  	_ =	swait.ge [sflag:s3], $0x80  }
0x3a: {  	[sflag:s3] =	ssyncset.done $0x0  }
0x3b: {  	[sflag:s3] =	ssyncadd.s32 $0xFFFFFF80  }
0x3c: {  	[tilespmem:s6], [sflag:$0x1] =	stream.indirect.gather [hbm4b:s5+s6], $0x80, s2, s6, $0xb8;
	[tilespmem:$0x4880] =	vst v63  }
0x3d: {  	_ =	swait.ge [sflag:s7], $0x4000  }
0x3e: {  	[sflag:s7] =	ssyncset.done $0x0  }
0x3f: {  	[sflag:s7] =	ssyncadd.s32 $0xFFFFC000  }
0x40: {  	[hbm4b:s10+s2] =	stream.linear.scatter [tilespmem:s6], [sflag:$0x2], $0x4000, $0x38;
	[tilespmem:$0x4880] =	vst v63  }
0x41: {  	_ =	swait.ge [sflag:s3], $0x4000  }
0x42: {  	[sflag:s3] =	ssyncset.done $0x0  }
0x43: {  	[sflag:s3] =	ssyncadd.s32 $0xFFFFC000  }
0x44: {  	[tilespmem:s2], [sflag:$0x2] =	stream.linear.gather [hbm4b:s11+s2], $0x80, $0x38;
	[tilespmem:$0x4880] =	vst v63  }
0x45: {  	_ =	swait.ge [sflag:s3], $0x80  }
0x46: {  	[sflag:s3] =	ssyncset.done $0x0  }
0x47: {  	[sflag:s3] =	ssyncadd.s32 $0xFFFFFF80  }
0x48: {  	[tilespmem:s13], [sflag:$0x1] =	stream.indirect.gather [hbm4b:s12+s6], $0x10, s2, s6, $0xb8;
	[tilespmem:$0x4880] =	vst v63  }
0x49: {  	_ =	swait.ge [sflag:s7], $0x800  }
.Ltmp1:
0x4a: {  	[sflag:s7] =	ssyncset.done $0x0;
	(pc) =	sbr.rel @p0 .LBB2_1-.Ltmp1, $4  }
0x4b: {  	[sflag:s7] =	ssyncadd.s32 $0xFFFFF800  }
0x4c: {  	[hbm4b:s14+s2] =	stream.linear.scatter [tilespmem:s13], [sflag:$0x2], $0x800, $0x38;
	[tilespmem:$0x4880] =	vst v63  }
0x4d: {  	_ =	swait.ge [sflag:s3], $0x800  }
0x4e: {  	[sflag:s3] =	ssyncset.done $0x0  }
.LBB2_2:
0x4f: {  	[sflag:s3] =	ssyncadd.s32 $0xFFFFF800  }
0x50: {  	_ =	sfence.sel $0x180000  }
0x51: {  	[bflag:$0x0] =	sbarrier.arrive $0xFFFF  }
0x52: {  	p0 =	sne.s32 s0, $0x0;
	_ =	strace $0x90000047  }
0x53: {  	s0 =	sadd.s32 @!p0 $0x100000, s1;
	[bflag:$0x2] =	sbarrier.arrive $0xFFFF  }
0x54: {  	[sflag:s0] =	ssyncadd.tile.s32 @!p0 $0x1;
	_ =	shalt  }
.Lfunc_end2:
_tile_overlayer_lowered:
.L_overlay_start_2:
0x55: {  	(tag) =	ssettag $0x2  }
0x56: {  	s0 =	rddreg [dreg:$0x0];
	s2 =	stileid.u32  }
0x57: {  	s1 =	rddreg [dreg:$0x1];
	p0 =	sne.s32 s2, $0x0  }
0x58: {  	s3 =	rddreg [dreg:$0x2];
	[bflag:$0x3] =	sbarrier.arrive $0xFFFF;
	s2 =	simm.s32 @!p0 $0x1C02  }
0x59: {  	[timem:s3], [sflag:s2] =	dma.local @!p0 [hbm:s0], s1  }
0x5a: {  	s0 =	simm.s32 @!p0 $0x2  }
0x5b: {  	_ =	swait.ge @!p0 [sflag:s0], s1  }
0x5c: {  	s1 =	ssub.s32 @!p0 $0x0, s1;
	[sflag:s0] =	ssyncset.done @!p0 $0x0  }
0x5d: {  	[sflag:s0] =	ssyncadd.s32 @!p0 s1  }
0x5e: {  	[bflag:$0x3] =	sbarrier.arrive $0xFFFF  }
0x5f: {  	_ =	shalt  }

// kernel: kernel.13.cloned.1.call-start
scs
__scs_entry_jumppad:
0x0: {  	(pc) =	sbr.rel $0x88, $3  }
0x1: {  	(tag) =	ssettag $0x0;
	lr =	simm.s32 $0x1  }
0x2: {  	[smem:$0x3F85] =	sst lr;
	_ =	strace $0xD0000000  }
0x3: {  	_ = 	snop  }
0x4: {  	_ = 	snop  }
0x5: {  	_ = 	snop  }
0x6: {  	_ = 	snop  }
0x7: {  	_ = 	snop  }
__scs_overlays_trampoline_lowered:
0x8: {  	[smem:$0x3F94] =	sst s0  }
0x9: {  	[smem:$0x3F95] =	sst s1  }
0xa: {  	[smem:$0x3F96] =	sst s2  }
0xb: {  	[smem:$0x3F97] =	sst s3  }
0xc: {  	[smem:$0x3F98] =	sst s4  }
0xd: {  	[smem:$0x3F99] =	sst s5  }
0xe: {  	[smem:$0x3F9A] =	sst s6  }
0xf: {  	[smem:$0x3F9B] =	sst s7  }
0x10: {  	[smem:$0x3F9C] =	sst s8  }
0x11: {  	[smem:$0x3F9D] =	sst s9;
	s0 =	simm.s32 @!p0 $0x0  }
0x12: {  	s1 =	sld [smem:$0x3F83];
	s0 =	simm.s32 @p0 $0x1  }
0x13: {  	[smem:$0x3F9E] =	sst s0;
	s0 =	simm.s32 @!p1 $0x0  }
0x14: {  	s2 =	sld [smem:$0x3F82];
	s0 =	simm.s32 @p1 $0x1  }
0x15: {  	[smem:$0x3F9F] =	sst s0;
	s0 =	simm.s32 @!p2 $0x0  }
0x16: {  	s3 =	sld [smem:$0x3FDB];
	s0 =	simm.s32 @p2 $0x1  }
0x17: {  	s4 =	simm.s32 $0x1BF5;
	[smem:$0x3FA1] =	sst s0  }
0x18: {  	s0 =	sld [smem:$0x3F84];
	_ =	swait.ge [sflag:s4], $0x0  }
0x19: {  	s7 =	sld [smem:$0x3F85]  }
0x1a: {  	s8 =	sadd.s32 $0xFFFFE003, lr  }
0x1b: {  	s9 =	sadd.s32 $0xFFFFFEF7, lr;
	s5 =	simm.s32 $0xFFFFFFFF;
	p2 =	slt.u32 s8, $0xFFFFF086  }
0x1c: {  	p1 =	slt.u32 s9, $0xF7A;
	s5 =	simm.s32 @!p2 $0x0  }
0x1d: {  	s5 =	simm.s32 @p1 $0x1;
	p0 =	seq.s32 s7, s2  }
0x1e: {  	s7 =	smul.u32 @!p0 $0xF7A, s2;
	p2 =	seq.s32 @!p0 s5, $0x0  }
0x1f: {  	s9 =	smul.u32 $0xF7A, s1;
	s8 =	simm.s32 @!p0 $0x1BF5;
	p2 =	por !p2, p0  }
0x20: {  	[sflag:s8] =	ssyncset.s32 @!p0 $0xFFFFF086;
	s6 =	sadd.s32 @!p0 s3, s7;
	s7 =	simm.s32 @!p0 $0x108  }
0x21: {  	s3 =	sadd.s32 s3, s9;
	s6 =	sadd.s32 @!p0 $0x88, s6;
	s7 =	simm.s32 @p2 $0x1082  }
0x22: {  	[simem:s7], [sflag:s8] =	dma.local @!p0 [hbm:s6], $0xF7A  }
0x23: {  	s9 =	sor.u32 $0xD0000000, s2;
	s6 =	simm.s32 $0x108;
	_ =	swait.ge @!p0 [sflag:s8], $0x0  }
0x24: {  	s3 =	sadd.s32 $0x88, s3;
	s6 =	simm.s32 @!p1 $0x1082;
	[sflag:s4] =	ssyncset.s32 $0xFFFFF086  }
0x25: {  	[simem:s6], [sflag:s4] =	dma.local [hbm:s3], $0xF7A  }
0x26: {  	[smem:$0x3F85] =	sst s1;
	(tag) =	ssettag s2;
	_ =	strace s9  }
0x27: {  	s1 =	sld [smem:$0x3F95]  }
0x28: {  	s2 =	sld [smem:$0x3F96]  }
0x29: {  	s4 =	sld [smem:$0x3F98]  }
0x2a: {  	p0 =	seq.s32 s5, $0x0;
	s5 =	sld [smem:$0x3F99]  }
0x2b: {  	s6 =	sld [smem:$0x3F9A]  }
0x2c: {  	s7 =	sld [smem:$0x3F9B]  }
0x2d: {  	s3 =	simm.s32 $0x108;
	s8 =	sld [smem:$0x3F9C]  }
0x2e: {  	s3 =	simm.s32 @!p0 $0x1082;
	s9 =	sld [smem:$0x3F9D]  }
0x2f: {  	lr =	sadd.s32 s0, s3;
	s0 =	sld [smem:$0x3F94]  }
0x30: {  	s3 =	sld [smem:$0x3F97]  }
0x31: {  	[smem:$0x3FA0] =	sst s10  }
0x32: {  	s10 =	sld [smem:$0x3F9E];
	_ =	sdelay $0x3  }
0x33: {  	p0 =	seq.s32 s10, $0x1;
	s10 =	sld [smem:$0x3FA0];
	_ =	sdelay $0x3  }
0x34: {  	[smem:$0x3FA0] =	sst s10  }
0x35: {  	s10 =	sld [smem:$0x3F9F];
	_ =	sdelay $0x3  }
0x36: {  	p1 =	seq.s32 s10, $0x1;
	s10 =	sld [smem:$0x3FA0];
	_ =	sdelay $0x3  }
0x37: {  	[smem:$0x3FA0] =	sst s10  }
0x38: {  	s10 =	sld [smem:$0x3FA1]  }
0x39: {  	_ = 	snop;
	(pc) =	sbr.ind lr, $3  }
0x3a: {  	_ = 	snop  }
0x3b: {  	_ = 	snop  }
0x3c: {  	p2 =	seq.s32 s10, $0x1;
	s10 =	sld [smem:$0x3FA0]  }
0x3d: {  	_ =	shalt  }
0x3e: {  	_ =	shalt  }
0x3f: {  	_ =	shalt  }
0x40: {  	_ =	shalt  }
0x41: {  	_ =	shalt  }
0x42: {  	_ =	shalt  }
0x43: {  	_ =	shalt  }
0x44: {  	_ =	shalt  }
0x45: {  	_ =	shalt  }
0x46: {  	_ =	shalt  }
0x47: {  	_ =	shalt  }
0x48: {  	_ =	shalt  }
0x49: {  	_ =	shalt  }
0x4a: {  	_ =	shalt  }
0x4b: {  	_ =	shalt  }
0x4c: {  	_ =	shalt  }
0x4d: {  	_ =	shalt  }
0x4e: {  	_ =	shalt  }
0x4f: {  	_ =	shalt  }
0x50: {  	_ =	shalt  }
0x51: {  	_ =	shalt  }
0x52: {  	_ =	shalt  }
0x53: {  	_ =	shalt  }
0x54: {  	_ =	shalt  }
0x55: {  	_ =	shalt  }
0x56: {  	_ =	shalt  }
0x57: {  	_ =	shalt  }
0x58: {  	_ =	shalt  }
0x59: {  	_ =	shalt  }
0x5a: {  	_ =	shalt  }
0x5b: {  	_ =	shalt  }
0x5c: {  	_ =	shalt  }
0x5d: {  	_ =	shalt  }
0x5e: {  	_ =	shalt  }
0x5f: {  	_ =	shalt  }
0x60: {  	_ =	shalt  }
0x61: {  	_ =	shalt  }
0x62: {  	_ =	shalt  }
0x63: {  	_ =	shalt  }
0x64: {  	_ =	shalt  }
0x65: {  	_ =	shalt  }
0x66: {  	_ =	shalt  }
0x67: {  	_ =	shalt  }
0x68: {  	_ =	shalt  }
0x69: {  	_ =	shalt  }
0x6a: {  	_ =	shalt  }
0x6b: {  	_ =	shalt  }
0x6c: {  	_ =	shalt  }
0x6d: {  	_ =	shalt  }
0x6e: {  	_ =	shalt  }
0x6f: {  	_ =	shalt  }
0x70: {  	_ =	shalt  }
0x71: {  	_ =	shalt  }
0x72: {  	_ =	shalt  }
0x73: {  	_ =	shalt  }
0x74: {  	_ =	shalt  }
0x75: {  	_ =	shalt  }
0x76: {  	_ =	shalt  }
0x77: {  	_ =	shalt  }
0x78: {  	_ =	shalt  }
0x79: {  	_ =	shalt  }
0x7a: {  	_ =	shalt  }
0x7b: {  	_ =	shalt  }
0x7c: {  	_ =	shalt  }
0x7d: {  	_ =	shalt  }
0x7e: {  	_ =	shalt  }
0x7f: {  	_ =	shalt  }
0x80: {  	_ =	shalt  }
0x81: {  	_ =	shalt  }
0x82: {  	_ =	shalt  }
0x83: {  	_ =	shalt  }
0x84: {  	_ =	shalt  }
0x85: {  	_ =	shalt  }
0x86: {  	_ =	shalt  }
0x87: {  	_ =	shalt  }
.Lfunc_end0:
.L_simem_size_0:
called_computation.1_lowered:
.L_overlay_start_0:
0x88: {  	s2 =	sld [smem:$0x3FD9]  }
0x89: {  	s3 =	sld [smem:$0x3FFE];
	_ =	sdelay $0x1  }
0x8a: {  	s1 =	srdreg.scid  }
0x8b: {  	s0 =	sand.u32 $0x1, s1  }
0x8c: {  	s17 =	sshll.u32 s0, $0xA;
	s2 =	sadd.s32 s3, s2  }
0x8d: {  	s2 =	sadd.s32 s2, s17  }
0x8e: {  	[smem:$0x3FAC] =	sst s2  }
0x8f: {  	_ = 	snop  }
0x90: {  	s2 =	sld [smem:$0x3FD0];
	(tm) =	ssettm $0x1  }
0x91: {  	s18 =	sld [smem:$0x3FFB];
	_ =	sdelay $0x3  }
0x92: {  	_ =	strace s18  }
0x93: {  	s3 =	sld [smem:$0x3FFC];
	_ =	sdelay $0x3  }
0x94: {  	_ =	strace s3  }
0x95: {  	s3 =	sld [smem:$0x3FFD];
	_ =	sdelay $0x3  }
0x96: {  	_ =	strace s3  }
0x97: {  	_ =	strace $0x8FFFFFFF  }
0x98: {  	s19 =	sld [smem:$0x3FDB];
	_ =	sdelay $0x1  }
0x99: {  	s4 =	simm.s32 $_scs_section_size  }
0x9a: {  	s5 =	simm.s32 $_size__tile_overlayer_lowered;
	s6 =	simm.s32 $_tile_overlayer_lowered  }
0x9b: {  	s22 =	simm.s32 $0x1BFF;
	s21 =	sshll.u32 s6, $0x1;
	s3 =	sadd.s32 s4, s19  }
0x9c: {  	s7 =	simm.s32 $0x0;
	s20 =	sshll.u32 s5, $0x1;
	s5 =	sadd.s32 s21, s3  }
0x9d: {  	[timem:s7], [sflag:s22] =	dma.local [hbm:s5], s20  }
0x9e: {  	_ =	swait.ge [sflag:s22], s20  }
0x9f: {  	s4 =	ssub.s32 $0x0, s20;
	[sflag:s22] =	ssyncset.done $0x0  }
0xa0: {  	[sflag:s22] =	ssyncadd.s32 s4;
	_ =	sdelay $0x1  }
0xa1: {  	s23 =	simm.s32 $0x1B8B  }
0xa2: {  	_ =	swait.ge [sflag:s23], $0x1  }
0xa3: {  	[sflag:s23] =	ssyncset.done $0x0  }
0xa4: {  	s25 =	simm.s32 $0x1B8E;
	s24 =	sld [smem:$0x3FFE];
	[sflag:s23] =	ssyncadd.s32 $0xFFFFFFFF  }
0xa5: {  	s26 =	simm.s32 $execute0_lowered;
	[smem:$0x3FD2] =	sst s25  }
0xa6: {  	s5 =	sshll.u32 s26, $0x1;
	_ =	strace $0x80000049;
	[dreg:$0x1] =	wrdreg $0xFFFFFFFF  }
0xa7: {  	s28 =	simm.s32 $_size_execute0_lowered;
	s3 =	sadd.s32 s3, s5;
	[dreg:$0x0] =	wrdreg $0x0  }
0xa8: {  	s5 =	sshll.u32 s28, $0x1;
	[dreg:$0x2] =	wrdreg s3  }
0xa9: {  	[dreg:$0x3] =	wrdreg s5  }
0xaa: {  	[dreg:$0x4] =	wrdreg $0xC0  }
0xab: {  	_ =	task [dreg:s7], $0x5FFFF  }
0xac: {  	[dreg:$0x1] =	wrdreg $0xFFFFFFFF  }
0xad: {  	[dreg:$0x0] =	wrdreg $0x60  }
0xae: {  	[dreg:$0x2] =	wrdreg s24  }
0xaf: {  	[dreg:$0x3] =	wrdreg s2  }
0xb0: {  	[dreg:$0x4] =	wrdreg $0x9  }
0xb1: {  	_ =	task.clear_ibuf [dreg:s7], $0x5FFFF;
	_ =	strace $0x90000049  }
0xb2: {  	s29 =	simm.s32 $0x9;
	_ =	strace $0x8000004B  }
0xb3: {  	_ =	swait.ge [sflag:s29], $0x1  }
0xb4: {  	[sflag:s29] =	ssyncadd.s32 $0xFFFFFFFF  }
0xb5: {  	_ =	strace $0x9000004B  }
0xb6: {  	_ =	sfence  }
0xb7: {  	s30 =	sld [smem:$0x0];
	_ =	sdelay $0x2  }
0xb8: {  	s31 =	sshll.u32 s1, $0xD;
	s1 =	sshrl.u32 s1, $0x2  }
0xb9: {  	s3 =	sand.u32 $0x4000, s31;
	s1 =	sadd.s32 s1, s30  }
0xba: {  	s0 =	sor.u32 s3, s0;
	s1 =	sshll.u32 s1, $0x11  }
0xbb: {  	s0 =	sor.u32 s1, s0  }
0xbc: {  	s0 =	sadd.s32 $0x8F2B, s0  }
0xbd: {  	[sflag:s0] =	ssyncadd.remote.s32 $0x1  }
0xbe: {  	_ =	sfence.sel $0xFFFF  }
0xbf: {  	[dreg:$0x0] =	wrdreg $0xFFFFFFFF;
	(pc) =	sbr.abs _section_cstart, $3  }
0xc0: {  	[dreg:$0x1] =	wrdreg $0xFFFFFFFF  }
0xc1: {  	_ =	task.clear_ibuf [dreg:s7], $0x2FFFF;
	_ =	strace $0x9FFFFFFF  }
0xc2: {  	(tm) =	ssettm $0x7FFFFFFF  }
0xc3: {  	_ =	shalt  }
tec
execute0_lowered:
.L_overlay_start_1:
0x0: {  	(tag) =	ssettag $0x1  }
0x1: {  	s5 =	rddreg [dreg:$0x0]  }
0x2: {  	s2 =	rddreg [dreg:$0x1]  }
0x3: {  	s0 =	rddreg [dreg:$0x2];
	s4 =	srdreg.scid  }
0x4: {  	s3 =	simm.s32 $0x0;
	s1 =	stileid.u32;
	s10 =	simm.s32 $0x1A6B0  }
0x5: {  	s11 =	simm.s32 $0x80;
	s12 =	simm.s32 $0x1A7B0;
	s13 =	simm.s32 $0x1A830  }
0x6: {  	s14 =	simm.s32 $0x1;
	s15 =	simm.s32 $0x0;
	s6 =	sand.u32 $0x1, s4  }
0x7: {  	[smem:$0x7FF] =	sst s3;
	s7 =	sshll.u32 s1, $0x9;
	s8 =	sshll.u32 s6, $0x8  }
0x8: {  	s4 =	sadd.s32 $0x18F200, s5;
	_ =	strace $0x8000004A;
	s7 =	sor.u32 s8, s7  }
0x9: {  	s6 =	ssub.s32 $0x2, s6;
	s8 =	sshrl.u32 s7, $0x3;
	s7 =	sshll.u32 s7, $0x4  }
0xa: {  	s31 =	sshrl.u32 s6, $0x1;
	s8 =	sadd.s32 s8, s5;
	s7 =	sadd.s32 s7, s5  }
0xb: {  	s9 =	ssub.s32 s6, s31;
	s5 =	sadd.s32 $0x18F600, s8;
	s6 =	sadd.s32 $0x18FA00, s7  }
0xc: {  	v0 =	vlaneseq.u32;
	s7 =	sadd.s32 $0x190200, s7;
	s8 =	smax.u32 s9, $0x1;
	s9 =	simm.s32 $0x2  }
.LBB2_1:
0xd: {  	s16 =	simm.s32 $0x186B0  }
0xe: {  	[tilespmem:s16], [sflag:$0x2] =	stream.linear.gather [hbm4b:s4+s3], $0x2000, $0x38;
	[tilespmem:$0x1E830] =	vst v63  }
0xf: {  	_ =	swait.ge [sflag:s9], $0x2000  }
0x10: {  	[sflag:s9] =	ssyncset.done $0x0  }
0x11: {  	[sflag:s9] =	ssyncadd.s32 $0xFFFFE000  }
0x12: {  	[tilespmem:s10], [sflag:$0x2] =	stream.linear.gather [hbm4b:s5+s3], $0x100, $0x38;
	[tilespmem:$0x1E830] =	vst v63  }
0x13: {  	_ =	swait.ge [sflag:s9], $0x100  }
0x14: {  	[sflag:s9] =	ssyncset.done $0x0  }
0x15: {  	[sflag:s9] =	ssyncadd.s32 $0xFFFFFF00  }
0x16: {  	s17 =	simm.s32 $0x10;
	s18 =	simm.s32 $0x0;
	v1 =	vld [tilespmem:s16+$0x0]  }
.LBB2_2:
0x17: {  	p0 =	sne.s32 s17, $0x1FF0;
	_ =	sdelay $0x3  }
.Ltmp0:
0x18: {  	(pc) =	sbr.rel @p0 .LBB2_2-.Ltmp0, $4  }
0x19: {  	_ = 	snop  }
0x1a: {  	v2 =	vor.u32 s18, v0;
	s18 =	smov.u32 s17  }
0x1b: {  	s16 =	sadd.s32 $0x10, s16;
	[tilespmem:v1+s3+$0x0] =	vst.idx.msk $0xffff, v2  }
0x1c: {  	s17 =	sadd.s32 $0x10, s17;
	v1 =	vld [tilespmem:s16+$0x0]  }
0x1d: {  	_ =	sdelay $0x6  }
0x1e: {  	v2 =	vor.u32 s18, v0  }
0x1f: {  	[tilespmem:v1+s3+$0x0] =	vst.idx.msk $0xffff, v2  }
0x20: {  	v1 =	vld [tilespmem:$0x1A6B0];
	_ =	sdelay $0x5  }
0x21: {  	v2 =	vld [tilespmem:$0x1A6C0];
	_ =	sdelay $0x1  }
0x22: {  	v1 =	vld.idx.msk [tilespmem:v1+s3+$0x0], $0xffff;
	_ =	sdelay $0x3  }
0x23: {  	v3 =	vld [tilespmem:$0x1A6D0]  }
0x24: {  	[tilespmem:$0x1A7B0] =	vst v1  }
0x25: {  	v1 =	vld.idx.msk [tilespmem:v2+s3+$0x0], $0xffff;
	_ =	sdelay $0x3  }
0x26: {  	v2 =	vld [tilespmem:$0x1A6E0]  }
0x27: {  	[tilespmem:$0x1A7C0] =	vst v1  }
0x28: {  	v1 =	vld.idx.msk [tilespmem:v3+s3+$0x0], $0xffff;
	_ =	sdelay $0x3  }
0x29: {  	v3 =	vld [tilespmem:$0x1A6F0]  }
0x2a: {  	[tilespmem:$0x1A7D0] =	vst v1  }
0x2b: {  	v1 =	vld.idx.msk [tilespmem:v2+s3+$0x0], $0xffff;
	_ =	sdelay $0x3  }
0x2c: {  	v2 =	vld [tilespmem:$0x1A700]  }
0x2d: {  	[tilespmem:$0x1A7E0] =	vst v1  }
0x2e: {  	v1 =	vld.idx.msk [tilespmem:v3+s3+$0x0], $0xffff;
	_ =	sdelay $0x3  }
0x2f: {  	v3 =	vld [tilespmem:$0x1A710]  }
0x30: {  	[tilespmem:$0x1A7F0] =	vst v1  }
0x31: {  	v1 =	vld.idx.msk [tilespmem:v2+s3+$0x0], $0xffff;
	_ =	sdelay $0x3  }
0x32: {  	v2 =	vld [tilespmem:$0x1A720]  }
0x33: {  	[tilespmem:$0x1A800] =	vst v1  }
0x34: {  	v1 =	vld.idx.msk [tilespmem:v3+s3+$0x0], $0xffff;
	_ =	sdelay $0x4  }
0x35: {  	[tilespmem:$0x1A810] =	vst v1  }
0x36: {  	v1 =	vld.idx.msk [tilespmem:v2+s3+$0x0], $0xffff;
	_ =	sdelay $0x4  }
0x37: {  	[tilespmem:$0x1A820] =	vst v1  }
0x38: {  	[tilespmem:s13], [sflag:$0x1] =	stream.indirect.gather [hbm4b:s2+s11], $0x80, s12, s11, $0xb8;
	[tilespmem:$0x1E830] =	vst v63  }
0x39: {  	_ =	swait.ge [sflag:s14], $0x4000  }
0x3a: {  	[sflag:s14] =	ssyncset.done $0x0  }
0x3b: {  	[sflag:s14] =	ssyncadd.s32 $0xFFFFC000  }
0x3c: {  	[hbm4b:s6+s3] =	stream.linear.scatter [tilespmem:s13], [sflag:$0x2], $0x4000, $0x38;
	[tilespmem:$0x1E830] =	vst v63  }
0x3d: {  	_ =	swait.ge [sflag:s9], $0x4000  }
0x3e: {  	[sflag:s9] =	ssyncset.done $0x0  }
0x3f: {  	[sflag:s9] =	ssyncadd.s32 $0xFFFFC000  }
0x40: {  	v1 =	vld [tilespmem:$0x1A730];
	_ =	sdelay $0x5  }
0x41: {  	v2 =	vld [tilespmem:$0x1A740];
	_ =	sdelay $0x1  }
0x42: {  	v1 =	vld.idx.msk [tilespmem:v1+s3+$0x0], $0xffff;
	_ =	sdelay $0x3  }
0x43: {  	v3 =	vld [tilespmem:$0x1A750]  }
0x44: {  	[tilespmem:$0x1A7B0] =	vst v1  }
0x45: {  	v1 =	vld.idx.msk [tilespmem:v2+s3+$0x0], $0xffff;
	_ =	sdelay $0x3  }
0x46: {  	v2 =	vld [tilespmem:$0x1A760]  }
0x47: {  	[tilespmem:$0x1A7C0] =	vst v1  }
0x48: {  	v1 =	vld.idx.msk [tilespmem:v3+s3+$0x0], $0xffff;
	_ =	sdelay $0x3  }
0x49: {  	v3 =	vld [tilespmem:$0x1A770]  }
0x4a: {  	[tilespmem:$0x1A7D0] =	vst v1  }
0x4b: {  	v1 =	vld.idx.msk [tilespmem:v2+s3+$0x0], $0xffff;
	_ =	sdelay $0x3  }
0x4c: {  	v2 =	vld [tilespmem:$0x1A780]  }
0x4d: {  	[tilespmem:$0x1A7E0] =	vst v1  }
0x4e: {  	v1 =	vld.idx.msk [tilespmem:v3+s3+$0x0], $0xffff;
	_ =	sdelay $0x3  }
0x4f: {  	v3 =	vld [tilespmem:$0x1A790]  }
0x50: {  	[tilespmem:$0x1A7F0] =	vst v1  }
0x51: {  	v1 =	vld.idx.msk [tilespmem:v2+s3+$0x0], $0xffff;
	_ =	sdelay $0x3  }
0x52: {  	v2 =	vld [tilespmem:$0x1A7A0]  }
0x53: {  	[tilespmem:$0x1A800] =	vst v1  }
0x54: {  	v1 =	vld.idx.msk [tilespmem:v3+s3+$0x0], $0xffff;
	_ =	sdelay $0x4  }
0x55: {  	[tilespmem:$0x1A810] =	vst v1  }
0x56: {  	v1 =	vld.idx.msk [tilespmem:v2+s3+$0x0], $0xffff;
	_ =	sdelay $0x4  }
0x57: {  	[tilespmem:$0x1A820] =	vst v1  }
0x58: {  	[tilespmem:s13], [sflag:$0x1] =	stream.indirect.gather [hbm4b:s2+s11], $0x80, s12, s11, $0xb8;
	[tilespmem:$0x1E830] =	vst v63  }
0x59: {  	s15 =	sadd.s32 $0x1, s15;
	_ =	swait.ge [sflag:s14], $0x4000  }
0x5a: {  	p0 =	sne.s32 s15, s8;
	[sflag:s14] =	ssyncset.done $0x0  }
.Ltmp1:
0x5b: {  	[sflag:s14] =	ssyncadd.s32 $0xFFFFC000;
	(pc) =	sbr.rel @p0 .LBB2_1-.Ltmp1, $4  }
0x5c: {  	[hbm4b:s7+s3] =	stream.linear.scatter [tilespmem:s13], [sflag:$0x2], $0x4000, $0x38;
	[tilespmem:$0x1E830] =	vst v63  }
0x5d: {  	_ =	swait.ge [sflag:s9], $0x4000  }
0x5e: {  	[sflag:s9] =	ssyncset.done $0x0  }
0x5f: {  	[sflag:s9] =	ssyncadd.s32 $0xFFFFC000  }
0x60: {  	_ =	sfence.sel $0x180000  }
0x61: {  	[bflag:$0x0] =	sbarrier.arrive $0xFFFF  }
0x62: {  	p0 =	sne.s32 s1, $0x0;
	_ =	strace $0x9000004A  }
0x63: {  	s0 =	sadd.s32 @!p0 $0x100000, s0;
	[bflag:$0x2] =	sbarrier.arrive $0xFFFF  }
0x64: {  	[sflag:s0] =	ssyncadd.tile.s32 @!p0 $0x1;
	_ =	shalt  }
.Lfunc_end2:
_tile_overlayer_lowered:
.L_overlay_start_2:
0x65: {  	(tag) =	ssettag $0x2  }
0x66: {  	s0 =	rddreg [dreg:$0x0];
	s2 =	stileid.u32  }
0x67: {  	s1 =	rddreg [dreg:$0x1];
	p0 =	sne.s32 s2, $0x0  }
0x68: {  	s3 =	rddreg [dreg:$0x2];
	[bflag:$0x3] =	sbarrier.arrive $0xFFFF;
	s2 =	simm.s32 @!p0 $0x1C02  }
0x69: {  	[timem:s3], [sflag:s2] =	dma.local @!p0 [hbm:s0], s1  }
0x6a: {  	s0 =	simm.s32 @!p0 $0x2  }
0x6b: {  	_ =	swait.ge @!p0 [sflag:s0], s1  }
0x6c: {  	s1 =	ssub.s32 @!p0 $0x0, s1;
	[sflag:s0] =	ssyncset.done @!p0 $0x0  }
0x6d: {  	[sflag:s0] =	ssyncadd.s32 @!p0 s1  }
0x6e: {  	[bflag:$0x3] =	sbarrier.arrive $0xFFFF  }
0x6f: {  	_ =	shalt  }

// kernel: kernel.16.cloned.1.call-start
scs
__scs_entry_jumppad:
0x0: {  	(pc) =	sbr.rel $0x88, $3  }
0x1: {  	(tag) =	ssettag $0x0;
	lr =	simm.s32 $0x1  }
0x2: {  	[smem:$0x3F85] =	sst lr;
	_ =	strace $0xD0000000  }
0x3: {  	_ = 	snop  }
0x4: {  	_ = 	snop  }
0x5: {  	_ = 	snop  }
0x6: {  	_ = 	snop  }
0x7: {  	_ = 	snop  }
__scs_overlays_trampoline_lowered:
0x8: {  	[smem:$0x3F94] =	sst s0  }
0x9: {  	[smem:$0x3F95] =	sst s1  }
0xa: {  	[smem:$0x3F96] =	sst s2  }
0xb: {  	[smem:$0x3F97] =	sst s3  }
0xc: {  	[smem:$0x3F98] =	sst s4  }
0xd: {  	[smem:$0x3F99] =	sst s5  }
0xe: {  	[smem:$0x3F9A] =	sst s6  }
0xf: {  	[smem:$0x3F9B] =	sst s7  }
0x10: {  	[smem:$0x3F9C] =	sst s8  }
0x11: {  	[smem:$0x3F9D] =	sst s9;
	s0 =	simm.s32 @!p0 $0x0  }
0x12: {  	s1 =	sld [smem:$0x3F83];
	s0 =	simm.s32 @p0 $0x1  }
0x13: {  	[smem:$0x3F9E] =	sst s0;
	s0 =	simm.s32 @!p1 $0x0  }
0x14: {  	s2 =	sld [smem:$0x3F82];
	s0 =	simm.s32 @p1 $0x1  }
0x15: {  	[smem:$0x3F9F] =	sst s0;
	s0 =	simm.s32 @!p2 $0x0  }
0x16: {  	s3 =	sld [smem:$0x3FDB];
	s0 =	simm.s32 @p2 $0x1  }
0x17: {  	s4 =	simm.s32 $0x1BF5;
	[smem:$0x3FA1] =	sst s0  }
0x18: {  	s0 =	sld [smem:$0x3F84];
	_ =	swait.ge [sflag:s4], $0x0  }
0x19: {  	s7 =	sld [smem:$0x3F85]  }
0x1a: {  	s8 =	sadd.s32 $0xFFFFE003, lr  }
0x1b: {  	s9 =	sadd.s32 $0xFFFFFEF7, lr;
	s5 =	simm.s32 $0xFFFFFFFF;
	p2 =	slt.u32 s8, $0xFFFFF086  }
0x1c: {  	p1 =	slt.u32 s9, $0xF7A;
	s5 =	simm.s32 @!p2 $0x0  }
0x1d: {  	s5 =	simm.s32 @p1 $0x1;
	p0 =	seq.s32 s7, s2  }
0x1e: {  	s7 =	smul.u32 @!p0 $0xF7A, s2;
	p2 =	seq.s32 @!p0 s5, $0x0  }
0x1f: {  	s9 =	smul.u32 $0xF7A, s1;
	s8 =	simm.s32 @!p0 $0x1BF5;
	p2 =	por !p2, p0  }
0x20: {  	[sflag:s8] =	ssyncset.s32 @!p0 $0xFFFFF086;
	s6 =	sadd.s32 @!p0 s3, s7;
	s7 =	simm.s32 @!p0 $0x108  }
0x21: {  	s3 =	sadd.s32 s3, s9;
	s6 =	sadd.s32 @!p0 $0x88, s6;
	s7 =	simm.s32 @p2 $0x1082  }
0x22: {  	[simem:s7], [sflag:s8] =	dma.local @!p0 [hbm:s6], $0xF7A  }
0x23: {  	s9 =	sor.u32 $0xD0000000, s2;
	s6 =	simm.s32 $0x108;
	_ =	swait.ge @!p0 [sflag:s8], $0x0  }
0x24: {  	s3 =	sadd.s32 $0x88, s3;
	s6 =	simm.s32 @!p1 $0x1082;
	[sflag:s4] =	ssyncset.s32 $0xFFFFF086  }
0x25: {  	[simem:s6], [sflag:s4] =	dma.local [hbm:s3], $0xF7A  }
0x26: {  	[smem:$0x3F85] =	sst s1;
	(tag) =	ssettag s2;
	_ =	strace s9  }
0x27: {  	s1 =	sld [smem:$0x3F95]  }
0x28: {  	s2 =	sld [smem:$0x3F96]  }
0x29: {  	s4 =	sld [smem:$0x3F98]  }
0x2a: {  	p0 =	seq.s32 s5, $0x0;
	s5 =	sld [smem:$0x3F99]  }
0x2b: {  	s6 =	sld [smem:$0x3F9A]  }
0x2c: {  	s7 =	sld [smem:$0x3F9B]  }
0x2d: {  	s3 =	simm.s32 $0x108;
	s8 =	sld [smem:$0x3F9C]  }
0x2e: {  	s3 =	simm.s32 @!p0 $0x1082;
	s9 =	sld [smem:$0x3F9D]  }
0x2f: {  	lr =	sadd.s32 s0, s3;
	s0 =	sld [smem:$0x3F94]  }
0x30: {  	s3 =	sld [smem:$0x3F97]  }
0x31: {  	[smem:$0x3FA0] =	sst s10  }
0x32: {  	s10 =	sld [smem:$0x3F9E];
	_ =	sdelay $0x3  }
0x33: {  	p0 =	seq.s32 s10, $0x1;
	s10 =	sld [smem:$0x3FA0];
	_ =	sdelay $0x3  }
0x34: {  	[smem:$0x3FA0] =	sst s10  }
0x35: {  	s10 =	sld [smem:$0x3F9F];
	_ =	sdelay $0x3  }
0x36: {  	p1 =	seq.s32 s10, $0x1;
	s10 =	sld [smem:$0x3FA0];
	_ =	sdelay $0x3  }
0x37: {  	[smem:$0x3FA0] =	sst s10  }
0x38: {  	s10 =	sld [smem:$0x3FA1]  }
0x39: {  	_ = 	snop;
	(pc) =	sbr.ind lr, $3  }
0x3a: {  	_ = 	snop  }
0x3b: {  	_ = 	snop  }
0x3c: {  	p2 =	seq.s32 s10, $0x1;
	s10 =	sld [smem:$0x3FA0]  }
0x3d: {  	_ =	shalt  }
0x3e: {  	_ =	shalt  }
0x3f: {  	_ =	shalt  }
0x40: {  	_ =	shalt  }
0x41: {  	_ =	shalt  }
0x42: {  	_ =	shalt  }
0x43: {  	_ =	shalt  }
0x44: {  	_ =	shalt  }
0x45: {  	_ =	shalt  }
0x46: {  	_ =	shalt  }
0x47: {  	_ =	shalt  }
0x48: {  	_ =	shalt  }
0x49: {  	_ =	shalt  }
0x4a: {  	_ =	shalt  }
0x4b: {  	_ =	shalt  }
0x4c: {  	_ =	shalt  }
0x4d: {  	_ =	shalt  }
0x4e: {  	_ =	shalt  }
0x4f: {  	_ =	shalt  }
0x50: {  	_ =	shalt  }
0x51: {  	_ =	shalt  }
0x52: {  	_ =	shalt  }
0x53: {  	_ =	shalt  }
0x54: {  	_ =	shalt  }
0x55: {  	_ =	shalt  }
0x56: {  	_ =	shalt  }
0x57: {  	_ =	shalt  }
0x58: {  	_ =	shalt  }
0x59: {  	_ =	shalt  }
0x5a: {  	_ =	shalt  }
0x5b: {  	_ =	shalt  }
0x5c: {  	_ =	shalt  }
0x5d: {  	_ =	shalt  }
0x5e: {  	_ =	shalt  }
0x5f: {  	_ =	shalt  }
0x60: {  	_ =	shalt  }
0x61: {  	_ =	shalt  }
0x62: {  	_ =	shalt  }
0x63: {  	_ =	shalt  }
0x64: {  	_ =	shalt  }
0x65: {  	_ =	shalt  }
0x66: {  	_ =	shalt  }
0x67: {  	_ =	shalt  }
0x68: {  	_ =	shalt  }
0x69: {  	_ =	shalt  }
0x6a: {  	_ =	shalt  }
0x6b: {  	_ =	shalt  }
0x6c: {  	_ =	shalt  }
0x6d: {  	_ =	shalt  }
0x6e: {  	_ =	shalt  }
0x6f: {  	_ =	shalt  }
0x70: {  	_ =	shalt  }
0x71: {  	_ =	shalt  }
0x72: {  	_ =	shalt  }
0x73: {  	_ =	shalt  }
0x74: {  	_ =	shalt  }
0x75: {  	_ =	shalt  }
0x76: {  	_ =	shalt  }
0x77: {  	_ =	shalt  }
0x78: {  	_ =	shalt  }
0x79: {  	_ =	shalt  }
0x7a: {  	_ =	shalt  }
0x7b: {  	_ =	shalt  }
0x7c: {  	_ =	shalt  }
0x7d: {  	_ =	shalt  }
0x7e: {  	_ =	shalt  }
0x7f: {  	_ =	shalt  }
0x80: {  	_ =	shalt  }
0x81: {  	_ =	shalt  }
0x82: {  	_ =	shalt  }
0x83: {  	_ =	shalt  }
0x84: {  	_ =	shalt  }
0x85: {  	_ =	shalt  }
0x86: {  	_ =	shalt  }
0x87: {  	_ =	shalt  }
.Lfunc_end0:
.L_simem_size_0:
called_computation.2_lowered:
.L_overlay_start_0:
0x88: {  	s2 =	sld [smem:$0x3FD9]  }
0x89: {  	s3 =	sld [smem:$0x3FFE];
	_ =	sdelay $0x1  }
0x8a: {  	s1 =	srdreg.scid  }
0x8b: {  	s0 =	sand.u32 $0x1, s1  }
0x8c: {  	s17 =	sshll.u32 s0, $0xA;
	s2 =	sadd.s32 s3, s2  }
0x8d: {  	s2 =	sadd.s32 s2, s17  }
0x8e: {  	[smem:$0x3FAC] =	sst s2  }
0x8f: {  	_ = 	snop  }
0x90: {  	s2 =	sld [smem:$0x3FD0];
	(tm) =	ssettm $0x1  }
0x91: {  	s18 =	sld [smem:$0x3FFB];
	_ =	sdelay $0x3  }
0x92: {  	_ =	strace s18  }
0x93: {  	s3 =	sld [smem:$0x3FFC];
	_ =	sdelay $0x3  }
0x94: {  	_ =	strace s3  }
0x95: {  	s3 =	sld [smem:$0x3FFD];
	_ =	sdelay $0x3  }
0x96: {  	_ =	strace s3  }
0x97: {  	_ =	strace $0x8FFFFFFF  }
0x98: {  	s19 =	sld [smem:$0x3FDB];
	_ =	sdelay $0x1  }
0x99: {  	s4 =	simm.s32 $_scs_section_size  }
0x9a: {  	s5 =	simm.s32 $_size__tile_overlayer_lowered;
	s6 =	simm.s32 $_tile_overlayer_lowered  }
0x9b: {  	s22 =	simm.s32 $0x1BFF;
	s21 =	sshll.u32 s6, $0x1;
	s3 =	sadd.s32 s4, s19  }
0x9c: {  	s7 =	simm.s32 $0x0;
	s20 =	sshll.u32 s5, $0x1;
	s5 =	sadd.s32 s21, s3  }
0x9d: {  	[timem:s7], [sflag:s22] =	dma.local [hbm:s5], s20  }
0x9e: {  	_ =	swait.ge [sflag:s22], s20  }
0x9f: {  	s4 =	ssub.s32 $0x0, s20;
	[sflag:s22] =	ssyncset.done $0x0  }
0xa0: {  	[sflag:s22] =	ssyncadd.s32 s4;
	_ =	sdelay $0x1  }
0xa1: {  	s23 =	simm.s32 $0x1B8B  }
0xa2: {  	_ =	swait.ge [sflag:s23], $0x1  }
0xa3: {  	[sflag:s23] =	ssyncset.done $0x0  }
0xa4: {  	s25 =	simm.s32 $0x1B8E;
	s24 =	sld [smem:$0x3FFE];
	[sflag:s23] =	ssyncadd.s32 $0xFFFFFFFF  }
0xa5: {  	s26 =	simm.s32 $execute0_lowered;
	[smem:$0x3FD2] =	sst s25  }
0xa6: {  	s5 =	sshll.u32 s26, $0x1;
	_ =	strace $0x8000004C;
	[dreg:$0x1] =	wrdreg $0xFFFFFFFF  }
0xa7: {  	s28 =	simm.s32 $_size_execute0_lowered;
	s3 =	sadd.s32 s3, s5;
	[dreg:$0x0] =	wrdreg $0x0  }
0xa8: {  	s5 =	sshll.u32 s28, $0x1;
	[dreg:$0x2] =	wrdreg s3  }
0xa9: {  	[dreg:$0x3] =	wrdreg s5  }
0xaa: {  	[dreg:$0x4] =	wrdreg $0xC0  }
0xab: {  	_ =	task [dreg:s7], $0x5FFFF  }
0xac: {  	[dreg:$0x1] =	wrdreg $0xFFFFFFFF  }
0xad: {  	[dreg:$0x0] =	wrdreg $0x60  }
0xae: {  	[dreg:$0x2] =	wrdreg s2  }
0xaf: {  	[dreg:$0x3] =	wrdreg s24  }
0xb0: {  	[dreg:$0x4] =	wrdreg $0x9  }
0xb1: {  	_ =	task.clear_ibuf [dreg:s7], $0x5FFFF;
	_ =	strace $0x9000004C  }
0xb2: {  	s29 =	simm.s32 $0x9;
	_ =	strace $0x8000004E  }
0xb3: {  	_ =	swait.ge [sflag:s29], $0x1  }
0xb4: {  	[sflag:s29] =	ssyncadd.s32 $0xFFFFFFFF  }
0xb5: {  	_ =	strace $0x9000004E  }
0xb6: {  	_ =	sfence  }
0xb7: {  	s30 =	sld [smem:$0x0];
	_ =	sdelay $0x2  }
0xb8: {  	s31 =	sshll.u32 s1, $0xD;
	s1 =	sshrl.u32 s1, $0x2  }
0xb9: {  	s3 =	sand.u32 $0x4000, s31;
	s1 =	sadd.s32 s1, s30  }
0xba: {  	s0 =	sor.u32 s3, s0;
	s1 =	sshll.u32 s1, $0x11  }
0xbb: {  	s0 =	sor.u32 s1, s0  }
0xbc: {  	s0 =	sadd.s32 $0x8F2B, s0  }
0xbd: {  	[sflag:s0] =	ssyncadd.remote.s32 $0x1  }
0xbe: {  	_ =	sfence.sel $0xFFFF  }
0xbf: {  	[dreg:$0x0] =	wrdreg $0xFFFFFFFF;
	(pc) =	sbr.abs _section_cstart, $3  }
0xc0: {  	[dreg:$0x1] =	wrdreg $0xFFFFFFFF  }
0xc1: {  	_ =	task.clear_ibuf [dreg:s7], $0x2FFFF;
	_ =	strace $0x9FFFFFFF  }
0xc2: {  	(tm) =	ssettm $0x7FFFFFFF  }
0xc3: {  	_ =	shalt  }
tec
execute0_lowered:
.L_overlay_start_1:
0x0: {  	(tag) =	ssettag $0x1  }
0x1: {  	s10 =	rddreg [dreg:$0x0]  }
0x2: {  	s1 =	srdreg.scid;
	s0 =	stileid.u32  }
0x3: {  	s7 =	rddreg [dreg:$0x1];
	s11 =	sand.u32 $0x1, s1;
	s3 =	sshll.u32 s0, $0x1  }
0x4: {  	s2 =	simm.s32 $0x0;
	s4 =	simm.s32 $0x2;
	s8 =	sor.u32 s11, s3  }
0x5: {  	[smem:$0x7FF] =	sst s2;
	s9 =	sadd.s32 $0x18CE00, s7;
	s3 =	sshll.u32 s8, $0x5  }
0x6: {  	s1 =	rddreg [dreg:$0x2];
	_ =	strace $0x8000004D;
	s3 =	sadd.s32 s9, s3  }
0x7: {  	[tilespmem:s2], [sflag:$0x2] =	stream.linear.gather [hbm4b:s3+s2], $0x80, $0x38;
	[tilespmem:$0x4080] =	vst v63  }
0x8: {  	_ =	swait.ge [sflag:s4], $0x80  }
0x9: {  	s5 =	sshll.u32 s8, $0xC;
	[sflag:s4] =	ssyncset.done $0x0  }
0xa: {  	s6 =	simm.s32 $0x80;
	s5 =	sadd.s32 s10, s5;
	[sflag:s4] =	ssyncadd.s32 $0xFFFFFF80  }
0xb: {  	[tilespmem:s6], [sflag:$0x2] =	stream.linear.gather [hbm4b:s5+s2], $0x4000, $0x38;
	[tilespmem:$0x4080] =	vst v63  }
0xc: {  	_ =	swait.ge [sflag:s4], $0x4000  }
0xd: {  	s7 =	sadd.s32 $0x6400, s7;
	[sflag:s4] =	ssyncset.done $0x0  }
0xe: {  	s12 =	sshll.u32 s8, $0x8;
	s8 =	simm.s32 $0x1;
	[sflag:s4] =	ssyncadd.s32 $0xFFFFC000  }
0xf: {  	[hbm4b:s7+s6] =	stream.indirect.scatter [tilespmem:s6], [sflag:$0x1], $0x80, s2, s6, $0xb8;
	[tilespmem:$0x4080] =	vst v63  }
0x10: {  	s12 =	sor.u32 $0x80, s12;
	_ =	swait.ge [sflag:s8], $0x4000  }
0x11: {  	s13 =	sshrl.u32 s12, $0x3;
	[sflag:s8] =	ssyncset.done $0x0  }
0x12: {  	s11 =	ssub.s32 $0x2, s11;
	s9 =	sadd.s32 s9, s13;
	[sflag:s8] =	ssyncadd.s32 $0xFFFFC000  }
0x13: {  	[tilespmem:s2], [sflag:$0x2] =	stream.linear.gather [hbm4b:s9+s2], $0x80, $0x38;
	[tilespmem:$0x4080] =	vst v63  }
0x14: {  	s31 =	sshrl.u32 s11, $0x1;
	_ =	swait.ge [sflag:s4], $0x80  }
0x15: {  	s11 =	ssub.s32 s11, s31;
	s12 =	sshll.u32 s12, $0x4;
	[sflag:s4] =	ssyncset.done $0x0  }
0x16: {  	s11 =	smax.u32 s11, $0x1;
	s10 =	sadd.s32 s10, s12;
	[sflag:s4] =	ssyncadd.s32 $0xFFFFFF80  }
0x17: {  	[tilespmem:s6], [sflag:$0x2] =	stream.linear.gather [hbm4b:s10+s2], $0x4000, $0x38;
	[tilespmem:$0x4080] =	vst v63  }
0x18: {  	p0 =	sne.s32 s11, $0x1;
	_ =	swait.ge [sflag:s4], $0x4000  }
.Ltmp0:
0x19: {  	[sflag:s4] =	ssyncset.done $0x0;
	(pc) =	sbr.rel @!p0 .LBB2_2-.Ltmp0, $4  }
0x1a: {  	[sflag:s4] =	ssyncadd.s32 $0xFFFFC000  }
0x1b: {  	[hbm4b:s7+s6] =	stream.indirect.scatter [tilespmem:s6], [sflag:$0x1], $0x80, s2, s6, $0xb8;
	[tilespmem:$0x4080] =	vst v63  }
0x1c: {  	_ =	swait.ge [sflag:s8], $0x4000  }
0x1d: {  	s11 =	sadd.s32 $0xFFFFFFFF, s11;
	[sflag:s8] =	ssyncset.done $0x0  }
.LBB2_1:
0x1e: {  	p0 =	sne.s32 s11, $0x1;
	s11 =	sadd.s32 $0xFFFFFFFF, s11;
	[sflag:s8] =	ssyncadd.s32 $0xFFFFC000  }
0x1f: {  	[tilespmem:s2], [sflag:$0x2] =	stream.linear.gather [hbm4b:s3+s2], $0x80, $0x38;
	[tilespmem:$0x4080] =	vst v63  }
0x20: {  	_ =	swait.ge [sflag:s4], $0x80  }
0x21: {  	[sflag:s4] =	ssyncset.done $0x0  }
0x22: {  	[sflag:s4] =	ssyncadd.s32 $0xFFFFFF80  }
0x23: {  	[tilespmem:s6], [sflag:$0x2] =	stream.linear.gather [hbm4b:s5+s2], $0x4000, $0x38;
	[tilespmem:$0x4080] =	vst v63  }
0x24: {  	_ =	swait.ge [sflag:s4], $0x4000  }
0x25: {  	[sflag:s4] =	ssyncset.done $0x0  }
0x26: {  	[sflag:s4] =	ssyncadd.s32 $0xFFFFC000  }
0x27: {  	[hbm4b:s7+s6] =	stream.indirect.scatter [tilespmem:s6], [sflag:$0x1], $0x80, s2, s6, $0xb8;
	[tilespmem:$0x4080] =	vst v63  }
0x28: {  	_ =	swait.ge [sflag:s8], $0x4000  }
0x29: {  	[sflag:s8] =	ssyncset.done $0x0  }
0x2a: {  	[sflag:s8] =	ssyncadd.s32 $0xFFFFC000  }
0x2b: {  	[tilespmem:s2], [sflag:$0x2] =	stream.linear.gather [hbm4b:s9+s2], $0x80, $0x38;
	[tilespmem:$0x4080] =	vst v63  }
0x2c: {  	_ =	swait.ge [sflag:s4], $0x80  }
0x2d: {  	[sflag:s4] =	ssyncset.done $0x0  }
0x2e: {  	[sflag:s4] =	ssyncadd.s32 $0xFFFFFF80  }
0x2f: {  	[tilespmem:s6], [sflag:$0x2] =	stream.linear.gather [hbm4b:s10+s2], $0x4000, $0x38;
	[tilespmem:$0x4080] =	vst v63  }
0x30: {  	_ =	swait.ge [sflag:s4], $0x4000  }
.Ltmp1:
0x31: {  	[sflag:s4] =	ssyncset.done $0x0;
	(pc) =	sbr.rel @p0 .LBB2_1-.Ltmp1, $4  }
0x32: {  	[sflag:s4] =	ssyncadd.s32 $0xFFFFC000  }
0x33: {  	[hbm4b:s7+s6] =	stream.indirect.scatter [tilespmem:s6], [sflag:$0x1], $0x80, s2, s6, $0xb8;
	[tilespmem:$0x4080] =	vst v63  }
0x34: {  	_ =	swait.ge [sflag:s8], $0x4000  }
0x35: {  	[sflag:s8] =	ssyncset.done $0x0  }
.LBB2_2:
0x36: {  	[sflag:s8] =	ssyncadd.s32 $0xFFFFC000  }
0x37: {  	_ =	sfence.sel $0x180000  }
0x38: {  	[bflag:$0x0] =	sbarrier.arrive $0xFFFF  }
0x39: {  	p0 =	sne.s32 s0, $0x0;
	_ =	strace $0x9000004D  }
0x3a: {  	s0 =	sadd.s32 @!p0 $0x100000, s1;
	[bflag:$0x2] =	sbarrier.arrive $0xFFFF  }
0x3b: {  	[sflag:s0] =	ssyncadd.tile.s32 @!p0 $0x1;
	_ =	shalt  }
.Lfunc_end2:
_tile_overlayer_lowered:
.L_overlay_start_2:
0x3c: {  	(tag) =	ssettag $0x2  }
0x3d: {  	s0 =	rddreg [dreg:$0x0];
	s2 =	stileid.u32  }
0x3e: {  	s1 =	rddreg [dreg:$0x1];
	p0 =	sne.s32 s2, $0x0  }
0x3f: {  	s3 =	rddreg [dreg:$0x2];
	[bflag:$0x3] =	sbarrier.arrive $0xFFFF;
	s2 =	simm.s32 @!p0 $0x1C02  }
0x40: {  	[timem:s3], [sflag:s2] =	dma.local @!p0 [hbm:s0], s1  }
0x41: {  	s0 =	simm.s32 @!p0 $0x2  }
0x42: {  	_ =	swait.ge @!p0 [sflag:s0], s1  }
0x43: {  	s1 =	ssub.s32 @!p0 $0x0, s1;
	[sflag:s0] =	ssyncset.done @!p0 $0x0  }
0x44: {  	[sflag:s0] =	ssyncadd.s32 @!p0 s1  }
0x45: {  	[bflag:$0x3] =	sbarrier.arrive $0xFFFF  }
0x46: {  	_ =	shalt  }

// kernel: kernel.19.cloned.1.call-start
scs
__scs_entry_jumppad:
0x0: {  	(pc) =	sbr.rel $0x88, $3  }
0x1: {  	(tag) =	ssettag $0x0;
	lr =	simm.s32 $0x1  }
0x2: {  	[smem:$0x3F85] =	sst lr;
	_ =	strace $0xD0000000  }
0x3: {  	_ = 	snop  }
0x4: {  	_ = 	snop  }
0x5: {  	_ = 	snop  }
0x6: {  	_ = 	snop  }
0x7: {  	_ = 	snop  }
__scs_overlays_trampoline_lowered:
0x8: {  	[smem:$0x3F94] =	sst s0  }
0x9: {  	[smem:$0x3F95] =	sst s1  }
0xa: {  	[smem:$0x3F96] =	sst s2  }
0xb: {  	[smem:$0x3F97] =	sst s3  }
0xc: {  	[smem:$0x3F98] =	sst s4  }
0xd: {  	[smem:$0x3F99] =	sst s5  }
0xe: {  	[smem:$0x3F9A] =	sst s6  }
0xf: {  	[smem:$0x3F9B] =	sst s7  }
0x10: {  	[smem:$0x3F9C] =	sst s8  }
0x11: {  	[smem:$0x3F9D] =	sst s9;
	s0 =	simm.s32 @!p0 $0x0  }
0x12: {  	s1 =	sld [smem:$0x3F83];
	s0 =	simm.s32 @p0 $0x1  }
0x13: {  	[smem:$0x3F9E] =	sst s0;
	s0 =	simm.s32 @!p1 $0x0  }
0x14: {  	s2 =	sld [smem:$0x3F82];
	s0 =	simm.s32 @p1 $0x1  }
0x15: {  	[smem:$0x3F9F] =	sst s0;
	s0 =	simm.s32 @!p2 $0x0  }
0x16: {  	s3 =	sld [smem:$0x3FDB];
	s0 =	simm.s32 @p2 $0x1  }
0x17: {  	s4 =	simm.s32 $0x1BF5;
	[smem:$0x3FA1] =	sst s0  }
0x18: {  	s0 =	sld [smem:$0x3F84];
	_ =	swait.ge [sflag:s4], $0x0  }
0x19: {  	s7 =	sld [smem:$0x3F85]  }
0x1a: {  	s8 =	sadd.s32 $0xFFFFE003, lr  }
0x1b: {  	s9 =	sadd.s32 $0xFFFFFEF7, lr;
	s5 =	simm.s32 $0xFFFFFFFF;
	p2 =	slt.u32 s8, $0xFFFFF086  }
0x1c: {  	p1 =	slt.u32 s9, $0xF7A;
	s5 =	simm.s32 @!p2 $0x0  }
0x1d: {  	s5 =	simm.s32 @p1 $0x1;
	p0 =	seq.s32 s7, s2  }
0x1e: {  	s7 =	smul.u32 @!p0 $0xF7A, s2;
	p2 =	seq.s32 @!p0 s5, $0x0  }
0x1f: {  	s9 =	smul.u32 $0xF7A, s1;
	s8 =	simm.s32 @!p0 $0x1BF5;
	p2 =	por !p2, p0  }
0x20: {  	[sflag:s8] =	ssyncset.s32 @!p0 $0xFFFFF086;
	s6 =	sadd.s32 @!p0 s3, s7;
	s7 =	simm.s32 @!p0 $0x108  }
0x21: {  	s3 =	sadd.s32 s3, s9;
	s6 =	sadd.s32 @!p0 $0x88, s6;
	s7 =	simm.s32 @p2 $0x1082  }
0x22: {  	[simem:s7], [sflag:s8] =	dma.local @!p0 [hbm:s6], $0xF7A  }
0x23: {  	s9 =	sor.u32 $0xD0000000, s2;
	s6 =	simm.s32 $0x108;
	_ =	swait.ge @!p0 [sflag:s8], $0x0  }
0x24: {  	s3 =	sadd.s32 $0x88, s3;
	s6 =	simm.s32 @!p1 $0x1082;
	[sflag:s4] =	ssyncset.s32 $0xFFFFF086  }
0x25: {  	[simem:s6], [sflag:s4] =	dma.local [hbm:s3], $0xF7A  }
0x26: {  	[smem:$0x3F85] =	sst s1;
	(tag) =	ssettag s2;
	_ =	strace s9  }
0x27: {  	s1 =	sld [smem:$0x3F95]  }
0x28: {  	s2 =	sld [smem:$0x3F96]  }
0x29: {  	s4 =	sld [smem:$0x3F98]  }
0x2a: {  	p0 =	seq.s32 s5, $0x0;
	s5 =	sld [smem:$0x3F99]  }
0x2b: {  	s6 =	sld [smem:$0x3F9A]  }
0x2c: {  	s7 =	sld [smem:$0x3F9B]  }
0x2d: {  	s3 =	simm.s32 $0x108;
	s8 =	sld [smem:$0x3F9C]  }
0x2e: {  	s3 =	simm.s32 @!p0 $0x1082;
	s9 =	sld [smem:$0x3F9D]  }
0x2f: {  	lr =	sadd.s32 s0, s3;
	s0 =	sld [smem:$0x3F94]  }
0x30: {  	s3 =	sld [smem:$0x3F97]  }
0x31: {  	[smem:$0x3FA0] =	sst s10  }
0x32: {  	s10 =	sld [smem:$0x3F9E];
	_ =	sdelay $0x3  }
0x33: {  	p0 =	seq.s32 s10, $0x1;
	s10 =	sld [smem:$0x3FA0];
	_ =	sdelay $0x3  }
0x34: {  	[smem:$0x3FA0] =	sst s10  }
0x35: {  	s10 =	sld [smem:$0x3F9F];
	_ =	sdelay $0x3  }
0x36: {  	p1 =	seq.s32 s10, $0x1;
	s10 =	sld [smem:$0x3FA0];
	_ =	sdelay $0x3  }
0x37: {  	[smem:$0x3FA0] =	sst s10  }
0x38: {  	s10 =	sld [smem:$0x3FA1]  }
0x39: {  	_ = 	snop;
	(pc) =	sbr.ind lr, $3  }
0x3a: {  	_ = 	snop  }
0x3b: {  	_ = 	snop  }
0x3c: {  	p2 =	seq.s32 s10, $0x1;
	s10 =	sld [smem:$0x3FA0]  }
0x3d: {  	_ =	shalt  }
0x3e: {  	_ =	shalt  }
0x3f: {  	_ =	shalt  }
0x40: {  	_ =	shalt  }
0x41: {  	_ =	shalt  }
0x42: {  	_ =	shalt  }
0x43: {  	_ =	shalt  }
0x44: {  	_ =	shalt  }
0x45: {  	_ =	shalt  }
0x46: {  	_ =	shalt  }
0x47: {  	_ =	shalt  }
0x48: {  	_ =	shalt  }
0x49: {  	_ =	shalt  }
0x4a: {  	_ =	shalt  }
0x4b: {  	_ =	shalt  }
0x4c: {  	_ =	shalt  }
0x4d: {  	_ =	shalt  }
0x4e: {  	_ =	shalt  }
0x4f: {  	_ =	shalt  }
0x50: {  	_ =	shalt  }
0x51: {  	_ =	shalt  }
0x52: {  	_ =	shalt  }
0x53: {  	_ =	shalt  }
0x54: {  	_ =	shalt  }
0x55: {  	_ =	shalt  }
0x56: {  	_ =	shalt  }
0x57: {  	_ =	shalt  }
0x58: {  	_ =	shalt  }
0x59: {  	_ =	shalt  }
0x5a: {  	_ =	shalt  }
0x5b: {  	_ =	shalt  }
0x5c: {  	_ =	shalt  }
0x5d: {  	_ =	shalt  }
0x5e: {  	_ =	shalt  }
0x5f: {  	_ =	shalt  }
0x60: {  	_ =	shalt  }
0x61: {  	_ =	shalt  }
0x62: {  	_ =	shalt  }
0x63: {  	_ =	shalt  }
0x64: {  	_ =	shalt  }
0x65: {  	_ =	shalt  }
0x66: {  	_ =	shalt  }
0x67: {  	_ =	shalt  }
0x68: {  	_ =	shalt  }
0x69: {  	_ =	shalt  }
0x6a: {  	_ =	shalt  }
0x6b: {  	_ =	shalt  }
0x6c: {  	_ =	shalt  }
0x6d: {  	_ =	shalt  }
0x6e: {  	_ =	shalt  }
0x6f: {  	_ =	shalt  }
0x70: {  	_ =	shalt  }
0x71: {  	_ =	shalt  }
0x72: {  	_ =	shalt  }
0x73: {  	_ =	shalt  }
0x74: {  	_ =	shalt  }
0x75: {  	_ =	shalt  }
0x76: {  	_ =	shalt  }
0x77: {  	_ =	shalt  }
0x78: {  	_ =	shalt  }
0x79: {  	_ =	shalt  }
0x7a: {  	_ =	shalt  }
0x7b: {  	_ =	shalt  }
0x7c: {  	_ =	shalt  }
0x7d: {  	_ =	shalt  }
0x7e: {  	_ =	shalt  }
0x7f: {  	_ =	shalt  }
0x80: {  	_ =	shalt  }
0x81: {  	_ =	shalt  }
0x82: {  	_ =	shalt  }
0x83: {  	_ =	shalt  }
0x84: {  	_ =	shalt  }
0x85: {  	_ =	shalt  }
0x86: {  	_ =	shalt  }
0x87: {  	_ =	shalt  }
.Lfunc_end0:
.L_simem_size_0:
called_computation.3_lowered:
.L_overlay_start_0:
0x88: {  	s2 =	sld [smem:$0x3FD9]  }
0x89: {  	s3 =	sld [smem:$0x3FFE];
	_ =	sdelay $0x1  }
0x8a: {  	s1 =	srdreg.scid  }
0x8b: {  	s0 =	sand.u32 $0x1, s1  }
0x8c: {  	s17 =	sshll.u32 s0, $0xA;
	s2 =	sadd.s32 s3, s2  }
0x8d: {  	s2 =	sadd.s32 s2, s17  }
0x8e: {  	[smem:$0x3FAC] =	sst s2  }
0x8f: {  	_ = 	snop  }
0x90: {  	s2 =	sld [smem:$0x3FD0];
	(tm) =	ssettm $0x1  }
0x91: {  	s18 =	sld [smem:$0x3FFB];
	_ =	sdelay $0x3  }
0x92: {  	_ =	strace s18  }
0x93: {  	s3 =	sld [smem:$0x3FFC];
	_ =	sdelay $0x3  }
0x94: {  	_ =	strace s3  }
0x95: {  	s3 =	sld [smem:$0x3FFD];
	_ =	sdelay $0x3  }
0x96: {  	_ =	strace s3  }
0x97: {  	_ =	strace $0x8FFFFFFF  }
0x98: {  	s19 =	sld [smem:$0x3FDB];
	_ =	sdelay $0x1  }
0x99: {  	s4 =	simm.s32 $_scs_section_size  }
0x9a: {  	s5 =	simm.s32 $_size__tile_overlayer_lowered;
	s6 =	simm.s32 $_tile_overlayer_lowered  }
0x9b: {  	s22 =	simm.s32 $0x1BFF;
	s21 =	sshll.u32 s6, $0x1;
	s3 =	sadd.s32 s4, s19  }
0x9c: {  	s7 =	simm.s32 $0x0;
	s20 =	sshll.u32 s5, $0x1;
	s5 =	sadd.s32 s21, s3  }
0x9d: {  	[timem:s7], [sflag:s22] =	dma.local [hbm:s5], s20  }
0x9e: {  	_ =	swait.ge [sflag:s22], s20  }
0x9f: {  	s4 =	ssub.s32 $0x0, s20;
	[sflag:s22] =	ssyncset.done $0x0  }
0xa0: {  	[sflag:s22] =	ssyncadd.s32 s4;
	_ =	sdelay $0x1  }
0xa1: {  	s23 =	simm.s32 $0x1B8B  }
0xa2: {  	_ =	swait.ge [sflag:s23], $0x1  }
0xa3: {  	[sflag:s23] =	ssyncset.done $0x0  }
0xa4: {  	s25 =	simm.s32 $0x1B8E;
	s24 =	sld [smem:$0x3FFE];
	[sflag:s23] =	ssyncadd.s32 $0xFFFFFFFF  }
0xa5: {  	s26 =	simm.s32 $execute0_lowered;
	[smem:$0x3FD2] =	sst s25  }
0xa6: {  	s5 =	sshll.u32 s26, $0x1;
	_ =	strace $0x8000004F;
	[dreg:$0x1] =	wrdreg $0xFFFFFFFF  }
0xa7: {  	s28 =	simm.s32 $_size_execute0_lowered;
	s3 =	sadd.s32 s3, s5;
	[dreg:$0x0] =	wrdreg $0x0  }
0xa8: {  	s5 =	sshll.u32 s28, $0x1;
	[dreg:$0x2] =	wrdreg s3  }
0xa9: {  	[dreg:$0x3] =	wrdreg s5  }
0xaa: {  	[dreg:$0x4] =	wrdreg $0xC0  }
0xab: {  	_ =	task [dreg:s7], $0x5FFFF  }
0xac: {  	[dreg:$0x1] =	wrdreg $0xFFFFFFFF  }
0xad: {  	[dreg:$0x0] =	wrdreg $0x60  }
0xae: {  	[dreg:$0x2] =	wrdreg s24  }
0xaf: {  	[dreg:$0x3] =	wrdreg s2  }
0xb0: {  	[dreg:$0x4] =	wrdreg $0x9  }
0xb1: {  	_ =	task.clear_ibuf [dreg:s7], $0x5FFFF;
	_ =	strace $0x9000004F  }
0xb2: {  	s29 =	simm.s32 $0x9;
	_ =	strace $0x80000051  }
0xb3: {  	_ =	swait.ge [sflag:s29], $0x1  }
0xb4: {  	[sflag:s29] =	ssyncadd.s32 $0xFFFFFFFF  }
0xb5: {  	_ =	strace $0x90000051  }
0xb6: {  	_ =	sfence  }
0xb7: {  	s30 =	sld [smem:$0x0];
	_ =	sdelay $0x2  }
0xb8: {  	s31 =	sshll.u32 s1, $0xD;
	s1 =	sshrl.u32 s1, $0x2  }
0xb9: {  	s3 =	sand.u32 $0x4000, s31;
	s1 =	sadd.s32 s1, s30  }
0xba: {  	s0 =	sor.u32 s3, s0;
	s1 =	sshll.u32 s1, $0x11  }
0xbb: {  	s0 =	sor.u32 s1, s0  }
0xbc: {  	s0 =	sadd.s32 $0x8F2B, s0  }
0xbd: {  	[sflag:s0] =	ssyncadd.remote.s32 $0x1  }
0xbe: {  	_ =	sfence.sel $0xFFFF  }
0xbf: {  	[dreg:$0x0] =	wrdreg $0xFFFFFFFF;
	(pc) =	sbr.abs _section_cstart, $3  }
0xc0: {  	[dreg:$0x1] =	wrdreg $0xFFFFFFFF  }
0xc1: {  	_ =	task.clear_ibuf [dreg:s7], $0x2FFFF;
	_ =	strace $0x9FFFFFFF  }
0xc2: {  	(tm) =	ssettm $0x7FFFFFFF  }
0xc3: {  	_ =	shalt  }
tec
execute0_lowered:
.L_overlay_start_1:
0x0: {  	(tag) =	ssettag $0x1  }
0x1: {  	s5 =	rddreg [dreg:$0x0]  }
0x2: {  	s10 =	rddreg [dreg:$0x1];
	s1 =	stileid.u32  }
0x3: {  	s0 =	rddreg [dreg:$0x2];
	s2 =	simm.s32 $0x0;
	s4 =	smul.u32 $0x600, s1  }
0x4: {  	s3 =	srdreg.scid;
	s19 =	simm.s32 $0x4080;
	s6 =	smul.u32 $0x30000, s1  }
0x5: {  	s20 =	simm.s32 $0x0;
	s11 =	sand.u32 $0x1, s3;
	s8 =	smul.u32 $0x6000, s1  }
0x6: {  	[smem:$0x7FF] =	sst s2;
	s7 =	sshll.u32 s1, $0x1;
	s18 =	smul.u32 $0x3000, s11  }
0x7: {  	s3 =	sadd.s32 $0x6400, s5;
	s9 =	sadd.s32 $0x199600, s5;
	s26 =	smul.u32 $0x300, s11  }
0x8: {  	_ =	strace $0x80000050;
	s7 =	sor.u32 s11, s7;
	s29 =	smul.u32 $0x18000, s11  }
0x9: {  	s14 =	ssub.s32 $0x2, s11;
	s13 =	sadd.s32 s4, s5;
	s12 =	smul.u32 $0x30, s7  }
0xa: {  	s4 =	sadd.s32 $0x19F6E00, s5;
	s15 =	smul.u32 $0x180, s7;
	s16 =	sadd.s32 s6, s5  }
0xb: {  	s22 =	sshrl.u32 s14, $0x1;
	s7 =	smul.u32 $0x1800, s7;
	s17 =	sadd.s32 s8, s5  }
0xc: {  	s14 =	ssub.s32 s14, s22;
	s28 =	sadd.s32 s18, s17;
	s30 =	sadd.s32 s26, s13  }
0xd: {  	s31 =	sadd.s32 s29, s16;
	s16 =	simm.s32 $0x2;
	s17 =	simm.s32 $0x80  }
0xe: {  	s18 =	simm.s32 $0x1;
	s23 =	sadd.s32 $0x80, s15;
	s5 =	sadd.s32 s9, s12  }
0xf: {  	s6 =	sadd.s32 s10, s7;
	s25 =	sadd.s32 $0x100, s15;
	s11 =	smax.u32 s14, $0x1  }
0x10: {  	s13 =	sadd.s32 $0x18D600, s30;
	s14 =	sadd.s32 $0x193600, s30;
	s24 =	sshrl.u32 s23, $0x3  }
0x11: {  	s8 =	sshll.u32 s23, $0x4;
	s15 =	sshrl.u32 s25, $0x3;
	s12 =	sshll.u32 s25, $0x4  }
0x12: {  	s7 =	sadd.s32 s9, s24;
	s8 =	sadd.s32 s10, s8;
	s9 =	sadd.s32 s9, s15  }
0x13: {  	s10 =	sadd.s32 s10, s12;
	s12 =	sadd.s32 $0x199C00, s28;
	s15 =	sadd.s32 $0x1F9C00, s31  }
.LBB2_1:
0x14: {  	[tilespmem:s2], [sflag:$0x2] =	stream.linear.gather [hbm4b:s5+s2], $0x80, $0x38;
	[tilespmem:$0x4880] =	vst v63  }
0x15: {  	_ =	swait.ge [sflag:s16], $0x80  }
0x16: {  	[sflag:s16] =	ssyncset.done $0x0  }
0x17: {  	[sflag:s16] =	ssyncadd.s32 $0xFFFFFF80  }
0x18: {  	[tilespmem:s17], [sflag:$0x1] =	stream.indirect.gather [hbm4b:s3+s17], $0x80, s2, s17, $0xb8;
	[tilespmem:$0x4880] =	vst v63  }
0x19: {  	_ =	swait.ge [sflag:s18], $0x4000  }
0x1a: {  	[sflag:s18] =	ssyncset.done $0x0  }
0x1b: {  	[sflag:s18] =	ssyncadd.s32 $0xFFFFC000  }
0x1c: {  	[hbm4b:s6+s2] =	stream.linear.scatter [tilespmem:s17], [sflag:$0x2], $0x4000, $0x38;
	[tilespmem:$0x4880] =	vst v63  }
0x1d: {  	_ =	swait.ge [sflag:s16], $0x4000  }
0x1e: {  	[sflag:s16] =	ssyncset.done $0x0  }
0x1f: {  	[sflag:s16] =	ssyncadd.s32 $0xFFFFC000  }
0x20: {  	[tilespmem:s2], [sflag:$0x2] =	stream.linear.gather [hbm4b:s7+s2], $0x80, $0x38;
	[tilespmem:$0x4880] =	vst v63  }
0x21: {  	_ =	swait.ge [sflag:s16], $0x80  }
0x22: {  	[sflag:s16] =	ssyncset.done $0x0  }
0x23: {  	[sflag:s16] =	ssyncadd.s32 $0xFFFFFF80  }
0x24: {  	[tilespmem:s17], [sflag:$0x1] =	stream.indirect.gather [hbm4b:s3+s17], $0x80, s2, s17, $0xb8;
	[tilespmem:$0x4880] =	vst v63  }
0x25: {  	_ =	swait.ge [sflag:s18], $0x4000  }
0x26: {  	[sflag:s18] =	ssyncset.done $0x0  }
0x27: {  	[sflag:s18] =	ssyncadd.s32 $0xFFFFC000  }
0x28: {  	[hbm4b:s8+s2] =	stream.linear.scatter [tilespmem:s17], [sflag:$0x2], $0x4000, $0x38;
	[tilespmem:$0x4880] =	vst v63  }
0x29: {  	_ =	swait.ge [sflag:s16], $0x4000  }
0x2a: {  	[sflag:s16] =	ssyncset.done $0x0  }
0x2b: {  	[sflag:s16] =	ssyncadd.s32 $0xFFFFC000  }
0x2c: {  	[tilespmem:s2], [sflag:$0x2] =	stream.linear.gather [hbm4b:s9+s2], $0x80, $0x38;
	[tilespmem:$0x4880] =	vst v63  }
0x2d: {  	_ =	swait.ge [sflag:s16], $0x80  }
0x2e: {  	[sflag:s16] =	ssyncset.done $0x0  }
0x2f: {  	[sflag:s16] =	ssyncadd.s32 $0xFFFFFF80  }
0x30: {  	[tilespmem:s17], [sflag:$0x1] =	stream.indirect.gather [hbm4b:s3+s17], $0x80, s2, s17, $0xb8;
	[tilespmem:$0x4880] =	vst v63  }
0x31: {  	_ =	swait.ge [sflag:s18], $0x4000  }
0x32: {  	[sflag:s18] =	ssyncset.done $0x0  }
0x33: {  	[sflag:s18] =	ssyncadd.s32 $0xFFFFC000  }
0x34: {  	[hbm4b:s10+s2] =	stream.linear.scatter [tilespmem:s17], [sflag:$0x2], $0x4000, $0x38;
	[tilespmem:$0x4880] =	vst v63  }
0x35: {  	_ =	swait.ge [sflag:s16], $0x4000  }
0x36: {  	[sflag:s16] =	ssyncset.done $0x0  }
0x37: {  	s21 =	sadd.s32 $0x0, s14;
	[sflag:s16] =	ssyncadd.s32 $0xFFFFC000  }
0x38: {  	[tilespmem:s2], [sflag:$0x2] =	stream.linear.gather [hbm4b:s21+s2], $0x80, $0x38;
	[tilespmem:$0x4880] =	vst v63  }
0x39: {  	_ =	swait.ge [sflag:s16], $0x80  }
0x3a: {  	[sflag:s16] =	ssyncset.done $0x0  }
0x3b: {  	[sflag:s16] =	ssyncadd.s32 $0xFFFFFF80  }
0x3c: {  	[tilespmem:s17], [sflag:$0x1] =	stream.indirect.gather [hbm4b:s3+s17], $0x80, s2, s17, $0xb8;
	[tilespmem:$0x4880] =	vst v63  }
0x3d: {  	_ =	swait.ge [sflag:s18], $0x4000  }
0x3e: {  	[sflag:s18] =	ssyncset.done $0x0  }
0x3f: {  	[sflag:s18] =	ssyncadd.s32 $0xFFFFC000  }
0x40: {  	[hbm4b:s15+s2] =	stream.linear.scatter [tilespmem:s17], [sflag:$0x2], $0x4000, $0x38;
	[tilespmem:$0x4880] =	vst v63  }
0x41: {  	_ =	swait.ge [sflag:s16], $0x4000  }
0x42: {  	[sflag:s16] =	ssyncset.done $0x0  }
0x43: {  	s31 =	sadd.s32 $0x0, s13;
	[sflag:s16] =	ssyncadd.s32 $0xFFFFC000  }
0x44: {  	[tilespmem:s2], [sflag:$0x2] =	stream.linear.gather [hbm4b:s31+s2], $0x80, $0x38;
	[tilespmem:$0x4880] =	vst v63  }
0x45: {  	_ =	swait.ge [sflag:s16], $0x80  }
0x46: {  	[sflag:s16] =	ssyncset.done $0x0  }
0x47: {  	[sflag:s16] =	ssyncadd.s32 $0xFFFFFF80  }
0x48: {  	[tilespmem:s19], [sflag:$0x1] =	stream.indirect.gather [hbm4b:s4+s17], $0x10, s2, s17, $0xb8;
	[tilespmem:$0x4880] =	vst v63  }
0x49: {  	_ =	swait.ge [sflag:s18], $0x800  }
0x4a: {  	[sflag:s18] =	ssyncset.done $0x0  }
0x4b: {  	[sflag:s18] =	ssyncadd.s32 $0xFFFFF800  }
0x4c: {  	[hbm4b:s12+s2] =	stream.linear.scatter [tilespmem:s19], [sflag:$0x2], $0x800, $0x38;
	[tilespmem:$0x4880] =	vst v63  }
0x4d: {  	s22 =	simm.s32 $0x10;
	s24 =	simm.s32 $0x20;
	_ =	swait.ge [sflag:s16], $0x800  }
0x4e: {  	s23 =	sadd.s32 $0x800, s15;
	s21 =	sadd.s32 $0x100, s12;
	[sflag:s16] =	ssyncset.done $0x0  }
.LBB2_2:
0x4f: {  	s25 =	sadd.s32 s22, s14  }
0x50: {  	[sflag:s16] =	ssyncadd.s32 $0xFFFFF800;
	s26 =	smov.u32 s24;
	s28 =	sadd.s32 $0x10, s24  }
0x51: {  	[tilespmem:s2], [sflag:$0x2] =	stream.linear.gather [hbm4b:s25+s2], $0x80, $0x38;
	[tilespmem:$0x4880] =	vst v63  }
0x52: {  	p0 =	sne.s32 s24, $0x2F0;
	_ =	swait.ge [sflag:s16], $0x80  }
0x53: {  	[sflag:s16] =	ssyncset.done $0x0  }
0x54: {  	[sflag:s16] =	ssyncadd.s32 $0xFFFFFF80  }
0x55: {  	[tilespmem:s17], [sflag:$0x1] =	stream.indirect.gather [hbm4b:s3+s17], $0x80, s2, s17, $0xb8;
	[tilespmem:$0x4880] =	vst v63  }
0x56: {  	_ =	swait.ge [sflag:s18], $0x4000  }
0x57: {  	[sflag:s18] =	ssyncset.done $0x0  }
0x58: {  	[sflag:s18] =	ssyncadd.s32 $0xFFFFC000  }
0x59: {  	[hbm4b:s23+s2] =	stream.linear.scatter [tilespmem:s17], [sflag:$0x2], $0x4000, $0x38;
	[tilespmem:$0x4880] =	vst v63  }
0x5a: {  	_ =	swait.ge [sflag:s16], $0x4000  }
0x5b: {  	[sflag:s16] =	ssyncset.done $0x0  }
0x5c: {  	s24 =	sadd.s32 s22, s13;
	s22 =	smov.u32 s26;
	[sflag:s16] =	ssyncadd.s32 $0xFFFFC000  }
0x5d: {  	[tilespmem:s2], [sflag:$0x2] =	stream.linear.gather [hbm4b:s24+s2], $0x80, $0x38;
	[tilespmem:$0x4880] =	vst v63  }
0x5e: {  	_ =	swait.ge [sflag:s16], $0x80  }
0x5f: {  	[sflag:s16] =	ssyncset.done $0x0  }
0x60: {  	[sflag:s16] =	ssyncadd.s32 $0xFFFFFF80  }
0x61: {  	[tilespmem:s19], [sflag:$0x1] =	stream.indirect.gather [hbm4b:s4+s17], $0x10, s2, s17, $0xb8;
	[tilespmem:$0x4880] =	vst v63  }
0x62: {  	_ =	swait.ge [sflag:s18], $0x800  }
.Ltmp0:
0x63: {  	[sflag:s18] =	ssyncset.done $0x0;
	(pc) =	sbr.rel @p0 .LBB2_2-.Ltmp0, $4  }
0x64: {  	[sflag:s18] =	ssyncadd.s32 $0xFFFFF800  }
0x65: {  	[hbm4b:s21+s2] =	stream.linear.scatter [tilespmem:s19], [sflag:$0x2], $0x800, $0x38;
	[tilespmem:$0x4880] =	vst v63  }
0x66: {  	s23 =	sadd.s32 $0x800, s23;
	_ =	swait.ge [sflag:s16], $0x800  }
0x67: {  	s24 =	smov.u32 s28;
	s21 =	sadd.s32 $0x100, s21;
	[sflag:s16] =	ssyncset.done $0x0  }
0x68: {  	s24 =	sadd.s32 s22, s14;
	[sflag:s16] =	ssyncadd.s32 $0xFFFFF800  }
0x69: {  	[tilespmem:s2], [sflag:$0x2] =	stream.linear.gather [hbm4b:s24+s2], $0x80, $0x38;
	[tilespmem:$0x4880] =	vst v63  }
0x6a: {  	_ =	swait.ge [sflag:s16], $0x80  }
0x6b: {  	[sflag:s16] =	ssyncset.done $0x0  }
0x6c: {  	[sflag:s16] =	ssyncadd.s32 $0xFFFFFF80  }
0x6d: {  	[tilespmem:s17], [sflag:$0x1] =	stream.indirect.gather [hbm4b:s3+s17], $0x80, s2, s17, $0xb8;
	[tilespmem:$0x4880] =	vst v63  }
0x6e: {  	_ =	swait.ge [sflag:s18], $0x4000  }
0x6f: {  	[sflag:s18] =	ssyncset.done $0x0  }
0x70: {  	[sflag:s18] =	ssyncadd.s32 $0xFFFFC000  }
0x71: {  	[hbm4b:s23+s2] =	stream.linear.scatter [tilespmem:s17], [sflag:$0x2], $0x4000, $0x38;
	[tilespmem:$0x4880] =	vst v63  }
0x72: {  	_ =	swait.ge [sflag:s16], $0x4000  }
0x73: {  	[sflag:s16] =	ssyncset.done $0x0  }
0x74: {  	s31 =	sadd.s32 s22, s13;
	[sflag:s16] =	ssyncadd.s32 $0xFFFFC000  }
0x75: {  	[tilespmem:s2], [sflag:$0x2] =	stream.linear.gather [hbm4b:s31+s2], $0x80, $0x38;
	[tilespmem:$0x4880] =	vst v63  }
0x76: {  	_ =	swait.ge [sflag:s16], $0x80  }
0x77: {  	[sflag:s16] =	ssyncset.done $0x0  }
0x78: {  	[sflag:s16] =	ssyncadd.s32 $0xFFFFFF80  }
0x79: {  	[tilespmem:s19], [sflag:$0x1] =	stream.indirect.gather [hbm4b:s4+s17], $0x10, s2, s17, $0xb8;
	[tilespmem:$0x4880] =	vst v63  }
0x7a: {  	s20 =	sadd.s32 $0x1, s20;
	_ =	swait.ge [sflag:s18], $0x800  }
0x7b: {  	p0 =	sne.s32 s20, s11;
	[sflag:s18] =	ssyncset.done $0x0  }
.Ltmp1:
0x7c: {  	[sflag:s18] =	ssyncadd.s32 $0xFFFFF800;
	(pc) =	sbr.rel @p0 .LBB2_1-.Ltmp1, $4  }
0x7d: {  	[hbm4b:s21+s2] =	stream.linear.scatter [tilespmem:s19], [sflag:$0x2], $0x800, $0x38;
	[tilespmem:$0x4880] =	vst v63  }
0x7e: {  	_ =	swait.ge [sflag:s16], $0x800  }
0x7f: {  	[sflag:s16] =	ssyncset.done $0x0  }
0x80: {  	[sflag:s16] =	ssyncadd.s32 $0xFFFFF800  }
0x81: {  	_ =	sfence.sel $0x180000  }
0x82: {  	[bflag:$0x0] =	sbarrier.arrive $0xFFFF  }
0x83: {  	p0 =	sne.s32 s1, $0x0;
	_ =	strace $0x90000050  }
0x84: {  	s0 =	sadd.s32 @!p0 $0x100000, s0;
	[bflag:$0x2] =	sbarrier.arrive $0xFFFF  }
0x85: {  	[sflag:s0] =	ssyncadd.tile.s32 @!p0 $0x1;
	_ =	shalt  }
.Lfunc_end2:
_tile_overlayer_lowered:
.L_overlay_start_2:
0x86: {  	(tag) =	ssettag $0x2  }
0x87: {  	s0 =	rddreg [dreg:$0x0];
	s2 =	stileid.u32  }
0x88: {  	s1 =	rddreg [dreg:$0x1];
	p0 =	sne.s32 s2, $0x0  }
0x89: {  	s3 =	rddreg [dreg:$0x2];
	[bflag:$0x3] =	sbarrier.arrive $0xFFFF;
	s2 =	simm.s32 @!p0 $0x1C02  }
0x8a: {  	[timem:s3], [sflag:s2] =	dma.local @!p0 [hbm:s0], s1  }
0x8b: {  	s0 =	simm.s32 @!p0 $0x2  }
0x8c: {  	_ =	swait.ge @!p0 [sflag:s0], s1  }
0x8d: {  	s1 =	ssub.s32 @!p0 $0x0, s1;
	[sflag:s0] =	ssyncset.done @!p0 $0x0  }
0x8e: {  	[sflag:s0] =	ssyncadd.s32 @!p0 s1  }
0x8f: {  	[bflag:$0x3] =	sbarrier.arrive $0xFFFF  }
0x90: {  	_ =	shalt  }

</sc_bundles>
